<compile_context>
chip_gen: v7x
topology: tpu7x:2x2x1
jax: 0.10.2.dev20260603
libtpu: 0.0.44.dev20260713+nightly
codegen_flags: <defaults>
</compile_context>

<pallas_src>
import functools

import jax
import jax.numpy as jnp
from jax import lax
from jax.experimental import pallas as pl
from jax.experimental.pallas import tpu as pltpu
from jax.experimental.pallas import tpu_sc as plsc

N = 100000
B = 10000
K = 33
DIN = 128
DOUT = 64
DE = 16
H = 4
ALPHA = 0.2

BP = 10240
NSPLIT = 1
BPS = BP // NSPLIT
NC, NS = 2, 16
NW = NC * NS
CH = 264

SB = 128


def _sc_gather_one(ids_flat, table, width, tc_tiling):
    rows = ids_flat.shape[0]
    RPW = rows // NW
    NCH = RPW // CH
    assert RPW % CH == 0 and NCH % 2 == 0
    mesh = plsc.VectorSubcoreMesh(core_axis_name="c", subcore_axis_name="s")

    @functools.partial(
        pl.kernel,
        mesh=mesh,
        compiler_params=pltpu.CompilerParams(use_tc_tiling_on_sc=tc_tiling),
        out_type=jax.ShapeDtypeStruct((rows, width), jnp.float32),
        scratch_types=[
            pltpu.VMEM((RPW,), jnp.int32),
            pltpu.VMEM((CH, width), jnp.float32),
            pltpu.VMEM((CH, width), jnp.float32),
            pltpu.SemaphoreType.DMA,
            pltpu.SemaphoreType.DMA,
        ],
    )
    def gather_kernel(ids_hbm, table_hbm, x_out, idx_v, x0, x1, sx0, sx1):
        wid = lax.axis_index("s") * NC + lax.axis_index("c")
        base = wid * RPW
        pltpu.sync_copy(ids_hbm.at[pl.ds(base, RPW)], idx_v)

        xbuf = (x0, x1)
        sx = (sx0, sx1)

        def start(c, b):
            isl = idx_v.at[pl.ds(pl.multiple_of(c * CH, CH), CH)]
            pltpu.async_copy(table_hbm.at[isl], xbuf[b], sx[b])

        def finish(c, b):
            pltpu.make_async_copy(table_hbm.at[pl.ds(0, CH)], xbuf[b], sx[b]).wait()
            off = pl.multiple_of(base + c * CH, CH)
            pltpu.sync_copy(xbuf[b], x_out.at[pl.ds(off, CH)])

        start(0, 0)
        start(1, 1)

        def body(p, carry):
            c = p * 2
            finish(c, 0)

            @pl.when(p < NCH // 2 - 1)
            def _():
                start(c + 2, 0)

            finish(c + 1, 1)

            @pl.when(p < NCH // 2 - 1)
            def _():
                start(c + 3, 1)

            return carry

        lax.fori_loop(0, NCH // 2, body, 0)

    return gather_kernel(ids_flat, table)


def _tc_body(x_ref, e_ref, Wp_ref, asp_ref, adp_ref, aep_ref,
             Wn_ref, asn_ref, adn_ref, aen_ref, out_ref, ee_ref,
             us_ref, ud_ref, ae_ref):
    Wp = Wp_ref[...]
    Wn = Wn_ref[...]

    @pl.when(pl.program_id(0) == 0)
    def _():
        asp = asp_ref[...]
        adp = adp_ref[...]
        aep = aep_ref[...]
        asn = asn_ref[...]
        adn = adn_ref[...]
        aen = aen_ref[...]
        us_ref[...] = jnp.stack([jnp.dot(Wp[h], asp[h]) for h in range(H)]
                                + [jnp.dot(Wn[h], asn[h]) for h in range(H)],
                                axis=-1)
        ud_ref[...] = jnp.stack([jnp.dot(Wp[h], adp[h]) for h in range(H)]
                                + [jnp.dot(Wn[h], adn[h]) for h in range(H)],
                                axis=-1)
        ae_ref[...] = jnp.stack([aep[h] for h in range(H)]
                                + [aen[h] for h in range(H)], axis=-1)

    Us = us_ref[...]
    Ud = ud_ref[...]
    Ae = ae_ref[...]

    x = x_ref
    e = e_ref

    dn0 = (((0,), (0,)), ((), ()))
    dn1 = (((0,), (1,)), ((), ()))
    eyeb = (lax.broadcasted_iota(jnp.int32, (SB, SB), 0) ==
            lax.broadcasted_iota(jnp.int32, (SB, SB), 1)).astype(jnp.float32)
    xT = [lax.dot_general(x[k], eyeb, dn0, preferred_element_type=jnp.float32)
          for k in range(K)]

    D = lax.dot_general(Ud, xT[16], dn0,
                        preferred_element_type=jnp.float32)
    Ls = []
    for k in range(K):
        Sk = lax.dot_general(Us, xT[k], dn0,
                             preferred_element_type=jnp.float32)
        Ek = lax.dot_general(Ae, e[k], dn1,
                             preferred_element_type=jnp.float32)
        Lk = Sk + Ek + D
        Ls.append(jnp.where(Lk >= 0, Lk, ALPHA * Lk))

    mp = Ls[0]
    for k in range(1, 17):
        mp = jnp.maximum(mp, Ls[k])
    mn = Ls[17]
    for k in range(18, K):
        mn = jnp.maximum(mn, Ls[k])

    wps = [jnp.exp(Ls[k] - mp) for k in range(17)]
    wns = [jnp.exp(Ls[17 + k] - mn) for k in range(16)]
    Zp = wps[0]
    for t in wps[1:]:
        Zp = Zp + t
    Zn = wns[0]
    for t in wns[1:]:
        Zn = Zn + t
    rp = 1.0 / Zp
    rn = 1.0 / Zn

    accp = [None] * H
    accn = [None] * H
    for h0 in (0, 2):
        a0 = jnp.zeros((DIN, SB), jnp.float32)
        a1 = jnp.zeros((DIN, SB), jnp.float32)
        for k in range(17):
            xk = xT[k]
            a0 = a0 + wps[k][h0:h0 + 1, :] * xk
            a1 = a1 + wps[k][h0 + 1:h0 + 2, :] * xk
        accp[h0] = a0 * rp[h0:h0 + 1, :]
        accp[h0 + 1] = a1 * rp[h0 + 1:h0 + 2, :]
        b0 = jnp.zeros((DIN, SB), jnp.float32)
        b1 = jnp.zeros((DIN, SB), jnp.float32)
        for k in range(16):
            xk = xT[17 + k]
            b0 = b0 + wns[k][H + h0:H + h0 + 1, :] * xk
            b1 = b1 + wns[k][H + h0 + 1:H + h0 + 2, :] * xk
        accn[h0] = b0 * rn[H + h0:H + h0 + 1, :]
        accn[h0 + 1] = b1 * rn[H + h0 + 1:H + h0 + 2, :]

    acc = lax.dot_general(accp[0], Wp[0], dn0, preferred_element_type=jnp.float32)
    for h in range(1, H):
        acc = acc + lax.dot_general(accp[h], Wp[h], dn0,
                                    preferred_element_type=jnp.float32)
    for h in range(H):
        acc = acc + lax.dot_general(accn[h], Wn[h], dn0,
                                    preferred_element_type=jnp.float32)
    out_ref[...] = jnp.maximum(acc * (1.0 / H), 0.0)
    ee_ref[...] = e_ref[16]


def _tc_dense(x3, e3, W_pos, a_src_pos, a_dst_pos, a_e_pos,
              W_neg, a_src_neg, a_dst_neg, a_e_neg):
    bp = x3.shape[1]
    full = lambda shape: pl.BlockSpec(shape, lambda i: tuple(0 for _ in shape))
    return pl.pallas_call(
        _tc_body,
        grid=(bp // SB,),
        in_specs=[
            pl.BlockSpec((K, SB, DIN), lambda i: (0, i, 0)),
            pl.BlockSpec((K, SB, DE), lambda i: (0, i, 0)),
            full((H, DIN, DOUT)), full((H, DOUT)), full((H, DOUT)), full((H, DE)),
            full((H, DIN, DOUT)), full((H, DOUT)), full((H, DOUT)), full((H, DE)),
        ],
        out_specs=[
            pl.BlockSpec((SB, DOUT), lambda i: (i, 0)),
            pl.BlockSpec((SB, DE), lambda i: (i, 0)),
        ],
        out_shape=(
            jax.ShapeDtypeStruct((bp, DOUT), jnp.float32),
            jax.ShapeDtypeStruct((bp, DE), jnp.float32),
        ),
        scratch_shapes=[
            pltpu.VMEM((DIN, 2 * H), jnp.float32),
            pltpu.VMEM((DIN, 2 * H), jnp.float32),
            pltpu.VMEM((DE, 2 * H), jnp.float32),
        ],
    )(x3, e3, W_pos, a_src_pos, a_dst_pos, a_e_pos,
      W_neg, a_src_neg, a_dst_neg, a_e_neg)


def kernel(nodes, neighs_pos, neighs_neg, node_table, edge_table,
           W_pos, a_src_pos, a_dst_pos, a_e_pos,
           W_neg, a_src_neg, a_dst_neg, a_e_neg):
    ids = jnp.concatenate([
        neighs_pos.T.astype(jnp.int32),
        nodes[None, :].astype(jnp.int32),
        neighs_neg.T.astype(jnp.int32),
    ], axis=0)
    ids = jnp.pad(ids, ((0, 0), (0, BP - B)))
    hs, ees = [], []
    for s in range(NSPLIT):
        ids_s = ids[:, s * BPS:(s + 1) * BPS].reshape(-1)
        x_flat = _sc_gather_one(ids_s, node_table, DIN, True)
        e_flat = _sc_gather_one(ids_s, edge_table, DE, False)
        x3 = x_flat.reshape(K, BPS, DIN)
        e3 = e_flat.reshape(K, BPS, DE)
        h_s, ee_s = _tc_dense(x3, e3, W_pos, a_src_pos, a_dst_pos, a_e_pos,
                              W_neg, a_src_neg, a_dst_neg, a_e_neg)
        hs.append(h_s)
        ees.append(ee_s)
    h_full = hs[0] if NSPLIT == 1 else jnp.concatenate(hs, axis=0)
    ee_full = ees[0] if NSPLIT == 1 else jnp.concatenate(ees, axis=0)
    return h_full[:B], ee_full[:B]

# --- scband reference (transcript-rebuilt; emitter-appended) ---
"""Pipeline reference for scband-non-first-layer-aggregator-55362128445577 (READ-ONLY COPY).

The authoritative reference and input builder live on the scoring server;
editing this copy changes nothing except your own understanding.
"""

import jax, jax.numpy as jnp
import numpy as np

N = 100000   # total nodes in embedding tables
B = 10000    # seed nodes per batch
KP = 16      # positive neighbors per seed
KN = 16      # negative neighbors per seed
DIN = 128    # in_feat_dim
DOUT = 64    # out_feat_dim
DE = 16      # edge-embedding dim
H = 4        # nheads
ALPHA = 0.2  # leaky relu slope


def setup_inputs(seed: int = 0) -> dict:
    key = jax.random.key(seed)
    ks = jax.random.split(key, 13)
    nodes = jax.random.randint(ks[0], (B,), 0, N)
    neighs_pos = jax.random.randint(ks[1], (B, KP), 0, N)
    neighs_neg = jax.random.randint(ks[2], (B, KN), 0, N)
    node_table = jax.random.normal(ks[3], (N, DIN), jnp.float32) * 0.1
    edge_table = jax.random.normal(ks[4], (N, DE), jnp.float32) * 0.1
    W_pos = jax.random.normal(ks[5], (H, DIN, DOUT), jnp.float32) * 0.05
    a_src_pos = jax.random.normal(ks[6], (H, DOUT), jnp.float32) * 0.05
    a_dst_pos = jax.random.normal(ks[7], (H, DOUT), jnp.float32) * 0.05
    a_e_pos = jax.random.normal(ks[8], (H, DE), jnp.float32) * 0.05
    W_neg = jax.random.normal(ks[9], (H, DIN, DOUT), jnp.float32) * 0.05
    a_src_neg = jax.random.normal(ks[10], (H, DOUT), jnp.float32) * 0.05
    a_dst_neg = jax.random.normal(ks[11], (H, DOUT), jnp.float32) * 0.05
    a_e_neg = jax.random.normal(ks[12], (H, DE), jnp.float32) * 0.05
    return {
        'nodes': nodes, 'neighs_pos': neighs_pos, 'neighs_neg': neighs_neg,
        'node_table': node_table, 'edge_table': edge_table,
        'W_pos': W_pos, 'a_src_pos': a_src_pos, 'a_dst_pos': a_dst_pos, 'a_e_pos': a_e_pos,
        'W_neg': W_neg, 'a_src_neg': a_src_neg, 'a_dst_neg': a_dst_neg, 'a_e_neg': a_e_neg,
    }


def _attn_agg(node_table, edge_table, src_ids, dst_ids, W, a_src, a_dst, a_e):
    # sparse GAT-style attention over a fixed neighbor axis (one head)
    h_src = jnp.take(node_table, src_ids, axis=0) @ W            # [B, K, DOUT]
    h_dst = jnp.take(node_table, dst_ids, axis=0) @ W            # [B, DOUT]
    e_src = jnp.take(edge_table, src_ids, axis=0)                # [B, K, DE]
    logits = jax.nn.leaky_relu(
        h_src @ a_src + (h_dst @ a_dst)[:, None] + e_src @ a_e,
        negative_slope=ALPHA)                                     # [B, K]
    att = jax.nn.softmax(logits, axis=1)                          # softmax over neighbors
    return jnp.sum(att[..., None] * h_src, axis=1)                # [B, DOUT]


def reference(nodes, neighs_pos, neighs_neg, node_table, edge_table,
              W_pos, a_src_pos, a_dst_pos, a_e_pos,
              W_neg, a_src_neg, a_dst_neg, a_e_neg):
    # adj_pos2 = pos edges + self loops (as in the torch module)
    pos_ids = jnp.concatenate([neighs_pos, nodes[:, None]], axis=1)  # [B, KP+1]
    acc = jnp.zeros((nodes.shape[0], DOUT), jnp.float32)
    for h in range(H):
        out_pos = _attn_agg(node_table, edge_table, pos_ids, nodes,
                            W_pos[h], a_src_pos[h], a_dst_pos[h], a_e_pos[h])
        out_neg = _attn_agg(node_table, edge_table, neighs_neg, nodes,
                            W_neg[h], a_src_neg[h], a_dst_neg[h], a_e_neg[h])
        acc = acc + (out_pos + out_neg)
    h_hidden = jax.nn.relu(acc / H)
    edge_embedding = jnp.take(edge_table, nodes, axis=0)
    return (h_hidden, edge_embedding)

if __name__ == "__main__":
    import jax
    _d = setup_inputs()
    print(jax.jit(kernel)(*tuple(_d.values())))

</pallas_src>

<mosaic_0001>
#map = affine_map<(d0, d1) -> (0)>
#map1 = affine_map<(d0, d1) -> (0, 0)>
module attributes {stable_mosaic.version = 14 : i64} {
  func.func @gather_kernel(%arg0: i32, %arg1: i32, %arg2: memref<337920xi32, #tpu.memory_space<hbm>>, %arg3: memref<100000x16xf32, #tpu.memory_space<hbm>>, %arg4: memref<337920x16xf32, #tpu.memory_space<hbm>>, %arg5: memref<10560xi32, #tpu.memory_space<vmem>>, %arg6: memref<264x16xf32, #tpu.memory_space<vmem>>, %arg7: memref<264x16xf32, #tpu.memory_space<vmem>>, %arg8: memref<!tpu.dma_semaphore, #tpu.memory_space<semaphore_mem>>, %arg9: memref<!tpu.dma_semaphore, #tpu.memory_space<semaphore_mem>>) attributes {dimension_semantics = [#tpu.dimension_semantics<core_parallel>, #tpu.dimension_semantics<subcore_parallel>], iteration_bounds = array<i64: 2, 16>, scalar_prefetch = 0 : i64, scratch_operands = 5 : i64, tpu.core_type = #tpu.core_type<sc_vector_subcore>, window_params = [{transform_indices = #map}, {transform_indices = #map1}, {transform_indices = #map1}]} {
    %mul3A = arith.constant 2 : i32
    %mul3A_0 = arith.muli %arg1, %mul3A : i32
    %add3A = arith.addi %mul3A_0, %arg0 : i32
    %mul3A_1 = arith.constant 10560 : i32
    %mul3A_2 = arith.muli %add3A, %mul3A_1 : i32
    "tpu.region"() ({
      %run_scoped3A = tpu.sem_alloc : memref<!tpu.dma_semaphore, #tpu.memory_space<semaphore_mem>>
      %dma_start3A_18 = tpu.memref_slice %arg2[%mul3A_2] : memref<337920xi32, #tpu.memory_space<hbm>> -> memref<10560xi32, #tpu.memory_space<hbm>>
      %dma_start3A_19 = tpu.memref_slice %arg2[%mul3A_2] : memref<337920xi32, #tpu.memory_space<hbm>> -> memref<10560xi32, #tpu.memory_space<hbm>>
      tpu.enqueue_dma source(%dma_start3A_19 : memref<10560xi32, #tpu.memory_space<hbm>>) target(%arg5 : memref<10560xi32, #tpu.memory_space<vmem>>) target_semaphore(%run_scoped3A : memref<!tpu.dma_semaphore, #tpu.memory_space<semaphore_mem>>)
      %dma_wait3A = tpu.memref_slice %arg2[%mul3A_2] : memref<337920xi32, #tpu.memory_space<hbm>> -> memref<10560xi32, #tpu.memory_space<hbm>>
      %dma_wait3A_20 = tpu.memref_slice %arg2[%mul3A_2] : memref<337920xi32, #tpu.memory_space<hbm>> -> memref<10560xi32, #tpu.memory_space<hbm>>
      tpu.wait_dma2 semaphore(%run_scoped3A : memref<!tpu.dma_semaphore, #tpu.memory_space<semaphore_mem>>) src(%dma_wait3A_20 : memref<10560xi32, #tpu.memory_space<hbm>>) dst(%arg5 : memref<10560xi32, #tpu.memory_space<vmem>>)
      tpu.yield
    }) : () -> ()
    %multiple_of3A = arith.constant 0 : i32
    %multiple_of3A_3 = tpu.assume_multiple %multiple_of3A, 264 : i32
    %dma_start3A = tpu.memref_slice %arg5[%multiple_of3A_3] : memref<10560xi32, #tpu.memory_space<vmem>> -> memref<264xi32, #tpu.memory_space<vmem>>
    %dma_start3A_4 = arith.constant 0 : i32
    %dma_start3A_5 = arith.constant 0 : i32
    %dma_start3A_6 = tpu.memref_slice %arg3[%dma_start3A_4, %dma_start3A_5] : memref<100000x16xf32, #tpu.memory_space<hbm>> -> memref<100000x16xf32, #tpu.memory_space<hbm>>
    tpu.enqueue_indirect_dma source(%dma_start3A_6 : memref<100000x16xf32, #tpu.memory_space<hbm>>) target(%arg6 : memref<264x16xf32, #tpu.memory_space<vmem>>) offsets(%dma_start3A : memref<264xi32, #tpu.memory_space<vmem>>) semaphore(%arg8 : memref<!tpu.dma_semaphore, #tpu.memory_space<semaphore_mem>>)
    %multiple_of3A_7 = arith.constant 264 : i32
    %multiple_of3A_8 = tpu.assume_multiple %multiple_of3A_7, 264 : i32
    %dma_start3A_9 = tpu.memref_slice %arg5[%multiple_of3A_8] : memref<10560xi32, #tpu.memory_space<vmem>> -> memref<264xi32, #tpu.memory_space<vmem>>
    %dma_start3A_10 = arith.constant 0 : i32
    %dma_start3A_11 = arith.constant 0 : i32
    %dma_start3A_12 = tpu.memref_slice %arg3[%dma_start3A_10, %dma_start3A_11] : memref<100000x16xf32, #tpu.memory_space<hbm>> -> memref<100000x16xf32, #tpu.memory_space<hbm>>
    tpu.enqueue_indirect_dma source(%dma_start3A_12 : memref<100000x16xf32, #tpu.memory_space<hbm>>) target(%arg7 : memref<264x16xf32, #tpu.memory_space<vmem>>) offsets(%dma_start3A_9 : memref<264xi32, #tpu.memory_space<vmem>>) semaphore(%arg9 : memref<!tpu.dma_semaphore, #tpu.memory_space<semaphore_mem>>)
    %scan3A = arith.constant 0 : i32
    %scan3A_13 = arith.constant 0 : i32
    %scan3A_14 = arith.constant 20 : i32
    %scan3A_15 = arith.addi %scan3A_13, %scan3A_14 : i32
    %scan3A_16 = arith.constant 1 : i32
    scf.for %scan3A_18 = %scan3A_13 to %scan3A_15 step %scan3A_16  : i32 {
      %mul3A_19 = arith.constant 2 : i32
      %mul3A_20 = arith.muli %scan3A_18, %mul3A_19 : i32
      %dma_wait3A = arith.constant 0 : i32
      %dma_wait3A_21 = arith.constant 0 : i32
      %dma_wait3A_22 = tpu.memref_slice %arg3[%dma_wait3A, %dma_wait3A_21] : memref<100000x16xf32, #tpu.memory_space<hbm>> -> memref<264x16xf32, #tpu.memory_space<hbm>>
      %dma_wait3A_23 = arith.constant 0 : i32
      %dma_wait3A_24 = arith.constant 0 : i32
      %dma_wait3A_25 = tpu.memref_slice %arg3[%dma_wait3A_23, %dma_wait3A_24] : memref<100000x16xf32, #tpu.memory_space<hbm>> -> memref<264x16xf32, #tpu.memory_space<hbm>>
      tpu.wait_dma2 semaphore(%arg8 : memref<!tpu.dma_semaphore, #tpu.memory_space<semaphore_mem>>) src(%dma_wait3A_25 : memref<264x16xf32, #tpu.memory_space<hbm>>) dst(%arg6 : memref<264x16xf32, #tpu.memory_space<vmem>>)
      %mul3A_26 = arith.constant 264 : i32
      %mul3A_27 = arith.muli %mul3A_20, %mul3A_26 : i32
      %add3A_28 = arith.addi %mul3A_2, %mul3A_27 : i32
      %multiple_of3A_29 = tpu.assume_multiple %add3A_28, 264 : i32
      "tpu.region"() ({
        %run_scoped3A = tpu.sem_alloc : memref<!tpu.dma_semaphore, #tpu.memory_space<semaphore_mem>>
        %dma_start3A_49 = arith.constant 0 : i32
        %dma_start3A_50 = tpu.memref_slice %arg4[%multiple_of3A_29, %dma_start3A_49] : memref<337920x16xf32, #tpu.memory_space<hbm>> -> memref<264x16xf32, #tpu.memory_space<hbm>>
        %dma_start3A_51 = arith.constant 0 : i32
        %dma_start3A_52 = tpu.memref_slice %arg4[%multiple_of3A_29, %dma_start3A_51] : memref<337920x16xf32, #tpu.memory_space<hbm>> -> memref<264x16xf32, #tpu.memory_space<hbm>>
        tpu.enqueue_dma source(%arg6 : memref<264x16xf32, #tpu.memory_space<vmem>>) target(%dma_start3A_52 : memref<264x16xf32, #tpu.memory_space<hbm>>) target_semaphore(%run_scoped3A : memref<!tpu.dma_semaphore, #tpu.memory_space<semaphore_mem>>)
        %dma_wait3A_53 = arith.constant 0 : i32
        %dma_wait3A_54 = tpu.memref_slice %arg4[%multiple_of3A_29, %dma_wait3A_53] : memref<337920x16xf32, #tpu.memory_space<hbm>> -> memref<264x16xf32, #tpu.memory_space<hbm>>
        %dma_wait3A_55 = arith.constant 0 : i32
        %dma_wait3A_56 = tpu.memref_slice %arg4[%multiple_of3A_29, %dma_wait3A_55] : memref<337920x16xf32, #tpu.memory_space<hbm>> -> memref<264x16xf32, #tpu.memory_space<hbm>>
        tpu.wait_dma2 semaphore(%run_scoped3A : memref<!tpu.dma_semaphore, #tpu.memory_space<semaphore_mem>>) src(%arg6 : memref<264x16xf32, #tpu.memory_space<vmem>>) dst(%dma_wait3A_56 : memref<264x16xf32, #tpu.memory_space<hbm>>)
        tpu.yield
      }) : () -> ()
      %lt3A = arith.constant 19 : i32
      %lt3A_30 = arith.cmpi slt, %scan3A_18, %lt3A : i32
      %convert_element_type3A = arith.extui %lt3A_30 : i1 to i32
      %cond3A = arith.constant 0 : i32
      %cond3A_31 = arith.cmpi ne, %convert_element_type3A, %cond3A : i32
      scf.if %cond3A_31 {
        %add3A_49 = arith.constant 2 : i32
        %add3A_50 = arith.addi %mul3A_20, %add3A_49 : i32
        %mul3A_51 = arith.constant 264 : i32
        %mul3A_52 = arith.muli %add3A_50, %mul3A_51 : i32
        %multiple_of3A_53 = tpu.assume_multiple %mul3A_52, 264 : i32
        %dma_start3A_54 = tpu.memref_slice %arg5[%multiple_of3A_53] : memref<10560xi32, #tpu.memory_space<vmem>> -> memref<264xi32, #tpu.memory_space<vmem>>
        %dma_start3A_55 = arith.constant 0 : i32
        %dma_start3A_56 = arith.constant 0 : i32
        %dma_start3A_57 = tpu.memref_slice %arg3[%dma_start3A_55, %dma_start3A_56] : memref<100000x16xf32, #tpu.memory_space<hbm>> -> memref<100000x16xf32, #tpu.memory_space<hbm>>
        tpu.enqueue_indirect_dma source(%dma_start3A_57 : memref<100000x16xf32, #tpu.memory_space<hbm>>) target(%arg6 : memref<264x16xf32, #tpu.memory_space<vmem>>) offsets(%dma_start3A_54 : memref<264xi32, #tpu.memory_space<vmem>>) semaphore(%arg8 : memref<!tpu.dma_semaphore, #tpu.memory_space<semaphore_mem>>)
      } else {
      }
      %add3A_32 = arith.constant 1 : i32
      %add3A_33 = arith.addi %mul3A_20, %add3A_32 : i32
      %dma_wait3A_34 = arith.constant 0 : i32
      %dma_wait3A_35 = arith.constant 0 : i32
      %dma_wait3A_36 = tpu.memref_slice %arg3[%dma_wait3A_34, %dma_wait3A_35] : memref<100000x16xf32, #tpu.memory_space<hbm>> -> memref<264x16xf32, #tpu.memory_space<hbm>>
      %dma_wait3A_37 = arith.constant 0 : i32
      %dma_wait3A_38 = arith.constant 0 : i32
      %dma_wait3A_39 = tpu.memref_slice %arg3[%dma_wait3A_37, %dma_wait3A_38] : memref<100000x16xf32, #tpu.memory_space<hbm>> -> memref<264x16xf32, #tpu.memory_space<hbm>>
      tpu.wait_dma2 semaphore(%arg9 : memref<!tpu.dma_semaphore, #tpu.memory_space<semaphore_mem>>) src(%dma_wait3A_39 : memref<264x16xf32, #tpu.memory_space<hbm>>) dst(%arg7 : memref<264x16xf32, #tpu.memory_space<vmem>>)
      %mul3A_40 = arith.constant 264 : i32
      %mul3A_41 = arith.muli %add3A_33, %mul3A_40 : i32
      %add3A_42 = arith.addi %mul3A_2, %mul3A_41 : i32
      %multiple_of3A_43 = tpu.assume_multiple %add3A_42, 264 : i32
      "tpu.region"() ({
        %run_scoped3A = tpu.sem_alloc : memref<!tpu.dma_semaphore, #tpu.memory_space<semaphore_mem>>
        %dma_start3A_49 = arith.constant 0 : i32
        %dma_start3A_50 = tpu.memref_slice %arg4[%multiple_of3A_43, %dma_start3A_49] : memref<337920x16xf32, #tpu.memory_space<hbm>> -> memref<264x16xf32, #tpu.memory_space<hbm>>
        %dma_start3A_51 = arith.constant 0 : i32
        %dma_start3A_52 = tpu.memref_slice %arg4[%multiple_of3A_43, %dma_start3A_51] : memref<337920x16xf32, #tpu.memory_space<hbm>> -> memref<264x16xf32, #tpu.memory_space<hbm>>
        tpu.enqueue_dma source(%arg7 : memref<264x16xf32, #tpu.memory_space<vmem>>) target(%dma_start3A_52 : memref<264x16xf32, #tpu.memory_space<hbm>>) target_semaphore(%run_scoped3A : memref<!tpu.dma_semaphore, #tpu.memory_space<semaphore_mem>>)
        %dma_wait3A_53 = arith.constant 0 : i32
        %dma_wait3A_54 = tpu.memref_slice %arg4[%multiple_of3A_43, %dma_wait3A_53] : memref<337920x16xf32, #tpu.memory_space<hbm>> -> memref<264x16xf32, #tpu.memory_space<hbm>>
        %dma_wait3A_55 = arith.constant 0 : i32
        %dma_wait3A_56 = tpu.memref_slice %arg4[%multiple_of3A_43, %dma_wait3A_55] : memref<337920x16xf32, #tpu.memory_space<hbm>> -> memref<264x16xf32, #tpu.memory_space<hbm>>
        tpu.wait_dma2 semaphore(%run_scoped3A : memref<!tpu.dma_semaphore, #tpu.memory_space<semaphore_mem>>) src(%arg7 : memref<264x16xf32, #tpu.memory_space<vmem>>) dst(%dma_wait3A_56 : memref<264x16xf32, #tpu.memory_space<hbm>>)
        tpu.yield
      }) : () -> ()
      %lt3A_44 = arith.constant 19 : i32
      %lt3A_45 = arith.cmpi slt, %scan3A_18, %lt3A_44 : i32
      %convert_element_type3A_46 = arith.extui %lt3A_45 : i1 to i32
      %cond3A_47 = arith.constant 0 : i32
      %cond3A_48 = arith.cmpi ne, %convert_element_type3A_46, %cond3A_47 : i32
      scf.if %cond3A_48 {
        %add3A_49 = arith.constant 3 : i32
        %add3A_50 = arith.addi %mul3A_20, %add3A_49 : i32
        %mul3A_51 = arith.constant 264 : i32
        %mul3A_52 = arith.muli %add3A_50, %mul3A_51 : i32
        %multiple_of3A_53 = tpu.assume_multiple %mul3A_52, 264 : i32
        %dma_start3A_54 = tpu.memref_slice %arg5[%multiple_of3A_53] : memref<10560xi32, #tpu.memory_space<vmem>> -> memref<264xi32, #tpu.memory_space<vmem>>
        %dma_start3A_55 = arith.constant 0 : i32
        %dma_start3A_56 = arith.constant 0 : i32
        %dma_start3A_57 = tpu.memref_slice %arg3[%dma_start3A_55, %dma_start3A_56] : memref<100000x16xf32, #tpu.memory_space<hbm>> -> memref<100000x16xf32, #tpu.memory_space<hbm>>
        tpu.enqueue_indirect_dma source(%dma_start3A_57 : memref<100000x16xf32, #tpu.memory_space<hbm>>) target(%arg7 : memref<264x16xf32, #tpu.memory_space<vmem>>) offsets(%dma_start3A_54 : memref<264xi32, #tpu.memory_space<vmem>>) semaphore(%arg9 : memref<!tpu.dma_semaphore, #tpu.memory_space<semaphore_mem>>)
      } else {
      }
    }
    %scan3A_17 = arith.constant 20 : i32
    return
  }
}

#map = affine_map<(d0, d1) -> (0)>
#map1 = affine_map<(d0, d1) -> (0, 0)>
module attributes {stable_mosaic.version = 14 : i64} {
  func.func @gather_kernel(%arg0: i32, %arg1: i32, %arg2: memref<337920xi32, #tpu.memory_space<hbm>>, %arg3: memref<100000x128xf32, #tpu.memory_space<hbm>>, %arg4: memref<337920x128xf32, #tpu.memory_space<hbm>>, %arg5: memref<10560xi32, #tpu.memory_space<vmem>>, %arg6: memref<264x128xf32, #tpu.memory_space<vmem>>, %arg7: memref<264x128xf32, #tpu.memory_space<vmem>>, %arg8: memref<!tpu.dma_semaphore, #tpu.memory_space<semaphore_mem>>, %arg9: memref<!tpu.dma_semaphore, #tpu.memory_space<semaphore_mem>>) attributes {dimension_semantics = [#tpu.dimension_semantics<core_parallel>, #tpu.dimension_semantics<subcore_parallel>], iteration_bounds = array<i64: 2, 16>, scalar_prefetch = 0 : i64, scratch_operands = 5 : i64, tpu.core_type = #tpu.core_type<sc_vector_subcore>, window_params = [{transform_indices = #map}, {transform_indices = #map1}, {transform_indices = #map1}]} {
    %mul3A = arith.constant 2 : i32
    %mul3A_0 = arith.muli %arg1, %mul3A : i32
    %add3A = arith.addi %mul3A_0, %arg0 : i32
    %mul3A_1 = arith.constant 10560 : i32
    %mul3A_2 = arith.muli %add3A, %mul3A_1 : i32
    "tpu.region"() ({
      %run_scoped3A = tpu.sem_alloc : memref<!tpu.dma_semaphore, #tpu.memory_space<semaphore_mem>>
      %dma_start3A_18 = tpu.memref_slice %arg2[%mul3A_2] : memref<337920xi32, #tpu.memory_space<hbm>> -> memref<10560xi32, #tpu.memory_space<hbm>>
      %dma_start3A_19 = tpu.memref_slice %arg2[%mul3A_2] : memref<337920xi32, #tpu.memory_space<hbm>> -> memref<10560xi32, #tpu.memory_space<hbm>>
      tpu.enqueue_dma source(%dma_start3A_19 : memref<10560xi32, #tpu.memory_space<hbm>>) target(%arg5 : memref<10560xi32, #tpu.memory_space<vmem>>) target_semaphore(%run_scoped3A : memref<!tpu.dma_semaphore, #tpu.memory_space<semaphore_mem>>)
      %dma_wait3A = tpu.memref_slice %arg2[%mul3A_2] : memref<337920xi32, #tpu.memory_space<hbm>> -> memref<10560xi32, #tpu.memory_space<hbm>>
      %dma_wait3A_20 = tpu.memref_slice %arg2[%mul3A_2] : memref<337920xi32, #tpu.memory_space<hbm>> -> memref<10560xi32, #tpu.memory_space<hbm>>
      tpu.wait_dma2 semaphore(%run_scoped3A : memref<!tpu.dma_semaphore, #tpu.memory_space<semaphore_mem>>) src(%dma_wait3A_20 : memref<10560xi32, #tpu.memory_space<hbm>>) dst(%arg5 : memref<10560xi32, #tpu.memory_space<vmem>>)
      tpu.yield
    }) : () -> ()
    %multiple_of3A = arith.constant 0 : i32
    %multiple_of3A_3 = tpu.assume_multiple %multiple_of3A, 264 : i32
    %dma_start3A = tpu.memref_slice %arg5[%multiple_of3A_3] : memref<10560xi32, #tpu.memory_space<vmem>> -> memref<264xi32, #tpu.memory_space<vmem>>
    %dma_start3A_4 = arith.constant 0 : i32
    %dma_start3A_5 = arith.constant 0 : i32
    %dma_start3A_6 = tpu.memref_slice %arg3[%dma_start3A_4, %dma_start3A_5] : memref<100000x128xf32, #tpu.memory_space<hbm>> -> memref<100000x128xf32, #tpu.memory_space<hbm>>
    tpu.enqueue_indirect_dma source(%dma_start3A_6 : memref<100000x128xf32, #tpu.memory_space<hbm>>) target(%arg6 : memref<264x128xf32, #tpu.memory_space<vmem>>) offsets(%dma_start3A : memref<264xi32, #tpu.memory_space<vmem>>) semaphore(%arg8 : memref<!tpu.dma_semaphore, #tpu.memory_space<semaphore_mem>>)
    %multiple_of3A_7 = arith.constant 264 : i32
    %multiple_of3A_8 = tpu.assume_multiple %multiple_of3A_7, 264 : i32
    %dma_start3A_9 = tpu.memref_slice %arg5[%multiple_of3A_8] : memref<10560xi32, #tpu.memory_space<vmem>> -> memref<264xi32, #tpu.memory_space<vmem>>
    %dma_start3A_10 = arith.constant 0 : i32
    %dma_start3A_11 = arith.constant 0 : i32
    %dma_start3A_12 = tpu.memref_slice %arg3[%dma_start3A_10, %dma_start3A_11] : memref<100000x128xf32, #tpu.memory_space<hbm>> -> memref<100000x128xf32, #tpu.memory_space<hbm>>
    tpu.enqueue_indirect_dma source(%dma_start3A_12 : memref<100000x128xf32, #tpu.memory_space<hbm>>) target(%arg7 : memref<264x128xf32, #tpu.memory_space<vmem>>) offsets(%dma_start3A_9 : memref<264xi32, #tpu.memory_space<vmem>>) semaphore(%arg9 : memref<!tpu.dma_semaphore, #tpu.memory_space<semaphore_mem>>)
    %scan3A = arith.constant 0 : i32
    %scan3A_13 = arith.constant 0 : i32
    %scan3A_14 = arith.constant 20 : i32
    %scan3A_15 = arith.addi %scan3A_13, %scan3A_14 : i32
    %scan3A_16 = arith.constant 1 : i32
    scf.for %scan3A_18 = %scan3A_13 to %scan3A_15 step %scan3A_16  : i32 {
      %mul3A_19 = arith.constant 2 : i32
      %mul3A_20 = arith.muli %scan3A_18, %mul3A_19 : i32
      %dma_wait3A = arith.constant 0 : i32
      %dma_wait3A_21 = arith.constant 0 : i32
      %dma_wait3A_22 = tpu.memref_slice %arg3[%dma_wait3A, %dma_wait3A_21] : memref<100000x128xf32, #tpu.memory_space<hbm>> -> memref<264x128xf32, #tpu.memory_space<hbm>>
      %dma_wait3A_23 = arith.constant 0 : i32
      %dma_wait3A_24 = arith.constant 0 : i32
      %dma_wait3A_25 = tpu.memref_slice %arg3[%dma_wait3A_23, %dma_wait3A_24] : memref<100000x128xf32, #tpu.memory_space<hbm>> -> memref<264x128xf32, #tpu.memory_space<hbm>>
      tpu.wait_dma2 semaphore(%arg8 : memref<!tpu.dma_semaphore, #tpu.memory_space<semaphore_mem>>) src(%dma_wait3A_25 : memref<264x128xf32, #tpu.memory_space<hbm>>) dst(%arg6 : memref<264x128xf32, #tpu.memory_space<vmem>>)
      %mul3A_26 = arith.constant 264 : i32
      %mul3A_27 = arith.muli %mul3A_20, %mul3A_26 : i32
      %add3A_28 = arith.addi %mul3A_2, %mul3A_27 : i32
      %multiple_of3A_29 = tpu.assume_multiple %add3A_28, 264 : i32
      "tpu.region"() ({
        %run_scoped3A = tpu.sem_alloc : memref<!tpu.dma_semaphore, #tpu.memory_space<semaphore_mem>>
        %dma_start3A_49 = arith.constant 0 : i32
        %dma_start3A_50 = tpu.memref_slice %arg4[%multiple_of3A_29, %dma_start3A_49] : memref<337920x128xf32, #tpu.memory_space<hbm>> -> memref<264x128xf32, #tpu.memory_space<hbm>>
        %dma_start3A_51 = arith.constant 0 : i32
        %dma_start3A_52 = tpu.memref_slice %arg4[%multiple_of3A_29, %dma_start3A_51] : memref<337920x128xf32, #tpu.memory_space<hbm>> -> memref<264x128xf32, #tpu.memory_space<hbm>>
        tpu.enqueue_dma source(%arg6 : memref<264x128xf32, #tpu.memory_space<vmem>>) target(%dma_start3A_52 : memref<264x128xf32, #tpu.memory_space<hbm>>) target_semaphore(%run_scoped3A : memref<!tpu.dma_semaphore, #tpu.memory_space<semaphore_mem>>)
        %dma_wait3A_53 = arith.constant 0 : i32
        %dma_wait3A_54 = tpu.memref_slice %arg4[%multiple_of3A_29, %dma_wait3A_53] : memref<337920x128xf32, #tpu.memory_space<hbm>> -> memref<264x128xf32, #tpu.memory_space<hbm>>
        %dma_wait3A_55 = arith.constant 0 : i32
        %dma_wait3A_56 = tpu.memref_slice %arg4[%multiple_of3A_29, %dma_wait3A_55] : memref<337920x128xf32, #tpu.memory_space<hbm>> -> memref<264x128xf32, #tpu.memory_space<hbm>>
        tpu.wait_dma2 semaphore(%run_scoped3A : memref<!tpu.dma_semaphore, #tpu.memory_space<semaphore_mem>>) src(%arg6 : memref<264x128xf32, #tpu.memory_space<vmem>>) dst(%dma_wait3A_56 : memref<264x128xf32, #tpu.memory_space<hbm>>)
        tpu.yield
      }) : () -> ()
      %lt3A = arith.constant 19 : i32
      %lt3A_30 = arith.cmpi slt, %scan3A_18, %lt3A : i32
      %convert_element_type3A = arith.extui %lt3A_30 : i1 to i32
      %cond3A = arith.constant 0 : i32
      %cond3A_31 = arith.cmpi ne, %convert_element_type3A, %cond3A : i32
      scf.if %cond3A_31 {
        %add3A_49 = arith.constant 2 : i32
        %add3A_50 = arith.addi %mul3A_20, %add3A_49 : i32
        %mul3A_51 = arith.constant 264 : i32
        %mul3A_52 = arith.muli %add3A_50, %mul3A_51 : i32
        %multiple_of3A_53 = tpu.assume_multiple %mul3A_52, 264 : i32
        %dma_start3A_54 = tpu.memref_slice %arg5[%multiple_of3A_53] : memref<10560xi32, #tpu.memory_space<vmem>> -> memref<264xi32, #tpu.memory_space<vmem>>
        %dma_start3A_55 = arith.constant 0 : i32
        %dma_start3A_56 = arith.constant 0 : i32
        %dma_start3A_57 = tpu.memref_slice %arg3[%dma_start3A_55, %dma_start3A_56] : memref<100000x128xf32, #tpu.memory_space<hbm>> -> memref<100000x128xf32, #tpu.memory_space<hbm>>
        tpu.enqueue_indirect_dma source(%dma_start3A_57 : memref<100000x128xf32, #tpu.memory_space<hbm>>) target(%arg6 : memref<264x128xf32, #tpu.memory_space<vmem>>) offsets(%dma_start3A_54 : memref<264xi32, #tpu.memory_space<vmem>>) semaphore(%arg8 : memref<!tpu.dma_semaphore, #tpu.memory_space<semaphore_mem>>)
      } else {
      }
      %add3A_32 = arith.constant 1 : i32
      %add3A_33 = arith.addi %mul3A_20, %add3A_32 : i32
      %dma_wait3A_34 = arith.constant 0 : i32
      %dma_wait3A_35 = arith.constant 0 : i32
      %dma_wait3A_36 = tpu.memref_slice %arg3[%dma_wait3A_34, %dma_wait3A_35] : memref<100000x128xf32, #tpu.memory_space<hbm>> -> memref<264x128xf32, #tpu.memory_space<hbm>>
      %dma_wait3A_37 = arith.constant 0 : i32
      %dma_wait3A_38 = arith.constant 0 : i32
      %dma_wait3A_39 = tpu.memref_slice %arg3[%dma_wait3A_37, %dma_wait3A_38] : memref<100000x128xf32, #tpu.memory_space<hbm>> -> memref<264x128xf32, #tpu.memory_space<hbm>>
      tpu.wait_dma2 semaphore(%arg9 : memref<!tpu.dma_semaphore, #tpu.memory_space<semaphore_mem>>) src(%dma_wait3A_39 : memref<264x128xf32, #tpu.memory_space<hbm>>) dst(%arg7 : memref<264x128xf32, #tpu.memory_space<vmem>>)
      %mul3A_40 = arith.constant 264 : i32
      %mul3A_41 = arith.muli %add3A_33, %mul3A_40 : i32
      %add3A_42 = arith.addi %mul3A_2, %mul3A_41 : i32
      %multiple_of3A_43 = tpu.assume_multiple %add3A_42, 264 : i32
      "tpu.region"() ({
        %run_scoped3A = tpu.sem_alloc : memref<!tpu.dma_semaphore, #tpu.memory_space<semaphore_mem>>
        %dma_start3A_49 = arith.constant 0 : i32
        %dma_start3A_50 = tpu.memref_slice %arg4[%multiple_of3A_43, %dma_start3A_49] : memref<337920x128xf32, #tpu.memory_space<hbm>> -> memref<264x128xf32, #tpu.memory_space<hbm>>
        %dma_start3A_51 = arith.constant 0 : i32
        %dma_start3A_52 = tpu.memref_slice %arg4[%multiple_of3A_43, %dma_start3A_51] : memref<337920x128xf32, #tpu.memory_space<hbm>> -> memref<264x128xf32, #tpu.memory_space<hbm>>
        tpu.enqueue_dma source(%arg7 : memref<264x128xf32, #tpu.memory_space<vmem>>) target(%dma_start3A_52 : memref<264x128xf32, #tpu.memory_space<hbm>>) target_semaphore(%run_scoped3A : memref<!tpu.dma_semaphore, #tpu.memory_space<semaphore_mem>>)
        %dma_wait3A_53 = arith.constant 0 : i32
        %dma_wait3A_54 = tpu.memref_slice %arg4[%multiple_of3A_43, %dma_wait3A_53] : memref<337920x128xf32, #tpu.memory_space<hbm>> -> memref<264x128xf32, #tpu.memory_space<hbm>>
        %dma_wait3A_55 = arith.constant 0 : i32
        %dma_wait3A_56 = tpu.memref_slice %arg4[%multiple_of3A_43, %dma_wait3A_55] : memref<337920x128xf32, #tpu.memory_space<hbm>> -> memref<264x128xf32, #tpu.memory_space<hbm>>
        tpu.wait_dma2 semaphore(%run_scoped3A : memref<!tpu.dma_semaphore, #tpu.memory_space<semaphore_mem>>) src(%arg7 : memref<264x128xf32, #tpu.memory_space<vmem>>) dst(%dma_wait3A_56 : memref<264x128xf32, #tpu.memory_space<hbm>>)
        tpu.yield
      }) : () -> ()
      %lt3A_44 = arith.constant 19 : i32
      %lt3A_45 = arith.cmpi slt, %scan3A_18, %lt3A_44 : i32
      %convert_element_type3A_46 = arith.extui %lt3A_45 : i1 to i32
      %cond3A_47 = arith.constant 0 : i32
      %cond3A_48 = arith.cmpi ne, %convert_element_type3A_46, %cond3A_47 : i32
      scf.if %cond3A_48 {
        %add3A_49 = arith.constant 3 : i32
        %add3A_50 = arith.addi %mul3A_20, %add3A_49 : i32
        %mul3A_51 = arith.constant 264 : i32
        %mul3A_52 = arith.muli %add3A_50, %mul3A_51 : i32
        %multiple_of3A_53 = tpu.assume_multiple %mul3A_52, 264 : i32
        %dma_start3A_54 = tpu.memref_slice %arg5[%multiple_of3A_53] : memref<10560xi32, #tpu.memory_space<vmem>> -> memref<264xi32, #tpu.memory_space<vmem>>
        %dma_start3A_55 = arith.constant 0 : i32
        %dma_start3A_56 = arith.constant 0 : i32
        %dma_start3A_57 = tpu.memref_slice %arg3[%dma_start3A_55, %dma_start3A_56] : memref<100000x128xf32, #tpu.memory_space<hbm>> -> memref<100000x128xf32, #tpu.memory_space<hbm>>
        tpu.enqueue_indirect_dma source(%dma_start3A_57 : memref<100000x128xf32, #tpu.memory_space<hbm>>) target(%arg7 : memref<264x128xf32, #tpu.memory_space<vmem>>) offsets(%dma_start3A_54 : memref<264xi32, #tpu.memory_space<vmem>>) semaphore(%arg9 : memref<!tpu.dma_semaphore, #tpu.memory_space<semaphore_mem>>)
      } else {
      }
    }
    %scan3A_17 = arith.constant 20 : i32
    return
  }
}

module attributes {stable_mosaic.version = 14 : i64} {
  func.func @_tc_body(%arg0: i32, %arg1: memref<33x128x128xf32, #tpu.memory_space<vmem>>, %arg2: memref<33x128x16xf32, #tpu.memory_space<vmem>>, %arg3: memref<4x128x64xf32, #tpu.memory_space<vmem>>, %arg4: memref<4x64xf32, #tpu.memory_space<vmem>>, %arg5: memref<4x64xf32, #tpu.memory_space<vmem>>, %arg6: memref<4x16xf32, #tpu.memory_space<vmem>>, %arg7: memref<4x128x64xf32, #tpu.memory_space<vmem>>, %arg8: memref<4x64xf32, #tpu.memory_space<vmem>>, %arg9: memref<4x64xf32, #tpu.memory_space<vmem>>, %arg10: memref<4x16xf32, #tpu.memory_space<vmem>>, %arg11: memref<128x64xf32, #tpu.memory_space<vmem>>, %arg12: memref<128x16xf32, #tpu.memory_space<vmem>>, %arg13: memref<128x8xf32, #tpu.memory_space<vmem>>, %arg14: memref<128x8xf32, #tpu.memory_space<vmem>>, %arg15: memref<16x8xf32, #tpu.memory_space<vmem>>) attributes {dimension_semantics = [#tpu.dimension_semantics<arbitrary>], iteration_bounds = array<i64: 80>, scalar_prefetch = 0 : i64, scratch_operands = 3 : i64, tpu.core_type = #tpu.core_type<tc>, window_params = [{transform_indices = @transform_0, window_bounds = array<i64: 33, 128, 128>}, {transform_indices = @transform_1, window_bounds = array<i64: 33, 128, 16>}, {pipeline_mode = #tpu.pipeline_mode<synchronous>, transform_indices = @transform_2, window_bounds = array<i64: 4, 128, 64>}, {pipeline_mode = #tpu.pipeline_mode<synchronous>, transform_indices = @transform_3, window_bounds = array<i64: 4, 64>}, {pipeline_mode = #tpu.pipeline_mode<synchronous>, transform_indices = @transform_4, window_bounds = array<i64: 4, 64>}, {pipeline_mode = #tpu.pipeline_mode<synchronous>, transform_indices = @transform_5, window_bounds = array<i64: 4, 16>}, {pipeline_mode = #tpu.pipeline_mode<synchronous>, transform_indices = @transform_6, window_bounds = array<i64: 4, 128, 64>}, {pipeline_mode = #tpu.pipeline_mode<synchronous>, transform_indices = @transform_7, window_bounds = array<i64: 4, 64>}, {pipeline_mode = #tpu.pipeline_mode<synchronous>, transform_indices = @transform_8, window_bounds = array<i64: 4, 64>}, {pipeline_mode = #tpu.pipeline_mode<synchronous>, transform_indices = @transform_9, window_bounds = array<i64: 4, 16>}, {transform_indices = @transform_10, window_bounds = array<i64: 128, 64>}, {transform_indices = @transform_11, window_bounds = array<i64: 128, 16>}]} {
    %get3A = arith.constant 0 : index
    %get3A_0 = arith.constant 0 : index
    %get3A_1 = arith.constant 0 : index
    %get3A_2 = vector.load %arg3[%get3A, %get3A_0, %get3A_1] : memref<4x128x64xf32, #tpu.memory_space<vmem>>, vector<4x128x64xf32>
    %get3A_3 = arith.constant 0 : index
    %get3A_4 = arith.constant 0 : index
    %get3A_5 = arith.constant 0 : index
    %get3A_6 = vector.load %arg7[%get3A_3, %get3A_4, %get3A_5] : memref<4x128x64xf32, #tpu.memory_space<vmem>>, vector<4x128x64xf32>
    %eq3A = arith.constant 0 : i32
    %eq3A_7 = arith.cmpi eq, %arg0, %eq3A : i32
    %convert_element_type3A = arith.extui %eq3A_7 : i1 to i32
    %cond3A = arith.constant 0 : i32
    %cond3A_8 = arith.cmpi ne, %convert_element_type3A, %cond3A : i32
    scf.if %cond3A_8 {
      %get3A_1594 = arith.constant 0 : index
      %get3A_1595 = arith.constant 0 : index
      %get3A_1596 = vector.load %arg4[%get3A_1594, %get3A_1595] : memref<4x64xf32, #tpu.memory_space<vmem>>, vector<4x64xf32>
      %get3A_1597 = arith.constant 0 : index
      %get3A_1598 = arith.constant 0 : index
      %get3A_1599 = vector.load %arg5[%get3A_1597, %get3A_1598] : memref<4x64xf32, #tpu.memory_space<vmem>>, vector<4x64xf32>
      %get3A_1600 = arith.constant 0 : index
      %get3A_1601 = arith.constant 0 : index
      %get3A_1602 = vector.load %arg6[%get3A_1600, %get3A_1601] : memref<4x16xf32, #tpu.memory_space<vmem>>, vector<4x16xf32>
      %get3A_1603 = arith.constant 0 : index
      %get3A_1604 = arith.constant 0 : index
      %get3A_1605 = vector.load %arg8[%get3A_1603, %get3A_1604] : memref<4x64xf32, #tpu.memory_space<vmem>>, vector<4x64xf32>
      %get3A_1606 = arith.constant 0 : index
      %get3A_1607 = arith.constant 0 : index
      %get3A_1608 = vector.load %arg9[%get3A_1606, %get3A_1607] : memref<4x64xf32, #tpu.memory_space<vmem>>, vector<4x64xf32>
      %get3A_1609 = arith.constant 0 : index
      %get3A_1610 = arith.constant 0 : index
      %get3A_1611 = vector.load %arg10[%get3A_1609, %get3A_1610] : memref<4x16xf32, #tpu.memory_space<vmem>>, vector<4x16xf32>
      %slice3A_1612 = vector.extract_strided_slice %get3A_2 {offsets = [0, 0, 0], sizes = [1, 128, 64], strides = [1, 1, 1]} : vector<4x128x64xf32> to vector<1x128x64xf32>
      %squeeze3A_1613 = vector.shape_cast %slice3A_1612 : vector<1x128x64xf32> to vector<128x64xf32>
      %slice3A_1614 = vector.extract_strided_slice %get3A_1596 {offsets = [0, 0], sizes = [1, 64], strides = [1, 1]} : vector<4x64xf32> to vector<1x64xf32>
      %squeeze3A_1615 = vector.shape_cast %slice3A_1614 : vector<1x64xf32> to vector<64xf32>
      %dot_general3A_1616 = arith.constant dense<0.000000e+00> : vector<128xf32>
      %dot_general3A_1617 = tpu.matmul %squeeze3A_1613, %squeeze3A_1615, %dot_general3A_1616 {dimension_numbers = #tpu.dot_dimension_numbers<[1], [0], [0], [], [0, 0], [], []>, transpose_lhs_hint = false} : vector<128x64xf32>, vector<64xf32>, vector<128xf32> -> vector<128xf32>
      %slice3A_1618 = vector.extract_strided_slice %get3A_2 {offsets = [1, 0, 0], sizes = [1, 128, 64], strides = [1, 1, 1]} : vector<4x128x64xf32> to vector<1x128x64xf32>
      %squeeze3A_1619 = vector.shape_cast %slice3A_1618 : vector<1x128x64xf32> to vector<128x64xf32>
      %slice3A_1620 = vector.extract_strided_slice %get3A_1596 {offsets = [1, 0], sizes = [1, 64], strides = [1, 1]} : vector<4x64xf32> to vector<1x64xf32>
      %squeeze3A_1621 = vector.shape_cast %slice3A_1620 : vector<1x64xf32> to vector<64xf32>
      %dot_general3A_1622 = arith.constant dense<0.000000e+00> : vector<128xf32>
      %dot_general3A_1623 = tpu.matmul %squeeze3A_1619, %squeeze3A_1621, %dot_general3A_1622 {dimension_numbers = #tpu.dot_dimension_numbers<[1], [0], [0], [], [0, 0], [], []>, transpose_lhs_hint = false} : vector<128x64xf32>, vector<64xf32>, vector<128xf32> -> vector<128xf32>
      %slice3A_1624 = vector.extract_strided_slice %get3A_2 {offsets = [2, 0, 0], sizes = [1, 128, 64], strides = [1, 1, 1]} : vector<4x128x64xf32> to vector<1x128x64xf32>
      %squeeze3A_1625 = vector.shape_cast %slice3A_1624 : vector<1x128x64xf32> to vector<128x64xf32>
      %slice3A_1626 = vector.extract_strided_slice %get3A_1596 {offsets = [2, 0], sizes = [1, 64], strides = [1, 1]} : vector<4x64xf32> to vector<1x64xf32>
      %squeeze3A_1627 = vector.shape_cast %slice3A_1626 : vector<1x64xf32> to vector<64xf32>
      %dot_general3A_1628 = arith.constant dense<0.000000e+00> : vector<128xf32>
      %dot_general3A_1629 = tpu.matmul %squeeze3A_1625, %squeeze3A_1627, %dot_general3A_1628 {dimension_numbers = #tpu.dot_dimension_numbers<[1], [0], [0], [], [0, 0], [], []>, transpose_lhs_hint = false} : vector<128x64xf32>, vector<64xf32>, vector<128xf32> -> vector<128xf32>
      %slice3A_1630 = vector.extract_strided_slice %get3A_2 {offsets = [3, 0, 0], sizes = [1, 128, 64], strides = [1, 1, 1]} : vector<4x128x64xf32> to vector<1x128x64xf32>
      %squeeze3A_1631 = vector.shape_cast %slice3A_1630 : vector<1x128x64xf32> to vector<128x64xf32>
      %slice3A_1632 = vector.extract_strided_slice %get3A_1596 {offsets = [3, 0], sizes = [1, 64], strides = [1, 1]} : vector<4x64xf32> to vector<1x64xf32>
      %squeeze3A_1633 = vector.shape_cast %slice3A_1632 : vector<1x64xf32> to vector<64xf32>
      %dot_general3A_1634 = arith.constant dense<0.000000e+00> : vector<128xf32>
      %dot_general3A_1635 = tpu.matmul %squeeze3A_1631, %squeeze3A_1633, %dot_general3A_1634 {dimension_numbers = #tpu.dot_dimension_numbers<[1], [0], [0], [], [0, 0], [], []>, transpose_lhs_hint = false} : vector<128x64xf32>, vector<64xf32>, vector<128xf32> -> vector<128xf32>
      %slice3A_1636 = vector.extract_strided_slice %get3A_6 {offsets = [0, 0, 0], sizes = [1, 128, 64], strides = [1, 1, 1]} : vector<4x128x64xf32> to vector<1x128x64xf32>
      %squeeze3A_1637 = vector.shape_cast %slice3A_1636 : vector<1x128x64xf32> to vector<128x64xf32>
      %slice3A_1638 = vector.extract_strided_slice %get3A_1605 {offsets = [0, 0], sizes = [1, 64], strides = [1, 1]} : vector<4x64xf32> to vector<1x64xf32>
      %squeeze3A_1639 = vector.shape_cast %slice3A_1638 : vector<1x64xf32> to vector<64xf32>
      %dot_general3A_1640 = arith.constant dense<0.000000e+00> : vector<128xf32>
      %dot_general3A_1641 = tpu.matmul %squeeze3A_1637, %squeeze3A_1639, %dot_general3A_1640 {dimension_numbers = #tpu.dot_dimension_numbers<[1], [0], [0], [], [0, 0], [], []>, transpose_lhs_hint = false} : vector<128x64xf32>, vector<64xf32>, vector<128xf32> -> vector<128xf32>
      %slice3A_1642 = vector.extract_strided_slice %get3A_6 {offsets = [1, 0, 0], sizes = [1, 128, 64], strides = [1, 1, 1]} : vector<4x128x64xf32> to vector<1x128x64xf32>
      %squeeze3A_1643 = vector.shape_cast %slice3A_1642 : vector<1x128x64xf32> to vector<128x64xf32>
      %slice3A_1644 = vector.extract_strided_slice %get3A_1605 {offsets = [1, 0], sizes = [1, 64], strides = [1, 1]} : vector<4x64xf32> to vector<1x64xf32>
      %squeeze3A_1645 = vector.shape_cast %slice3A_1644 : vector<1x64xf32> to vector<64xf32>
      %dot_general3A_1646 = arith.constant dense<0.000000e+00> : vector<128xf32>
      %dot_general3A_1647 = tpu.matmul %squeeze3A_1643, %squeeze3A_1645, %dot_general3A_1646 {dimension_numbers = #tpu.dot_dimension_numbers<[1], [0], [0], [], [0, 0], [], []>, transpose_lhs_hint = false} : vector<128x64xf32>, vector<64xf32>, vector<128xf32> -> vector<128xf32>
      %slice3A_1648 = vector.extract_strided_slice %get3A_6 {offsets = [2, 0, 0], sizes = [1, 128, 64], strides = [1, 1, 1]} : vector<4x128x64xf32> to vector<1x128x64xf32>
      %squeeze3A_1649 = vector.shape_cast %slice3A_1648 : vector<1x128x64xf32> to vector<128x64xf32>
      %slice3A_1650 = vector.extract_strided_slice %get3A_1605 {offsets = [2, 0], sizes = [1, 64], strides = [1, 1]} : vector<4x64xf32> to vector<1x64xf32>
      %squeeze3A_1651 = vector.shape_cast %slice3A_1650 : vector<1x64xf32> to vector<64xf32>
      %dot_general3A_1652 = arith.constant dense<0.000000e+00> : vector<128xf32>
      %dot_general3A_1653 = tpu.matmul %squeeze3A_1649, %squeeze3A_1651, %dot_general3A_1652 {dimension_numbers = #tpu.dot_dimension_numbers<[1], [0], [0], [], [0, 0], [], []>, transpose_lhs_hint = false} : vector<128x64xf32>, vector<64xf32>, vector<128xf32> -> vector<128xf32>
      %slice3A_1654 = vector.extract_strided_slice %get3A_6 {offsets = [3, 0, 0], sizes = [1, 128, 64], strides = [1, 1, 1]} : vector<4x128x64xf32> to vector<1x128x64xf32>
      %squeeze3A_1655 = vector.shape_cast %slice3A_1654 : vector<1x128x64xf32> to vector<128x64xf32>
      %slice3A_1656 = vector.extract_strided_slice %get3A_1605 {offsets = [3, 0], sizes = [1, 64], strides = [1, 1]} : vector<4x64xf32> to vector<1x64xf32>
      %squeeze3A_1657 = vector.shape_cast %slice3A_1656 : vector<1x64xf32> to vector<64xf32>
      %dot_general3A_1658 = arith.constant dense<0.000000e+00> : vector<128xf32>
      %dot_general3A_1659 = tpu.matmul %squeeze3A_1655, %squeeze3A_1657, %dot_general3A_1658 {dimension_numbers = #tpu.dot_dimension_numbers<[1], [0], [0], [], [0, 0], [], []>, transpose_lhs_hint = false} : vector<128x64xf32>, vector<64xf32>, vector<128xf32> -> vector<128xf32>
      %stack3A = vector.shape_cast %dot_general3A_1617 : vector<128xf32> to vector<128x1xf32>
      %stack3A_1660 = vector.shape_cast %dot_general3A_1623 : vector<128xf32> to vector<128x1xf32>
      %stack3A_1661 = vector.shape_cast %dot_general3A_1629 : vector<128xf32> to vector<128x1xf32>
      %stack3A_1662 = vector.shape_cast %dot_general3A_1635 : vector<128xf32> to vector<128x1xf32>
      %stack3A_1663 = vector.shape_cast %dot_general3A_1641 : vector<128xf32> to vector<128x1xf32>
      %stack3A_1664 = vector.shape_cast %dot_general3A_1647 : vector<128xf32> to vector<128x1xf32>
      %stack3A_1665 = vector.shape_cast %dot_general3A_1653 : vector<128xf32> to vector<128x1xf32>
      %stack3A_1666 = vector.shape_cast %dot_general3A_1659 : vector<128xf32> to vector<128x1xf32>
      %stack3A_1667 = tpu.concatenate %stack3A, %stack3A_1660, %stack3A_1661, %stack3A_1662, %stack3A_1663, %stack3A_1664, %stack3A_1665, %stack3A_1666 in 1 : vector<128x1xf32>, vector<128x1xf32>, vector<128x1xf32>, vector<128x1xf32>, vector<128x1xf32>, vector<128x1xf32>, vector<128x1xf32>, vector<128x1xf32> -> vector<128x8xf32>
      %swap3A_1668 = arith.constant 0 : index
      %swap3A_1669 = arith.constant 0 : index
      %swap3A_1670 = vector.load %arg13[%swap3A_1668, %swap3A_1669] : memref<128x8xf32, #tpu.memory_space<vmem>>, vector<128x8xf32>
      tpu.vector_store %arg13[%swap3A_1668, %swap3A_1669], %stack3A_1667 {strides = array<i32>} : memref<128x8xf32, #tpu.memory_space<vmem>>, vector<128x8xf32>,
      %slice3A_1671 = vector.extract_strided_slice %get3A_2 {offsets = [0, 0, 0], sizes = [1, 128, 64], strides = [1, 1, 1]} : vector<4x128x64xf32> to vector<1x128x64xf32>
      %squeeze3A_1672 = vector.shape_cast %slice3A_1671 : vector<1x128x64xf32> to vector<128x64xf32>
      %slice3A_1673 = vector.extract_strided_slice %get3A_1599 {offsets = [0, 0], sizes = [1, 64], strides = [1, 1]} : vector<4x64xf32> to vector<1x64xf32>
      %squeeze3A_1674 = vector.shape_cast %slice3A_1673 : vector<1x64xf32> to vector<64xf32>
      %dot_general3A_1675 = arith.constant dense<0.000000e+00> : vector<128xf32>
      %dot_general3A_1676 = tpu.matmul %squeeze3A_1672, %squeeze3A_1674, %dot_general3A_1675 {dimension_numbers = #tpu.dot_dimension_numbers<[1], [0], [0], [], [0, 0], [], []>, transpose_lhs_hint = false} : vector<128x64xf32>, vector<64xf32>, vector<128xf32> -> vector<128xf32>
      %slice3A_1677 = vector.extract_strided_slice %get3A_2 {offsets = [1, 0, 0], sizes = [1, 128, 64], strides = [1, 1, 1]} : vector<4x128x64xf32> to vector<1x128x64xf32>
      %squeeze3A_1678 = vector.shape_cast %slice3A_1677 : vector<1x128x64xf32> to vector<128x64xf32>
      %slice3A_1679 = vector.extract_strided_slice %get3A_1599 {offsets = [1, 0], sizes = [1, 64], strides = [1, 1]} : vector<4x64xf32> to vector<1x64xf32>
      %squeeze3A_1680 = vector.shape_cast %slice3A_1679 : vector<1x64xf32> to vector<64xf32>
      %dot_general3A_1681 = arith.constant dense<0.000000e+00> : vector<128xf32>
      %dot_general3A_1682 = tpu.matmul %squeeze3A_1678, %squeeze3A_1680, %dot_general3A_1681 {dimension_numbers = #tpu.dot_dimension_numbers<[1], [0], [0], [], [0, 0], [], []>, transpose_lhs_hint = false} : vector<128x64xf32>, vector<64xf32>, vector<128xf32> -> vector<128xf32>
      %slice3A_1683 = vector.extract_strided_slice %get3A_2 {offsets = [2, 0, 0], sizes = [1, 128, 64], strides = [1, 1, 1]} : vector<4x128x64xf32> to vector<1x128x64xf32>
      %squeeze3A_1684 = vector.shape_cast %slice3A_1683 : vector<1x128x64xf32> to vector<128x64xf32>
      %slice3A_1685 = vector.extract_strided_slice %get3A_1599 {offsets = [2, 0], sizes = [1, 64], strides = [1, 1]} : vector<4x64xf32> to vector<1x64xf32>
      %squeeze3A_1686 = vector.shape_cast %slice3A_1685 : vector<1x64xf32> to vector<64xf32>
      %dot_general3A_1687 = arith.constant dense<0.000000e+00> : vector<128xf32>
      %dot_general3A_1688 = tpu.matmul %squeeze3A_1684, %squeeze3A_1686, %dot_general3A_1687 {dimension_numbers = #tpu.dot_dimension_numbers<[1], [0], [0], [], [0, 0], [], []>, transpose_lhs_hint = false} : vector<128x64xf32>, vector<64xf32>, vector<128xf32> -> vector<128xf32>
      %slice3A_1689 = vector.extract_strided_slice %get3A_2 {offsets = [3, 0, 0], sizes = [1, 128, 64], strides = [1, 1, 1]} : vector<4x128x64xf32> to vector<1x128x64xf32>
      %squeeze3A_1690 = vector.shape_cast %slice3A_1689 : vector<1x128x64xf32> to vector<128x64xf32>
      %slice3A_1691 = vector.extract_strided_slice %get3A_1599 {offsets = [3, 0], sizes = [1, 64], strides = [1, 1]} : vector<4x64xf32> to vector<1x64xf32>
      %squeeze3A_1692 = vector.shape_cast %slice3A_1691 : vector<1x64xf32> to vector<64xf32>
      %dot_general3A_1693 = arith.constant dense<0.000000e+00> : vector<128xf32>
      %dot_general3A_1694 = tpu.matmul %squeeze3A_1690, %squeeze3A_1692, %dot_general3A_1693 {dimension_numbers = #tpu.dot_dimension_numbers<[1], [0], [0], [], [0, 0], [], []>, transpose_lhs_hint = false} : vector<128x64xf32>, vector<64xf32>, vector<128xf32> -> vector<128xf32>
      %slice3A_1695 = vector.extract_strided_slice %get3A_6 {offsets = [0, 0, 0], sizes = [1, 128, 64], strides = [1, 1, 1]} : vector<4x128x64xf32> to vector<1x128x64xf32>
      %squeeze3A_1696 = vector.shape_cast %slice3A_1695 : vector<1x128x64xf32> to vector<128x64xf32>
      %slice3A_1697 = vector.extract_strided_slice %get3A_1608 {offsets = [0, 0], sizes = [1, 64], strides = [1, 1]} : vector<4x64xf32> to vector<1x64xf32>
      %squeeze3A_1698 = vector.shape_cast %slice3A_1697 : vector<1x64xf32> to vector<64xf32>
      %dot_general3A_1699 = arith.constant dense<0.000000e+00> : vector<128xf32>
      %dot_general3A_1700 = tpu.matmul %squeeze3A_1696, %squeeze3A_1698, %dot_general3A_1699 {dimension_numbers = #tpu.dot_dimension_numbers<[1], [0], [0], [], [0, 0], [], []>, transpose_lhs_hint = false} : vector<128x64xf32>, vector<64xf32>, vector<128xf32> -> vector<128xf32>
      %slice3A_1701 = vector.extract_strided_slice %get3A_6 {offsets = [1, 0, 0], sizes = [1, 128, 64], strides = [1, 1, 1]} : vector<4x128x64xf32> to vector<1x128x64xf32>
      %squeeze3A_1702 = vector.shape_cast %slice3A_1701 : vector<1x128x64xf32> to vector<128x64xf32>
      %slice3A_1703 = vector.extract_strided_slice %get3A_1608 {offsets = [1, 0], sizes = [1, 64], strides = [1, 1]} : vector<4x64xf32> to vector<1x64xf32>
      %squeeze3A_1704 = vector.shape_cast %slice3A_1703 : vector<1x64xf32> to vector<64xf32>
      %dot_general3A_1705 = arith.constant dense<0.000000e+00> : vector<128xf32>
      %dot_general3A_1706 = tpu.matmul %squeeze3A_1702, %squeeze3A_1704, %dot_general3A_1705 {dimension_numbers = #tpu.dot_dimension_numbers<[1], [0], [0], [], [0, 0], [], []>, transpose_lhs_hint = false} : vector<128x64xf32>, vector<64xf32>, vector<128xf32> -> vector<128xf32>
      %slice3A_1707 = vector.extract_strided_slice %get3A_6 {offsets = [2, 0, 0], sizes = [1, 128, 64], strides = [1, 1, 1]} : vector<4x128x64xf32> to vector<1x128x64xf32>
      %squeeze3A_1708 = vector.shape_cast %slice3A_1707 : vector<1x128x64xf32> to vector<128x64xf32>
      %slice3A_1709 = vector.extract_strided_slice %get3A_1608 {offsets = [2, 0], sizes = [1, 64], strides = [1, 1]} : vector<4x64xf32> to vector<1x64xf32>
      %squeeze3A_1710 = vector.shape_cast %slice3A_1709 : vector<1x64xf32> to vector<64xf32>
      %dot_general3A_1711 = arith.constant dense<0.000000e+00> : vector<128xf32>
      %dot_general3A_1712 = tpu.matmul %squeeze3A_1708, %squeeze3A_1710, %dot_general3A_1711 {dimension_numbers = #tpu.dot_dimension_numbers<[1], [0], [0], [], [0, 0], [], []>, transpose_lhs_hint = false} : vector<128x64xf32>, vector<64xf32>, vector<128xf32> -> vector<128xf32>
      %slice3A_1713 = vector.extract_strided_slice %get3A_6 {offsets = [3, 0, 0], sizes = [1, 128, 64], strides = [1, 1, 1]} : vector<4x128x64xf32> to vector<1x128x64xf32>
      %squeeze3A_1714 = vector.shape_cast %slice3A_1713 : vector<1x128x64xf32> to vector<128x64xf32>
      %slice3A_1715 = vector.extract_strided_slice %get3A_1608 {offsets = [3, 0], sizes = [1, 64], strides = [1, 1]} : vector<4x64xf32> to vector<1x64xf32>
      %squeeze3A_1716 = vector.shape_cast %slice3A_1715 : vector<1x64xf32> to vector<64xf32>
      %dot_general3A_1717 = arith.constant dense<0.000000e+00> : vector<128xf32>
      %dot_general3A_1718 = tpu.matmul %squeeze3A_1714, %squeeze3A_1716, %dot_general3A_1717 {dimension_numbers = #tpu.dot_dimension_numbers<[1], [0], [0], [], [0, 0], [], []>, transpose_lhs_hint = false} : vector<128x64xf32>, vector<64xf32>, vector<128xf32> -> vector<128xf32>
      %stack3A_1719 = vector.shape_cast %dot_general3A_1676 : vector<128xf32> to vector<128x1xf32>
      %stack3A_1720 = vector.shape_cast %dot_general3A_1682 : vector<128xf32> to vector<128x1xf32>
      %stack3A_1721 = vector.shape_cast %dot_general3A_1688 : vector<128xf32> to vector<128x1xf32>
      %stack3A_1722 = vector.shape_cast %dot_general3A_1694 : vector<128xf32> to vector<128x1xf32>
      %stack3A_1723 = vector.shape_cast %dot_general3A_1700 : vector<128xf32> to vector<128x1xf32>
      %stack3A_1724 = vector.shape_cast %dot_general3A_1706 : vector<128xf32> to vector<128x1xf32>
      %stack3A_1725 = vector.shape_cast %dot_general3A_1712 : vector<128xf32> to vector<128x1xf32>
      %stack3A_1726 = vector.shape_cast %dot_general3A_1718 : vector<128xf32> to vector<128x1xf32>
      %stack3A_1727 = tpu.concatenate %stack3A_1719, %stack3A_1720, %stack3A_1721, %stack3A_1722, %stack3A_1723, %stack3A_1724, %stack3A_1725, %stack3A_1726 in 1 : vector<128x1xf32>, vector<128x1xf32>, vector<128x1xf32>, vector<128x1xf32>, vector<128x1xf32>, vector<128x1xf32>, vector<128x1xf32>, vector<128x1xf32> -> vector<128x8xf32>
      %swap3A_1728 = arith.constant 0 : index
      %swap3A_1729 = arith.constant 0 : index
      %swap3A_1730 = vector.load %arg14[%swap3A_1728, %swap3A_1729] : memref<128x8xf32, #tpu.memory_space<vmem>>, vector<128x8xf32>
      tpu.vector_store %arg14[%swap3A_1728, %swap3A_1729], %stack3A_1727 {strides = array<i32>} : memref<128x8xf32, #tpu.memory_space<vmem>>, vector<128x8xf32>,
      %slice3A_1731 = vector.extract_strided_slice %get3A_1602 {offsets = [0, 0], sizes = [1, 16], strides = [1, 1]} : vector<4x16xf32> to vector<1x16xf32>
      %squeeze3A_1732 = vector.shape_cast %slice3A_1731 : vector<1x16xf32> to vector<16xf32>
      %slice3A_1733 = vector.extract_strided_slice %get3A_1602 {offsets = [1, 0], sizes = [1, 16], strides = [1, 1]} : vector<4x16xf32> to vector<1x16xf32>
      %squeeze3A_1734 = vector.shape_cast %slice3A_1733 : vector<1x16xf32> to vector<16xf32>
      %slice3A_1735 = vector.extract_strided_slice %get3A_1602 {offsets = [2, 0], sizes = [1, 16], strides = [1, 1]} : vector<4x16xf32> to vector<1x16xf32>
      %squeeze3A_1736 = vector.shape_cast %slice3A_1735 : vector<1x16xf32> to vector<16xf32>
      %slice3A_1737 = vector.extract_strided_slice %get3A_1602 {offsets = [3, 0], sizes = [1, 16], strides = [1, 1]} : vector<4x16xf32> to vector<1x16xf32>
      %squeeze3A_1738 = vector.shape_cast %slice3A_1737 : vector<1x16xf32> to vector<16xf32>
      %slice3A_1739 = vector.extract_strided_slice %get3A_1611 {offsets = [0, 0], sizes = [1, 16], strides = [1, 1]} : vector<4x16xf32> to vector<1x16xf32>
      %squeeze3A_1740 = vector.shape_cast %slice3A_1739 : vector<1x16xf32> to vector<16xf32>
      %slice3A_1741 = vector.extract_strided_slice %get3A_1611 {offsets = [1, 0], sizes = [1, 16], strides = [1, 1]} : vector<4x16xf32> to vector<1x16xf32>
      %squeeze3A_1742 = vector.shape_cast %slice3A_1741 : vector<1x16xf32> to vector<16xf32>
      %slice3A_1743 = vector.extract_strided_slice %get3A_1611 {offsets = [2, 0], sizes = [1, 16], strides = [1, 1]} : vector<4x16xf32> to vector<1x16xf32>
      %squeeze3A_1744 = vector.shape_cast %slice3A_1743 : vector<1x16xf32> to vector<16xf32>
      %slice3A_1745 = vector.extract_strided_slice %get3A_1611 {offsets = [3, 0], sizes = [1, 16], strides = [1, 1]} : vector<4x16xf32> to vector<1x16xf32>
      %squeeze3A_1746 = vector.shape_cast %slice3A_1745 : vector<1x16xf32> to vector<16xf32>
      %stack3A_1747 = vector.shape_cast %squeeze3A_1732 : vector<16xf32> to vector<16x1xf32>
      %stack3A_1748 = vector.shape_cast %squeeze3A_1734 : vector<16xf32> to vector<16x1xf32>
      %stack3A_1749 = vector.shape_cast %squeeze3A_1736 : vector<16xf32> to vector<16x1xf32>
      %stack3A_1750 = vector.shape_cast %squeeze3A_1738 : vector<16xf32> to vector<16x1xf32>
      %stack3A_1751 = vector.shape_cast %squeeze3A_1740 : vector<16xf32> to vector<16x1xf32>
      %stack3A_1752 = vector.shape_cast %squeeze3A_1742 : vector<16xf32> to vector<16x1xf32>
      %stack3A_1753 = vector.shape_cast %squeeze3A_1744 : vector<16xf32> to vector<16x1xf32>
      %stack3A_1754 = vector.shape_cast %squeeze3A_1746 : vector<16xf32> to vector<16x1xf32>
      %stack3A_1755 = tpu.concatenate %stack3A_1747, %stack3A_1748, %stack3A_1749, %stack3A_1750, %stack3A_1751, %stack3A_1752, %stack3A_1753, %stack3A_1754 in 1 : vector<16x1xf32>, vector<16x1xf32>, vector<16x1xf32>, vector<16x1xf32>, vector<16x1xf32>, vector<16x1xf32>, vector<16x1xf32>, vector<16x1xf32> -> vector<16x8xf32>
      %swap3A_1756 = arith.constant 0 : index
      %swap3A_1757 = arith.constant 0 : index
      %swap3A_1758 = vector.load %arg15[%swap3A_1756, %swap3A_1757] : memref<16x8xf32, #tpu.memory_space<vmem>>, vector<16x8xf32>
      tpu.vector_store %arg15[%swap3A_1756, %swap3A_1757], %stack3A_1755 {strides = array<i32>} : memref<16x8xf32, #tpu.memory_space<vmem>>, vector<16x8xf32>,
    } else {
    }
    %get3A_9 = arith.constant 0 : index
    %get3A_10 = arith.constant 0 : index
    %get3A_11 = vector.load %arg13[%get3A_9, %get3A_10] : memref<128x8xf32, #tpu.memory_space<vmem>>, vector<128x8xf32>
    %get3A_12 = arith.constant 0 : index
    %get3A_13 = arith.constant 0 : index
    %get3A_14 = vector.load %arg14[%get3A_12, %get3A_13] : memref<128x8xf32, #tpu.memory_space<vmem>>, vector<128x8xf32>
    %get3A_15 = arith.constant 0 : index
    %get3A_16 = arith.constant 0 : index
    %get3A_17 = vector.load %arg15[%get3A_15, %get3A_16] : memref<16x8xf32, #tpu.memory_space<vmem>>, vector<16x8xf32>
    %iota3A = tpu.iota {dimensions = array<i32: 0>} : vector<128x128xi32>
    %iota3A_18 = tpu.iota {dimensions = array<i32: 1>} : vector<128x128xi32>
    %eq3A_19 = arith.cmpi eq, %iota3A, %iota3A_18 : vector<128x128xi32>
    %convert_element_type3A_20 = arith.extui %eq3A_19 : vector<128x128xi1> to vector<128x128xi32>
    %convert_element_type3A_21 = arith.sitofp %convert_element_type3A_20 : vector<128x128xi32> to vector<128x128xf32>
    %get3A_22 = arith.constant 0 : index
    %get3A_23 = arith.constant 0 : index
    %get3A_24 = arith.constant 0 : index
    %get3A_25 = vector.load %arg1[%get3A_22, %get3A_23, %get3A_24] : memref<33x128x128xf32, #tpu.memory_space<vmem>>, vector<1x128x128xf32>
    %get3A_26 = vector.shape_cast %get3A_25 : vector<1x128x128xf32> to vector<128x128xf32>
    %dot_general3A = arith.constant dense<0.000000e+00> : vector<128x128xf32>
    %dot_general3A_27 = tpu.matmul %get3A_26, %convert_element_type3A_21, %dot_general3A {dimension_numbers = #tpu.dot_dimension_numbers<[0], [0], [1], [1], [0, 1, 1, 1], [], []>, transpose_lhs_hint = false} : vector<128x128xf32>, vector<128x128xf32>, vector<128x128xf32> -> vector<128x128xf32>
    %get3A_28 = arith.constant 1 : index
    %get3A_29 = arith.constant 0 : index
    %get3A_30 = arith.constant 0 : index
    %get3A_31 = vector.load %arg1[%get3A_28, %get3A_29, %get3A_30] : memref<33x128x128xf32, #tpu.memory_space<vmem>>, vector<1x128x128xf32>
    %get3A_32 = vector.shape_cast %get3A_31 : vector<1x128x128xf32> to vector<128x128xf32>
    %dot_general3A_33 = arith.constant dense<0.000000e+00> : vector<128x128xf32>
    %dot_general3A_34 = tpu.matmul %get3A_32, %convert_element_type3A_21, %dot_general3A_33 {dimension_numbers = #tpu.dot_dimension_numbers<[0], [0], [1], [1], [0, 1, 1, 1], [], []>, transpose_lhs_hint = false} : vector<128x128xf32>, vector<128x128xf32>, vector<128x128xf32> -> vector<128x128xf32>
    %get3A_35 = arith.constant 2 : index
    %get3A_36 = arith.constant 0 : index
    %get3A_37 = arith.constant 0 : index
    %get3A_38 = vector.load %arg1[%get3A_35, %get3A_36, %get3A_37] : memref<33x128x128xf32, #tpu.memory_space<vmem>>, vector<1x128x128xf32>
    %get3A_39 = vector.shape_cast %get3A_38 : vector<1x128x128xf32> to vector<128x128xf32>
    %dot_general3A_40 = arith.constant dense<0.000000e+00> : vector<128x128xf32>
    %dot_general3A_41 = tpu.matmul %get3A_39, %convert_element_type3A_21, %dot_general3A_40 {dimension_numbers = #tpu.dot_dimension_numbers<[0], [0], [1], [1], [0, 1, 1, 1], [], []>, transpose_lhs_hint = false} : vector<128x128xf32>, vector<128x128xf32>, vector<128x128xf32> -> vector<128x128xf32>
    %get3A_42 = arith.constant 3 : index
    %get3A_43 = arith.constant 0 : index
    %get3A_44 = arith.constant 0 : index
    %get3A_45 = vector.load %arg1[%get3A_42, %get3A_43, %get3A_44] : memref<33x128x128xf32, #tpu.memory_space<vmem>>, vector<1x128x128xf32>
    %get3A_46 = vector.shape_cast %get3A_45 : vector<1x128x128xf32> to vector<128x128xf32>
    %dot_general3A_47 = arith.constant dense<0.000000e+00> : vector<128x128xf32>
    %dot_general3A_48 = tpu.matmul %get3A_46, %convert_element_type3A_21, %dot_general3A_47 {dimension_numbers = #tpu.dot_dimension_numbers<[0], [0], [1], [1], [0, 1, 1, 1], [], []>, transpose_lhs_hint = false} : vector<128x128xf32>, vector<128x128xf32>, vector<128x128xf32> -> vector<128x128xf32>
    %get3A_49 = arith.constant 4 : index
    %get3A_50 = arith.constant 0 : index
    %get3A_51 = arith.constant 0 : index
    %get3A_52 = vector.load %arg1[%get3A_49, %get3A_50, %get3A_51] : memref<33x128x128xf32, #tpu.memory_space<vmem>>, vector<1x128x128xf32>
    %get3A_53 = vector.shape_cast %get3A_52 : vector<1x128x128xf32> to vector<128x128xf32>
    %dot_general3A_54 = arith.constant dense<0.000000e+00> : vector<128x128xf32>
    %dot_general3A_55 = tpu.matmul %get3A_53, %convert_element_type3A_21, %dot_general3A_54 {dimension_numbers = #tpu.dot_dimension_numbers<[0], [0], [1], [1], [0, 1, 1, 1], [], []>, transpose_lhs_hint = false} : vector<128x128xf32>, vector<128x128xf32>, vector<128x128xf32> -> vector<128x128xf32>
    %get3A_56 = arith.constant 5 : index
    %get3A_57 = arith.constant 0 : index
    %get3A_58 = arith.constant 0 : index
    %get3A_59 = vector.load %arg1[%get3A_56, %get3A_57, %get3A_58] : memref<33x128x128xf32, #tpu.memory_space<vmem>>, vector<1x128x128xf32>
    %get3A_60 = vector.shape_cast %get3A_59 : vector<1x128x128xf32> to vector<128x128xf32>
    %dot_general3A_61 = arith.constant dense<0.000000e+00> : vector<128x128xf32>
    %dot_general3A_62 = tpu.matmul %get3A_60, %convert_element_type3A_21, %dot_general3A_61 {dimension_numbers = #tpu.dot_dimension_numbers<[0], [0], [1], [1], [0, 1, 1, 1], [], []>, transpose_lhs_hint = false} : vector<128x128xf32>, vector<128x128xf32>, vector<128x128xf32> -> vector<128x128xf32>
    %get3A_63 = arith.constant 6 : index
    %get3A_64 = arith.constant 0 : index
    %get3A_65 = arith.constant 0 : index
    %get3A_66 = vector.load %arg1[%get3A_63, %get3A_64, %get3A_65] : memref<33x128x128xf32, #tpu.memory_space<vmem>>, vector<1x128x128xf32>
    %get3A_67 = vector.shape_cast %get3A_66 : vector<1x128x128xf32> to vector<128x128xf32>
    %dot_general3A_68 = arith.constant dense<0.000000e+00> : vector<128x128xf32>
    %dot_general3A_69 = tpu.matmul %get3A_67, %convert_element_type3A_21, %dot_general3A_68 {dimension_numbers = #tpu.dot_dimension_numbers<[0], [0], [1], [1], [0, 1, 1, 1], [], []>, transpose_lhs_hint = false} : vector<128x128xf32>, vector<128x128xf32>, vector<128x128xf32> -> vector<128x128xf32>
    %get3A_70 = arith.constant 7 : index
    %get3A_71 = arith.constant 0 : index
    %get3A_72 = arith.constant 0 : index
    %get3A_73 = vector.load %arg1[%get3A_70, %get3A_71, %get3A_72] : memref<33x128x128xf32, #tpu.memory_space<vmem>>, vector<1x128x128xf32>
    %get3A_74 = vector.shape_cast %get3A_73 : vector<1x128x128xf32> to vector<128x128xf32>
    %dot_general3A_75 = arith.constant dense<0.000000e+00> : vector<128x128xf32>
    %dot_general3A_76 = tpu.matmul %get3A_74, %convert_element_type3A_21, %dot_general3A_75 {dimension_numbers = #tpu.dot_dimension_numbers<[0], [0], [1], [1], [0, 1, 1, 1], [], []>, transpose_lhs_hint = false} : vector<128x128xf32>, vector<128x128xf32>, vector<128x128xf32> -> vector<128x128xf32>
    %get3A_77 = arith.constant 8 : index
    %get3A_78 = arith.constant 0 : index
    %get3A_79 = arith.constant 0 : index
    %get3A_80 = vector.load %arg1[%get3A_77, %get3A_78, %get3A_79] : memref<33x128x128xf32, #tpu.memory_space<vmem>>, vector<1x128x128xf32>
    %get3A_81 = vector.shape_cast %get3A_80 : vector<1x128x128xf32> to vector<128x128xf32>
    %dot_general3A_82 = arith.constant dense<0.000000e+00> : vector<128x128xf32>
    %dot_general3A_83 = tpu.matmul %get3A_81, %convert_element_type3A_21, %dot_general3A_82 {dimension_numbers = #tpu.dot_dimension_numbers<[0], [0], [1], [1], [0, 1, 1, 1], [], []>, transpose_lhs_hint = false} : vector<128x128xf32>, vector<128x128xf32>, vector<128x128xf32> -> vector<128x128xf32>
    %get3A_84 = arith.constant 9 : index
    %get3A_85 = arith.constant 0 : index
    %get3A_86 = arith.constant 0 : index
    %get3A_87 = vector.load %arg1[%get3A_84, %get3A_85, %get3A_86] : memref<33x128x128xf32, #tpu.memory_space<vmem>>, vector<1x128x128xf32>
    %get3A_88 = vector.shape_cast %get3A_87 : vector<1x128x128xf32> to vector<128x128xf32>
    %dot_general3A_89 = arith.constant dense<0.000000e+00> : vector<128x128xf32>
    %dot_general3A_90 = tpu.matmul %get3A_88, %convert_element_type3A_21, %dot_general3A_89 {dimension_numbers = #tpu.dot_dimension_numbers<[0], [0], [1], [1], [0, 1, 1, 1], [], []>, transpose_lhs_hint = false} : vector<128x128xf32>, vector<128x128xf32>, vector<128x128xf32> -> vector<128x128xf32>
    %get3A_91 = arith.constant 10 : index
    %get3A_92 = arith.constant 0 : index
    %get3A_93 = arith.constant 0 : index
    %get3A_94 = vector.load %arg1[%get3A_91, %get3A_92, %get3A_93] : memref<33x128x128xf32, #tpu.memory_space<vmem>>, vector<1x128x128xf32>
    %get3A_95 = vector.shape_cast %get3A_94 : vector<1x128x128xf32> to vector<128x128xf32>
    %dot_general3A_96 = arith.constant dense<0.000000e+00> : vector<128x128xf32>
    %dot_general3A_97 = tpu.matmul %get3A_95, %convert_element_type3A_21, %dot_general3A_96 {dimension_numbers = #tpu.dot_dimension_numbers<[0], [0], [1], [1], [0, 1, 1, 1], [], []>, transpose_lhs_hint = false} : vector<128x128xf32>, vector<128x128xf32>, vector<128x128xf32> -> vector<128x128xf32>
    %get3A_98 = arith.constant 11 : index
    %get3A_99 = arith.constant 0 : index
    %get3A_100 = arith.constant 0 : index
    %get3A_101 = vector.load %arg1[%get3A_98, %get3A_99, %get3A_100] : memref<33x128x128xf32, #tpu.memory_space<vmem>>, vector<1x128x128xf32>
    %get3A_102 = vector.shape_cast %get3A_101 : vector<1x128x128xf32> to vector<128x128xf32>
    %dot_general3A_103 = arith.constant dense<0.000000e+00> : vector<128x128xf32>
    %dot_general3A_104 = tpu.matmul %get3A_102, %convert_element_type3A_21, %dot_general3A_103 {dimension_numbers = #tpu.dot_dimension_numbers<[0], [0], [1], [1], [0, 1, 1, 1], [], []>, transpose_lhs_hint = false} : vector<128x128xf32>, vector<128x128xf32>, vector<128x128xf32> -> vector<128x128xf32>
    %get3A_105 = arith.constant 12 : index
    %get3A_106 = arith.constant 0 : index
    %get3A_107 = arith.constant 0 : index
    %get3A_108 = vector.load %arg1[%get3A_105, %get3A_106, %get3A_107] : memref<33x128x128xf32, #tpu.memory_space<vmem>>, vector<1x128x128xf32>
    %get3A_109 = vector.shape_cast %get3A_108 : vector<1x128x128xf32> to vector<128x128xf32>
    %dot_general3A_110 = arith.constant dense<0.000000e+00> : vector<128x128xf32>
    %dot_general3A_111 = tpu.matmul %get3A_109, %convert_element_type3A_21, %dot_general3A_110 {dimension_numbers = #tpu.dot_dimension_numbers<[0], [0], [1], [1], [0, 1, 1, 1], [], []>, transpose_lhs_hint = false} : vector<128x128xf32>, vector<128x128xf32>, vector<128x128xf32> -> vector<128x128xf32>
    %get3A_112 = arith.constant 13 : index
    %get3A_113 = arith.constant 0 : index
    %get3A_114 = arith.constant 0 : index
    %get3A_115 = vector.load %arg1[%get3A_112, %get3A_113, %get3A_114] : memref<33x128x128xf32, #tpu.memory_space<vmem>>, vector<1x128x128xf32>
    %get3A_116 = vector.shape_cast %get3A_115 : vector<1x128x128xf32> to vector<128x128xf32>
    %dot_general3A_117 = arith.constant dense<0.000000e+00> : vector<128x128xf32>
    %dot_general3A_118 = tpu.matmul %get3A_116, %convert_element_type3A_21, %dot_general3A_117 {dimension_numbers = #tpu.dot_dimension_numbers<[0], [0], [1], [1], [0, 1, 1, 1], [], []>, transpose_lhs_hint = false} : vector<128x128xf32>, vector<128x128xf32>, vector<128x128xf32> -> vector<128x128xf32>
    %get3A_119 = arith.constant 14 : index
    %get3A_120 = arith.constant 0 : index
    %get3A_121 = arith.constant 0 : index
    %get3A_122 = vector.load %arg1[%get3A_119, %get3A_120, %get3A_121] : memref<33x128x128xf32, #tpu.memory_space<vmem>>, vector<1x128x128xf32>
    %get3A_123 = vector.shape_cast %get3A_122 : vector<1x128x128xf32> to vector<128x128xf32>
    %dot_general3A_124 = arith.constant dense<0.000000e+00> : vector<128x128xf32>
    %dot_general3A_125 = tpu.matmul %get3A_123, %convert_element_type3A_21, %dot_general3A_124 {dimension_numbers = #tpu.dot_dimension_numbers<[0], [0], [1], [1], [0, 1, 1, 1], [], []>, transpose_lhs_hint = false} : vector<128x128xf32>, vector<128x128xf32>, vector<128x128xf32> -> vector<128x128xf32>
    %get3A_126 = arith.constant 15 : index
    %get3A_127 = arith.constant 0 : index
    %get3A_128 = arith.constant 0 : index
    %get3A_129 = vector.load %arg1[%get3A_126, %get3A_127, %get3A_128] : memref<33x128x128xf32, #tpu.memory_space<vmem>>, vector<1x128x128xf32>
    %get3A_130 = vector.shape_cast %get3A_129 : vector<1x128x128xf32> to vector<128x128xf32>
    %dot_general3A_131 = arith.constant dense<0.000000e+00> : vector<128x128xf32>
    %dot_general3A_132 = tpu.matmul %get3A_130, %convert_element_type3A_21, %dot_general3A_131 {dimension_numbers = #tpu.dot_dimension_numbers<[0], [0], [1], [1], [0, 1, 1, 1], [], []>, transpose_lhs_hint = false} : vector<128x128xf32>, vector<128x128xf32>, vector<128x128xf32> -> vector<128x128xf32>
    %get3A_133 = arith.constant 16 : index
    %get3A_134 = arith.constant 0 : index
    %get3A_135 = arith.constant 0 : index
    %get3A_136 = vector.load %arg1[%get3A_133, %get3A_134, %get3A_135] : memref<33x128x128xf32, #tpu.memory_space<vmem>>, vector<1x128x128xf32>
    %get3A_137 = vector.shape_cast %get3A_136 : vector<1x128x128xf32> to vector<128x128xf32>
    %dot_general3A_138 = arith.constant dense<0.000000e+00> : vector<128x128xf32>
    %dot_general3A_139 = tpu.matmul %get3A_137, %convert_element_type3A_21, %dot_general3A_138 {dimension_numbers = #tpu.dot_dimension_numbers<[0], [0], [1], [1], [0, 1, 1, 1], [], []>, transpose_lhs_hint = false} : vector<128x128xf32>, vector<128x128xf32>, vector<128x128xf32> -> vector<128x128xf32>
    %get3A_140 = arith.constant 17 : index
    %get3A_141 = arith.constant 0 : index
    %get3A_142 = arith.constant 0 : index
    %get3A_143 = vector.load %arg1[%get3A_140, %get3A_141, %get3A_142] : memref<33x128x128xf32, #tpu.memory_space<vmem>>, vector<1x128x128xf32>
    %get3A_144 = vector.shape_cast %get3A_143 : vector<1x128x128xf32> to vector<128x128xf32>
    %dot_general3A_145 = arith.constant dense<0.000000e+00> : vector<128x128xf32>
    %dot_general3A_146 = tpu.matmul %get3A_144, %convert_element_type3A_21, %dot_general3A_145 {dimension_numbers = #tpu.dot_dimension_numbers<[0], [0], [1], [1], [0, 1, 1, 1], [], []>, transpose_lhs_hint = false} : vector<128x128xf32>, vector<128x128xf32>, vector<128x128xf32> -> vector<128x128xf32>
    %get3A_147 = arith.constant 18 : index
    %get3A_148 = arith.constant 0 : index
    %get3A_149 = arith.constant 0 : index
    %get3A_150 = vector.load %arg1[%get3A_147, %get3A_148, %get3A_149] : memref<33x128x128xf32, #tpu.memory_space<vmem>>, vector<1x128x128xf32>
    %get3A_151 = vector.shape_cast %get3A_150 : vector<1x128x128xf32> to vector<128x128xf32>
    %dot_general3A_152 = arith.constant dense<0.000000e+00> : vector<128x128xf32>
    %dot_general3A_153 = tpu.matmul %get3A_151, %convert_element_type3A_21, %dot_general3A_152 {dimension_numbers = #tpu.dot_dimension_numbers<[0], [0], [1], [1], [0, 1, 1, 1], [], []>, transpose_lhs_hint = false} : vector<128x128xf32>, vector<128x128xf32>, vector<128x128xf32> -> vector<128x128xf32>
    %get3A_154 = arith.constant 19 : index
    %get3A_155 = arith.constant 0 : index
    %get3A_156 = arith.constant 0 : index
    %get3A_157 = vector.load %arg1[%get3A_154, %get3A_155, %get3A_156] : memref<33x128x128xf32, #tpu.memory_space<vmem>>, vector<1x128x128xf32>
    %get3A_158 = vector.shape_cast %get3A_157 : vector<1x128x128xf32> to vector<128x128xf32>
    %dot_general3A_159 = arith.constant dense<0.000000e+00> : vector<128x128xf32>
    %dot_general3A_160 = tpu.matmul %get3A_158, %convert_element_type3A_21, %dot_general3A_159 {dimension_numbers = #tpu.dot_dimension_numbers<[0], [0], [1], [1], [0, 1, 1, 1], [], []>, transpose_lhs_hint = false} : vector<128x128xf32>, vector<128x128xf32>, vector<128x128xf32> -> vector<128x128xf32>
    %get3A_161 = arith.constant 20 : index
    %get3A_162 = arith.constant 0 : index
    %get3A_163 = arith.constant 0 : index
    %get3A_164 = vector.load %arg1[%get3A_161, %get3A_162, %get3A_163] : memref<33x128x128xf32, #tpu.memory_space<vmem>>, vector<1x128x128xf32>
    %get3A_165 = vector.shape_cast %get3A_164 : vector<1x128x128xf32> to vector<128x128xf32>
    %dot_general3A_166 = arith.constant dense<0.000000e+00> : vector<128x128xf32>
    %dot_general3A_167 = tpu.matmul %get3A_165, %convert_element_type3A_21, %dot_general3A_166 {dimension_numbers = #tpu.dot_dimension_numbers<[0], [0], [1], [1], [0, 1, 1, 1], [], []>, transpose_lhs_hint = false} : vector<128x128xf32>, vector<128x128xf32>, vector<128x128xf32> -> vector<128x128xf32>
    %get3A_168 = arith.constant 21 : index
    %get3A_169 = arith.constant 0 : index
    %get3A_170 = arith.constant 0 : index
    %get3A_171 = vector.load %arg1[%get3A_168, %get3A_169, %get3A_170] : memref<33x128x128xf32, #tpu.memory_space<vmem>>, vector<1x128x128xf32>
    %get3A_172 = vector.shape_cast %get3A_171 : vector<1x128x128xf32> to vector<128x128xf32>
    %dot_general3A_173 = arith.constant dense<0.000000e+00> : vector<128x128xf32>
    %dot_general3A_174 = tpu.matmul %get3A_172, %convert_element_type3A_21, %dot_general3A_173 {dimension_numbers = #tpu.dot_dimension_numbers<[0], [0], [1], [1], [0, 1, 1, 1], [], []>, transpose_lhs_hint = false} : vector<128x128xf32>, vector<128x128xf32>, vector<128x128xf32> -> vector<128x128xf32>
    %get3A_175 = arith.constant 22 : index
    %get3A_176 = arith.constant 0 : index
    %get3A_177 = arith.constant 0 : index
    %get3A_178 = vector.load %arg1[%get3A_175, %get3A_176, %get3A_177] : memref<33x128x128xf32, #tpu.memory_space<vmem>>, vector<1x128x128xf32>
    %get3A_179 = vector.shape_cast %get3A_178 : vector<1x128x128xf32> to vector<128x128xf32>
    %dot_general3A_180 = arith.constant dense<0.000000e+00> : vector<128x128xf32>
    %dot_general3A_181 = tpu.matmul %get3A_179, %convert_element_type3A_21, %dot_general3A_180 {dimension_numbers = #tpu.dot_dimension_numbers<[0], [0], [1], [1], [0, 1, 1, 1], [], []>, transpose_lhs_hint = false} : vector<128x128xf32>, vector<128x128xf32>, vector<128x128xf32> -> vector<128x128xf32>
    %get3A_182 = arith.constant 23 : index
    %get3A_183 = arith.constant 0 : index
    %get3A_184 = arith.constant 0 : index
    %get3A_185 = vector.load %arg1[%get3A_182, %get3A_183, %get3A_184] : memref<33x128x128xf32, #tpu.memory_space<vmem>>, vector<1x128x128xf32>
    %get3A_186 = vector.shape_cast %get3A_185 : vector<1x128x128xf32> to vector<128x128xf32>
    %dot_general3A_187 = arith.constant dense<0.000000e+00> : vector<128x128xf32>
    %dot_general3A_188 = tpu.matmul %get3A_186, %convert_element_type3A_21, %dot_general3A_187 {dimension_numbers = #tpu.dot_dimension_numbers<[0], [0], [1], [1], [0, 1, 1, 1], [], []>, transpose_lhs_hint = false} : vector<128x128xf32>, vector<128x128xf32>, vector<128x128xf32> -> vector<128x128xf32>
    %get3A_189 = arith.constant 24 : index
    %get3A_190 = arith.constant 0 : index
    %get3A_191 = arith.constant 0 : index
    %get3A_192 = vector.load %arg1[%get3A_189, %get3A_190, %get3A_191] : memref<33x128x128xf32, #tpu.memory_space<vmem>>, vector<1x128x128xf32>
    %get3A_193 = vector.shape_cast %get3A_192 : vector<1x128x128xf32> to vector<128x128xf32>
    %dot_general3A_194 = arith.constant dense<0.000000e+00> : vector<128x128xf32>
    %dot_general3A_195 = tpu.matmul %get3A_193, %convert_element_type3A_21, %dot_general3A_194 {dimension_numbers = #tpu.dot_dimension_numbers<[0], [0], [1], [1], [0, 1, 1, 1], [], []>, transpose_lhs_hint = false} : vector<128x128xf32>, vector<128x128xf32>, vector<128x128xf32> -> vector<128x128xf32>
    %get3A_196 = arith.constant 25 : index
    %get3A_197 = arith.constant 0 : index
    %get3A_198 = arith.constant 0 : index
    %get3A_199 = vector.load %arg1[%get3A_196, %get3A_197, %get3A_198] : memref<33x128x128xf32, #tpu.memory_space<vmem>>, vector<1x128x128xf32>
    %get3A_200 = vector.shape_cast %get3A_199 : vector<1x128x128xf32> to vector<128x128xf32>
    %dot_general3A_201 = arith.constant dense<0.000000e+00> : vector<128x128xf32>
    %dot_general3A_202 = tpu.matmul %get3A_200, %convert_element_type3A_21, %dot_general3A_201 {dimension_numbers = #tpu.dot_dimension_numbers<[0], [0], [1], [1], [0, 1, 1, 1], [], []>, transpose_lhs_hint = false} : vector<128x128xf32>, vector<128x128xf32>, vector<128x128xf32> -> vector<128x128xf32>
    %get3A_203 = arith.constant 26 : index
    %get3A_204 = arith.constant 0 : index
    %get3A_205 = arith.constant 0 : index
    %get3A_206 = vector.load %arg1[%get3A_203, %get3A_204, %get3A_205] : memref<33x128x128xf32, #tpu.memory_space<vmem>>, vector<1x128x128xf32>
    %get3A_207 = vector.shape_cast %get3A_206 : vector<1x128x128xf32> to vector<128x128xf32>
    %dot_general3A_208 = arith.constant dense<0.000000e+00> : vector<128x128xf32>
    %dot_general3A_209 = tpu.matmul %get3A_207, %convert_element_type3A_21, %dot_general3A_208 {dimension_numbers = #tpu.dot_dimension_numbers<[0], [0], [1], [1], [0, 1, 1, 1], [], []>, transpose_lhs_hint = false} : vector<128x128xf32>, vector<128x128xf32>, vector<128x128xf32> -> vector<128x128xf32>
    %get3A_210 = arith.constant 27 : index
    %get3A_211 = arith.constant 0 : index
    %get3A_212 = arith.constant 0 : index
    %get3A_213 = vector.load %arg1[%get3A_210, %get3A_211, %get3A_212] : memref<33x128x128xf32, #tpu.memory_space<vmem>>, vector<1x128x128xf32>
    %get3A_214 = vector.shape_cast %get3A_213 : vector<1x128x128xf32> to vector<128x128xf32>
    %dot_general3A_215 = arith.constant dense<0.000000e+00> : vector<128x128xf32>
    %dot_general3A_216 = tpu.matmul %get3A_214, %convert_element_type3A_21, %dot_general3A_215 {dimension_numbers = #tpu.dot_dimension_numbers<[0], [0], [1], [1], [0, 1, 1, 1], [], []>, transpose_lhs_hint = false} : vector<128x128xf32>, vector<128x128xf32>, vector<128x128xf32> -> vector<128x128xf32>
    %get3A_217 = arith.constant 28 : index
    %get3A_218 = arith.constant 0 : index
    %get3A_219 = arith.constant 0 : index
    %get3A_220 = vector.load %arg1[%get3A_217, %get3A_218, %get3A_219] : memref<33x128x128xf32, #tpu.memory_space<vmem>>, vector<1x128x128xf32>
    %get3A_221 = vector.shape_cast %get3A_220 : vector<1x128x128xf32> to vector<128x128xf32>
    %dot_general3A_222 = arith.constant dense<0.000000e+00> : vector<128x128xf32>
    %dot_general3A_223 = tpu.matmul %get3A_221, %convert_element_type3A_21, %dot_general3A_222 {dimension_numbers = #tpu.dot_dimension_numbers<[0], [0], [1], [1], [0, 1, 1, 1], [], []>, transpose_lhs_hint = false} : vector<128x128xf32>, vector<128x128xf32>, vector<128x128xf32> -> vector<128x128xf32>
    %get3A_224 = arith.constant 29 : index
    %get3A_225 = arith.constant 0 : index
    %get3A_226 = arith.constant 0 : index
    %get3A_227 = vector.load %arg1[%get3A_224, %get3A_225, %get3A_226] : memref<33x128x128xf32, #tpu.memory_space<vmem>>, vector<1x128x128xf32>
    %get3A_228 = vector.shape_cast %get3A_227 : vector<1x128x128xf32> to vector<128x128xf32>
    %dot_general3A_229 = arith.constant dense<0.000000e+00> : vector<128x128xf32>
    %dot_general3A_230 = tpu.matmul %get3A_228, %convert_element_type3A_21, %dot_general3A_229 {dimension_numbers = #tpu.dot_dimension_numbers<[0], [0], [1], [1], [0, 1, 1, 1], [], []>, transpose_lhs_hint = false} : vector<128x128xf32>, vector<128x128xf32>, vector<128x128xf32> -> vector<128x128xf32>
    %get3A_231 = arith.constant 30 : index
    %get3A_232 = arith.constant 0 : index
    %get3A_233 = arith.constant 0 : index
    %get3A_234 = vector.load %arg1[%get3A_231, %get3A_232, %get3A_233] : memref<33x128x128xf32, #tpu.memory_space<vmem>>, vector<1x128x128xf32>
    %get3A_235 = vector.shape_cast %get3A_234 : vector<1x128x128xf32> to vector<128x128xf32>
    %dot_general3A_236 = arith.constant dense<0.000000e+00> : vector<128x128xf32>
    %dot_general3A_237 = tpu.matmul %get3A_235, %convert_element_type3A_21, %dot_general3A_236 {dimension_numbers = #tpu.dot_dimension_numbers<[0], [0], [1], [1], [0, 1, 1, 1], [], []>, transpose_lhs_hint = false} : vector<128x128xf32>, vector<128x128xf32>, vector<128x128xf32> -> vector<128x128xf32>
    %get3A_238 = arith.constant 31 : index
    %get3A_239 = arith.constant 0 : index
    %get3A_240 = arith.constant 0 : index
    %get3A_241 = vector.load %arg1[%get3A_238, %get3A_239, %get3A_240] : memref<33x128x128xf32, #tpu.memory_space<vmem>>, vector<1x128x128xf32>
    %get3A_242 = vector.shape_cast %get3A_241 : vector<1x128x128xf32> to vector<128x128xf32>
    %dot_general3A_243 = arith.constant dense<0.000000e+00> : vector<128x128xf32>
    %dot_general3A_244 = tpu.matmul %get3A_242, %convert_element_type3A_21, %dot_general3A_243 {dimension_numbers = #tpu.dot_dimension_numbers<[0], [0], [1], [1], [0, 1, 1, 1], [], []>, transpose_lhs_hint = false} : vector<128x128xf32>, vector<128x128xf32>, vector<128x128xf32> -> vector<128x128xf32>
    %get3A_245 = arith.constant 32 : index
    %get3A_246 = arith.constant 0 : index
    %get3A_247 = arith.constant 0 : index
    %get3A_248 = vector.load %arg1[%get3A_245, %get3A_246, %get3A_247] : memref<33x128x128xf32, #tpu.memory_space<vmem>>, vector<1x128x128xf32>
    %get3A_249 = vector.shape_cast %get3A_248 : vector<1x128x128xf32> to vector<128x128xf32>
    %dot_general3A_250 = arith.constant dense<0.000000e+00> : vector<128x128xf32>
    %dot_general3A_251 = tpu.matmul %get3A_249, %convert_element_type3A_21, %dot_general3A_250 {dimension_numbers = #tpu.dot_dimension_numbers<[0], [0], [1], [1], [0, 1, 1, 1], [], []>, transpose_lhs_hint = false} : vector<128x128xf32>, vector<128x128xf32>, vector<128x128xf32> -> vector<128x128xf32>
    %dot_general3A_252 = arith.constant dense<0.000000e+00> : vector<8x128xf32>
    %dot_general3A_253 = tpu.matmul %get3A_14, %dot_general3A_139, %dot_general3A_252 {dimension_numbers = #tpu.dot_dimension_numbers<[0], [0], [1], [1], [0, 1, 1, 1], [], []>, transpose_lhs_hint = false} : vector<128x8xf32>, vector<128x128xf32>, vector<8x128xf32> -> vector<8x128xf32>
    %dot_general3A_254 = arith.constant dense<0.000000e+00> : vector<8x128xf32>
    %dot_general3A_255 = tpu.matmul %get3A_11, %dot_general3A_27, %dot_general3A_254 {dimension_numbers = #tpu.dot_dimension_numbers<[0], [0], [1], [1], [0, 1, 1, 1], [], []>, transpose_lhs_hint = false} : vector<128x8xf32>, vector<128x128xf32>, vector<8x128xf32> -> vector<8x128xf32>
    %get3A_256 = arith.constant 0 : index
    %get3A_257 = arith.constant 0 : index
    %get3A_258 = arith.constant 0 : index
    %get3A_259 = vector.load %arg2[%get3A_256, %get3A_257, %get3A_258] : memref<33x128x16xf32, #tpu.memory_space<vmem>>, vector<1x128x16xf32>
    %get3A_260 = vector.shape_cast %get3A_259 : vector<1x128x16xf32> to vector<128x16xf32>
    %dot_general3A_261 = arith.constant dense<0.000000e+00> : vector<8x128xf32>
    %dot_general3A_262 = tpu.matmul %get3A_17, %get3A_260, %dot_general3A_261 {dimension_numbers = #tpu.dot_dimension_numbers<[0], [1], [1], [0], [0, 1, 1, 0], [], []>, transpose_lhs_hint = false} : vector<16x8xf32>, vector<128x16xf32>, vector<8x128xf32> -> vector<8x128xf32>
    %add3A = arith.addf %dot_general3A_255, %dot_general3A_262 : vector<8x128xf32>
    %add3A_263 = arith.addf %add3A, %dot_general3A_253 : vector<8x128xf32>
    %ge3A = arith.constant 0.000000e+00 : f32
    %ge3A_264 = vector.broadcast %ge3A : f32 to vector<8x128xf32>
    %ge3A_265 = arith.cmpf oge, %add3A_263, %ge3A_264 : vector<8x128xf32>
    %mul3A = arith.constant 2.000000e-01 : f32
    %mul3A_266 = vector.broadcast %mul3A : f32 to vector<8x128xf32>
    %mul3A_267 = arith.mulf %mul3A_266, %add3A_263 : vector<8x128xf32>
    %select_n3A = arith.select %ge3A_265, %add3A_263, %mul3A_267 : vector<8x128xi1>, vector<8x128xf32>
    %dot_general3A_268 = arith.constant dense<0.000000e+00> : vector<8x128xf32>
    %dot_general3A_269 = tpu.matmul %get3A_11, %dot_general3A_34, %dot_general3A_268 {dimension_numbers = #tpu.dot_dimension_numbers<[0], [0], [1], [1], [0, 1, 1, 1], [], []>, transpose_lhs_hint = false} : vector<128x8xf32>, vector<128x128xf32>, vector<8x128xf32> -> vector<8x128xf32>
    %get3A_270 = arith.constant 1 : index
    %get3A_271 = arith.constant 0 : index
    %get3A_272 = arith.constant 0 : index
    %get3A_273 = vector.load %arg2[%get3A_270, %get3A_271, %get3A_272] : memref<33x128x16xf32, #tpu.memory_space<vmem>>, vector<1x128x16xf32>
    %get3A_274 = vector.shape_cast %get3A_273 : vector<1x128x16xf32> to vector<128x16xf32>
    %dot_general3A_275 = arith.constant dense<0.000000e+00> : vector<8x128xf32>
    %dot_general3A_276 = tpu.matmul %get3A_17, %get3A_274, %dot_general3A_275 {dimension_numbers = #tpu.dot_dimension_numbers<[0], [1], [1], [0], [0, 1, 1, 0], [], []>, transpose_lhs_hint = false} : vector<16x8xf32>, vector<128x16xf32>, vector<8x128xf32> -> vector<8x128xf32>
    %add3A_277 = arith.addf %dot_general3A_269, %dot_general3A_276 : vector<8x128xf32>
    %add3A_278 = arith.addf %add3A_277, %dot_general3A_253 : vector<8x128xf32>
    %ge3A_279 = arith.constant 0.000000e+00 : f32
    %ge3A_280 = vector.broadcast %ge3A_279 : f32 to vector<8x128xf32>
    %ge3A_281 = arith.cmpf oge, %add3A_278, %ge3A_280 : vector<8x128xf32>
    %mul3A_282 = arith.constant 2.000000e-01 : f32
    %mul3A_283 = vector.broadcast %mul3A_282 : f32 to vector<8x128xf32>
    %mul3A_284 = arith.mulf %mul3A_283, %add3A_278 : vector<8x128xf32>
    %select_n3A_285 = arith.select %ge3A_281, %add3A_278, %mul3A_284 : vector<8x128xi1>, vector<8x128xf32>
    %dot_general3A_286 = arith.constant dense<0.000000e+00> : vector<8x128xf32>
    %dot_general3A_287 = tpu.matmul %get3A_11, %dot_general3A_41, %dot_general3A_286 {dimension_numbers = #tpu.dot_dimension_numbers<[0], [0], [1], [1], [0, 1, 1, 1], [], []>, transpose_lhs_hint = false} : vector<128x8xf32>, vector<128x128xf32>, vector<8x128xf32> -> vector<8x128xf32>
    %get3A_288 = arith.constant 2 : index
    %get3A_289 = arith.constant 0 : index
    %get3A_290 = arith.constant 0 : index
    %get3A_291 = vector.load %arg2[%get3A_288, %get3A_289, %get3A_290] : memref<33x128x16xf32, #tpu.memory_space<vmem>>, vector<1x128x16xf32>
    %get3A_292 = vector.shape_cast %get3A_291 : vector<1x128x16xf32> to vector<128x16xf32>
    %dot_general3A_293 = arith.constant dense<0.000000e+00> : vector<8x128xf32>
    %dot_general3A_294 = tpu.matmul %get3A_17, %get3A_292, %dot_general3A_293 {dimension_numbers = #tpu.dot_dimension_numbers<[0], [1], [1], [0], [0, 1, 1, 0], [], []>, transpose_lhs_hint = false} : vector<16x8xf32>, vector<128x16xf32>, vector<8x128xf32> -> vector<8x128xf32>
    %add3A_295 = arith.addf %dot_general3A_287, %dot_general3A_294 : vector<8x128xf32>
    %add3A_296 = arith.addf %add3A_295, %dot_general3A_253 : vector<8x128xf32>
    %ge3A_297 = arith.constant 0.000000e+00 : f32
    %ge3A_298 = vector.broadcast %ge3A_297 : f32 to vector<8x128xf32>
    %ge3A_299 = arith.cmpf oge, %add3A_296, %ge3A_298 : vector<8x128xf32>
    %mul3A_300 = arith.constant 2.000000e-01 : f32
    %mul3A_301 = vector.broadcast %mul3A_300 : f32 to vector<8x128xf32>
    %mul3A_302 = arith.mulf %mul3A_301, %add3A_296 : vector<8x128xf32>
    %select_n3A_303 = arith.select %ge3A_299, %add3A_296, %mul3A_302 : vector<8x128xi1>, vector<8x128xf32>
    %dot_general3A_304 = arith.constant dense<0.000000e+00> : vector<8x128xf32>
    %dot_general3A_305 = tpu.matmul %get3A_11, %dot_general3A_48, %dot_general3A_304 {dimension_numbers = #tpu.dot_dimension_numbers<[0], [0], [1], [1], [0, 1, 1, 1], [], []>, transpose_lhs_hint = false} : vector<128x8xf32>, vector<128x128xf32>, vector<8x128xf32> -> vector<8x128xf32>
    %get3A_306 = arith.constant 3 : index
    %get3A_307 = arith.constant 0 : index
    %get3A_308 = arith.constant 0 : index
    %get3A_309 = vector.load %arg2[%get3A_306, %get3A_307, %get3A_308] : memref<33x128x16xf32, #tpu.memory_space<vmem>>, vector<1x128x16xf32>
    %get3A_310 = vector.shape_cast %get3A_309 : vector<1x128x16xf32> to vector<128x16xf32>
    %dot_general3A_311 = arith.constant dense<0.000000e+00> : vector<8x128xf32>
    %dot_general3A_312 = tpu.matmul %get3A_17, %get3A_310, %dot_general3A_311 {dimension_numbers = #tpu.dot_dimension_numbers<[0], [1], [1], [0], [0, 1, 1, 0], [], []>, transpose_lhs_hint = false} : vector<16x8xf32>, vector<128x16xf32>, vector<8x128xf32> -> vector<8x128xf32>
    %add3A_313 = arith.addf %dot_general3A_305, %dot_general3A_312 : vector<8x128xf32>
    %add3A_314 = arith.addf %add3A_313, %dot_general3A_253 : vector<8x128xf32>
    %ge3A_315 = arith.constant 0.000000e+00 : f32
    %ge3A_316 = vector.broadcast %ge3A_315 : f32 to vector<8x128xf32>
    %ge3A_317 = arith.cmpf oge, %add3A_314, %ge3A_316 : vector<8x128xf32>
    %mul3A_318 = arith.constant 2.000000e-01 : f32
    %mul3A_319 = vector.broadcast %mul3A_318 : f32 to vector<8x128xf32>
    %mul3A_320 = arith.mulf %mul3A_319, %add3A_314 : vector<8x128xf32>
    %select_n3A_321 = arith.select %ge3A_317, %add3A_314, %mul3A_320 : vector<8x128xi1>, vector<8x128xf32>
    %dot_general3A_322 = arith.constant dense<0.000000e+00> : vector<8x128xf32>
    %dot_general3A_323 = tpu.matmul %get3A_11, %dot_general3A_55, %dot_general3A_322 {dimension_numbers = #tpu.dot_dimension_numbers<[0], [0], [1], [1], [0, 1, 1, 1], [], []>, transpose_lhs_hint = false} : vector<128x8xf32>, vector<128x128xf32>, vector<8x128xf32> -> vector<8x128xf32>
    %get3A_324 = arith.constant 4 : index
    %get3A_325 = arith.constant 0 : index
    %get3A_326 = arith.constant 0 : index
    %get3A_327 = vector.load %arg2[%get3A_324, %get3A_325, %get3A_326] : memref<33x128x16xf32, #tpu.memory_space<vmem>>, vector<1x128x16xf32>
    %get3A_328 = vector.shape_cast %get3A_327 : vector<1x128x16xf32> to vector<128x16xf32>
    %dot_general3A_329 = arith.constant dense<0.000000e+00> : vector<8x128xf32>
    %dot_general3A_330 = tpu.matmul %get3A_17, %get3A_328, %dot_general3A_329 {dimension_numbers = #tpu.dot_dimension_numbers<[0], [1], [1], [0], [0, 1, 1, 0], [], []>, transpose_lhs_hint = false} : vector<16x8xf32>, vector<128x16xf32>, vector<8x128xf32> -> vector<8x128xf32>
    %add3A_331 = arith.addf %dot_general3A_323, %dot_general3A_330 : vector<8x128xf32>
    %add3A_332 = arith.addf %add3A_331, %dot_general3A_253 : vector<8x128xf32>
    %ge3A_333 = arith.constant 0.000000e+00 : f32
    %ge3A_334 = vector.broadcast %ge3A_333 : f32 to vector<8x128xf32>
    %ge3A_335 = arith.cmpf oge, %add3A_332, %ge3A_334 : vector<8x128xf32>
    %mul3A_336 = arith.constant 2.000000e-01 : f32
    %mul3A_337 = vector.broadcast %mul3A_336 : f32 to vector<8x128xf32>
    %mul3A_338 = arith.mulf %mul3A_337, %add3A_332 : vector<8x128xf32>
    %select_n3A_339 = arith.select %ge3A_335, %add3A_332, %mul3A_338 : vector<8x128xi1>, vector<8x128xf32>
    %dot_general3A_340 = arith.constant dense<0.000000e+00> : vector<8x128xf32>
    %dot_general3A_341 = tpu.matmul %get3A_11, %dot_general3A_62, %dot_general3A_340 {dimension_numbers = #tpu.dot_dimension_numbers<[0], [0], [1], [1], [0, 1, 1, 1], [], []>, transpose_lhs_hint = false} : vector<128x8xf32>, vector<128x128xf32>, vector<8x128xf32> -> vector<8x128xf32>
    %get3A_342 = arith.constant 5 : index
    %get3A_343 = arith.constant 0 : index
    %get3A_344 = arith.constant 0 : index
    %get3A_345 = vector.load %arg2[%get3A_342, %get3A_343, %get3A_344] : memref<33x128x16xf32, #tpu.memory_space<vmem>>, vector<1x128x16xf32>
    %get3A_346 = vector.shape_cast %get3A_345 : vector<1x128x16xf32> to vector<128x16xf32>
    %dot_general3A_347 = arith.constant dense<0.000000e+00> : vector<8x128xf32>
    %dot_general3A_348 = tpu.matmul %get3A_17, %get3A_346, %dot_general3A_347 {dimension_numbers = #tpu.dot_dimension_numbers<[0], [1], [1], [0], [0, 1, 1, 0], [], []>, transpose_lhs_hint = false} : vector<16x8xf32>, vector<128x16xf32>, vector<8x128xf32> -> vector<8x128xf32>
    %add3A_349 = arith.addf %dot_general3A_341, %dot_general3A_348 : vector<8x128xf32>
    %add3A_350 = arith.addf %add3A_349, %dot_general3A_253 : vector<8x128xf32>
    %ge3A_351 = arith.constant 0.000000e+00 : f32
    %ge3A_352 = vector.broadcast %ge3A_351 : f32 to vector<8x128xf32>
    %ge3A_353 = arith.cmpf oge, %add3A_350, %ge3A_352 : vector<8x128xf32>
    %mul3A_354 = arith.constant 2.000000e-01 : f32
    %mul3A_355 = vector.broadcast %mul3A_354 : f32 to vector<8x128xf32>
    %mul3A_356 = arith.mulf %mul3A_355, %add3A_350 : vector<8x128xf32>
    %select_n3A_357 = arith.select %ge3A_353, %add3A_350, %mul3A_356 : vector<8x128xi1>, vector<8x128xf32>
    %dot_general3A_358 = arith.constant dense<0.000000e+00> : vector<8x128xf32>
    %dot_general3A_359 = tpu.matmul %get3A_11, %dot_general3A_69, %dot_general3A_358 {dimension_numbers = #tpu.dot_dimension_numbers<[0], [0], [1], [1], [0, 1, 1, 1], [], []>, transpose_lhs_hint = false} : vector<128x8xf32>, vector<128x128xf32>, vector<8x128xf32> -> vector<8x128xf32>
    %get3A_360 = arith.constant 6 : index
    %get3A_361 = arith.constant 0 : index
    %get3A_362 = arith.constant 0 : index
    %get3A_363 = vector.load %arg2[%get3A_360, %get3A_361, %get3A_362] : memref<33x128x16xf32, #tpu.memory_space<vmem>>, vector<1x128x16xf32>
    %get3A_364 = vector.shape_cast %get3A_363 : vector<1x128x16xf32> to vector<128x16xf32>
    %dot_general3A_365 = arith.constant dense<0.000000e+00> : vector<8x128xf32>
    %dot_general3A_366 = tpu.matmul %get3A_17, %get3A_364, %dot_general3A_365 {dimension_numbers = #tpu.dot_dimension_numbers<[0], [1], [1], [0], [0, 1, 1, 0], [], []>, transpose_lhs_hint = false} : vector<16x8xf32>, vector<128x16xf32>, vector<8x128xf32> -> vector<8x128xf32>
    %add3A_367 = arith.addf %dot_general3A_359, %dot_general3A_366 : vector<8x128xf32>
    %add3A_368 = arith.addf %add3A_367, %dot_general3A_253 : vector<8x128xf32>
    %ge3A_369 = arith.constant 0.000000e+00 : f32
    %ge3A_370 = vector.broadcast %ge3A_369 : f32 to vector<8x128xf32>
    %ge3A_371 = arith.cmpf oge, %add3A_368, %ge3A_370 : vector<8x128xf32>
    %mul3A_372 = arith.constant 2.000000e-01 : f32
    %mul3A_373 = vector.broadcast %mul3A_372 : f32 to vector<8x128xf32>
    %mul3A_374 = arith.mulf %mul3A_373, %add3A_368 : vector<8x128xf32>
    %select_n3A_375 = arith.select %ge3A_371, %add3A_368, %mul3A_374 : vector<8x128xi1>, vector<8x128xf32>
    %dot_general3A_376 = arith.constant dense<0.000000e+00> : vector<8x128xf32>
    %dot_general3A_377 = tpu.matmul %get3A_11, %dot_general3A_76, %dot_general3A_376 {dimension_numbers = #tpu.dot_dimension_numbers<[0], [0], [1], [1], [0, 1, 1, 1], [], []>, transpose_lhs_hint = false} : vector<128x8xf32>, vector<128x128xf32>, vector<8x128xf32> -> vector<8x128xf32>
    %get3A_378 = arith.constant 7 : index
    %get3A_379 = arith.constant 0 : index
    %get3A_380 = arith.constant 0 : index
    %get3A_381 = vector.load %arg2[%get3A_378, %get3A_379, %get3A_380] : memref<33x128x16xf32, #tpu.memory_space<vmem>>, vector<1x128x16xf32>
    %get3A_382 = vector.shape_cast %get3A_381 : vector<1x128x16xf32> to vector<128x16xf32>
    %dot_general3A_383 = arith.constant dense<0.000000e+00> : vector<8x128xf32>
    %dot_general3A_384 = tpu.matmul %get3A_17, %get3A_382, %dot_general3A_383 {dimension_numbers = #tpu.dot_dimension_numbers<[0], [1], [1], [0], [0, 1, 1, 0], [], []>, transpose_lhs_hint = false} : vector<16x8xf32>, vector<128x16xf32>, vector<8x128xf32> -> vector<8x128xf32>
    %add3A_385 = arith.addf %dot_general3A_377, %dot_general3A_384 : vector<8x128xf32>
    %add3A_386 = arith.addf %add3A_385, %dot_general3A_253 : vector<8x128xf32>
    %ge3A_387 = arith.constant 0.000000e+00 : f32
    %ge3A_388 = vector.broadcast %ge3A_387 : f32 to vector<8x128xf32>
    %ge3A_389 = arith.cmpf oge, %add3A_386, %ge3A_388 : vector<8x128xf32>
    %mul3A_390 = arith.constant 2.000000e-01 : f32
    %mul3A_391 = vector.broadcast %mul3A_390 : f32 to vector<8x128xf32>
    %mul3A_392 = arith.mulf %mul3A_391, %add3A_386 : vector<8x128xf32>
    %select_n3A_393 = arith.select %ge3A_389, %add3A_386, %mul3A_392 : vector<8x128xi1>, vector<8x128xf32>
    %dot_general3A_394 = arith.constant dense<0.000000e+00> : vector<8x128xf32>
    %dot_general3A_395 = tpu.matmul %get3A_11, %dot_general3A_83, %dot_general3A_394 {dimension_numbers = #tpu.dot_dimension_numbers<[0], [0], [1], [1], [0, 1, 1, 1], [], []>, transpose_lhs_hint = false} : vector<128x8xf32>, vector<128x128xf32>, vector<8x128xf32> -> vector<8x128xf32>
    %get3A_396 = arith.constant 8 : index
    %get3A_397 = arith.constant 0 : index
    %get3A_398 = arith.constant 0 : index
    %get3A_399 = vector.load %arg2[%get3A_396, %get3A_397, %get3A_398] : memref<33x128x16xf32, #tpu.memory_space<vmem>>, vector<1x128x16xf32>
    %get3A_400 = vector.shape_cast %get3A_399 : vector<1x128x16xf32> to vector<128x16xf32>
    %dot_general3A_401 = arith.constant dense<0.000000e+00> : vector<8x128xf32>
    %dot_general3A_402 = tpu.matmul %get3A_17, %get3A_400, %dot_general3A_401 {dimension_numbers = #tpu.dot_dimension_numbers<[0], [1], [1], [0], [0, 1, 1, 0], [], []>, transpose_lhs_hint = false} : vector<16x8xf32>, vector<128x16xf32>, vector<8x128xf32> -> vector<8x128xf32>
    %add3A_403 = arith.addf %dot_general3A_395, %dot_general3A_402 : vector<8x128xf32>
    %add3A_404 = arith.addf %add3A_403, %dot_general3A_253 : vector<8x128xf32>
    %ge3A_405 = arith.constant 0.000000e+00 : f32
    %ge3A_406 = vector.broadcast %ge3A_405 : f32 to vector<8x128xf32>
    %ge3A_407 = arith.cmpf oge, %add3A_404, %ge3A_406 : vector<8x128xf32>
    %mul3A_408 = arith.constant 2.000000e-01 : f32
    %mul3A_409 = vector.broadcast %mul3A_408 : f32 to vector<8x128xf32>
    %mul3A_410 = arith.mulf %mul3A_409, %add3A_404 : vector<8x128xf32>
    %select_n3A_411 = arith.select %ge3A_407, %add3A_404, %mul3A_410 : vector<8x128xi1>, vector<8x128xf32>
    %dot_general3A_412 = arith.constant dense<0.000000e+00> : vector<8x128xf32>
    %dot_general3A_413 = tpu.matmul %get3A_11, %dot_general3A_90, %dot_general3A_412 {dimension_numbers = #tpu.dot_dimension_numbers<[0], [0], [1], [1], [0, 1, 1, 1], [], []>, transpose_lhs_hint = false} : vector<128x8xf32>, vector<128x128xf32>, vector<8x128xf32> -> vector<8x128xf32>
    %get3A_414 = arith.constant 9 : index
    %get3A_415 = arith.constant 0 : index
    %get3A_416 = arith.constant 0 : index
    %get3A_417 = vector.load %arg2[%get3A_414, %get3A_415, %get3A_416] : memref<33x128x16xf32, #tpu.memory_space<vmem>>, vector<1x128x16xf32>
    %get3A_418 = vector.shape_cast %get3A_417 : vector<1x128x16xf32> to vector<128x16xf32>
    %dot_general3A_419 = arith.constant dense<0.000000e+00> : vector<8x128xf32>
    %dot_general3A_420 = tpu.matmul %get3A_17, %get3A_418, %dot_general3A_419 {dimension_numbers = #tpu.dot_dimension_numbers<[0], [1], [1], [0], [0, 1, 1, 0], [], []>, transpose_lhs_hint = false} : vector<16x8xf32>, vector<128x16xf32>, vector<8x128xf32> -> vector<8x128xf32>
    %add3A_421 = arith.addf %dot_general3A_413, %dot_general3A_420 : vector<8x128xf32>
    %add3A_422 = arith.addf %add3A_421, %dot_general3A_253 : vector<8x128xf32>
    %ge3A_423 = arith.constant 0.000000e+00 : f32
    %ge3A_424 = vector.broadcast %ge3A_423 : f32 to vector<8x128xf32>
    %ge3A_425 = arith.cmpf oge, %add3A_422, %ge3A_424 : vector<8x128xf32>
    %mul3A_426 = arith.constant 2.000000e-01 : f32
    %mul3A_427 = vector.broadcast %mul3A_426 : f32 to vector<8x128xf32>
    %mul3A_428 = arith.mulf %mul3A_427, %add3A_422 : vector<8x128xf32>
    %select_n3A_429 = arith.select %ge3A_425, %add3A_422, %mul3A_428 : vector<8x128xi1>, vector<8x128xf32>
    %dot_general3A_430 = arith.constant dense<0.000000e+00> : vector<8x128xf32>
    %dot_general3A_431 = tpu.matmul %get3A_11, %dot_general3A_97, %dot_general3A_430 {dimension_numbers = #tpu.dot_dimension_numbers<[0], [0], [1], [1], [0, 1, 1, 1], [], []>, transpose_lhs_hint = false} : vector<128x8xf32>, vector<128x128xf32>, vector<8x128xf32> -> vector<8x128xf32>
    %get3A_432 = arith.constant 10 : index
    %get3A_433 = arith.constant 0 : index
    %get3A_434 = arith.constant 0 : index
    %get3A_435 = vector.load %arg2[%get3A_432, %get3A_433, %get3A_434] : memref<33x128x16xf32, #tpu.memory_space<vmem>>, vector<1x128x16xf32>
    %get3A_436 = vector.shape_cast %get3A_435 : vector<1x128x16xf32> to vector<128x16xf32>
    %dot_general3A_437 = arith.constant dense<0.000000e+00> : vector<8x128xf32>
    %dot_general3A_438 = tpu.matmul %get3A_17, %get3A_436, %dot_general3A_437 {dimension_numbers = #tpu.dot_dimension_numbers<[0], [1], [1], [0], [0, 1, 1, 0], [], []>, transpose_lhs_hint = false} : vector<16x8xf32>, vector<128x16xf32>, vector<8x128xf32> -> vector<8x128xf32>
    %add3A_439 = arith.addf %dot_general3A_431, %dot_general3A_438 : vector<8x128xf32>
    %add3A_440 = arith.addf %add3A_439, %dot_general3A_253 : vector<8x128xf32>
    %ge3A_441 = arith.constant 0.000000e+00 : f32
    %ge3A_442 = vector.broadcast %ge3A_441 : f32 to vector<8x128xf32>
    %ge3A_443 = arith.cmpf oge, %add3A_440, %ge3A_442 : vector<8x128xf32>
    %mul3A_444 = arith.constant 2.000000e-01 : f32
    %mul3A_445 = vector.broadcast %mul3A_444 : f32 to vector<8x128xf32>
    %mul3A_446 = arith.mulf %mul3A_445, %add3A_440 : vector<8x128xf32>
    %select_n3A_447 = arith.select %ge3A_443, %add3A_440, %mul3A_446 : vector<8x128xi1>, vector<8x128xf32>
    %dot_general3A_448 = arith.constant dense<0.000000e+00> : vector<8x128xf32>
    %dot_general3A_449 = tpu.matmul %get3A_11, %dot_general3A_104, %dot_general3A_448 {dimension_numbers = #tpu.dot_dimension_numbers<[0], [0], [1], [1], [0, 1, 1, 1], [], []>, transpose_lhs_hint = false} : vector<128x8xf32>, vector<128x128xf32>, vector<8x128xf32> -> vector<8x128xf32>
    %get3A_450 = arith.constant 11 : index
    %get3A_451 = arith.constant 0 : index
    %get3A_452 = arith.constant 0 : index
    %get3A_453 = vector.load %arg2[%get3A_450, %get3A_451, %get3A_452] : memref<33x128x16xf32, #tpu.memory_space<vmem>>, vector<1x128x16xf32>
    %get3A_454 = vector.shape_cast %get3A_453 : vector<1x128x16xf32> to vector<128x16xf32>
    %dot_general3A_455 = arith.constant dense<0.000000e+00> : vector<8x128xf32>
    %dot_general3A_456 = tpu.matmul %get3A_17, %get3A_454, %dot_general3A_455 {dimension_numbers = #tpu.dot_dimension_numbers<[0], [1], [1], [0], [0, 1, 1, 0], [], []>, transpose_lhs_hint = false} : vector<16x8xf32>, vector<128x16xf32>, vector<8x128xf32> -> vector<8x128xf32>
    %add3A_457 = arith.addf %dot_general3A_449, %dot_general3A_456 : vector<8x128xf32>
    %add3A_458 = arith.addf %add3A_457, %dot_general3A_253 : vector<8x128xf32>
    %ge3A_459 = arith.constant 0.000000e+00 : f32
    %ge3A_460 = vector.broadcast %ge3A_459 : f32 to vector<8x128xf32>
    %ge3A_461 = arith.cmpf oge, %add3A_458, %ge3A_460 : vector<8x128xf32>
    %mul3A_462 = arith.constant 2.000000e-01 : f32
    %mul3A_463 = vector.broadcast %mul3A_462 : f32 to vector<8x128xf32>
    %mul3A_464 = arith.mulf %mul3A_463, %add3A_458 : vector<8x128xf32>
    %select_n3A_465 = arith.select %ge3A_461, %add3A_458, %mul3A_464 : vector<8x128xi1>, vector<8x128xf32>
    %dot_general3A_466 = arith.constant dense<0.000000e+00> : vector<8x128xf32>
    %dot_general3A_467 = tpu.matmul %get3A_11, %dot_general3A_111, %dot_general3A_466 {dimension_numbers = #tpu.dot_dimension_numbers<[0], [0], [1], [1], [0, 1, 1, 1], [], []>, transpose_lhs_hint = false} : vector<128x8xf32>, vector<128x128xf32>, vector<8x128xf32> -> vector<8x128xf32>
    %get3A_468 = arith.constant 12 : index
    %get3A_469 = arith.constant 0 : index
    %get3A_470 = arith.constant 0 : index
    %get3A_471 = vector.load %arg2[%get3A_468, %get3A_469, %get3A_470] : memref<33x128x16xf32, #tpu.memory_space<vmem>>, vector<1x128x16xf32>
    %get3A_472 = vector.shape_cast %get3A_471 : vector<1x128x16xf32> to vector<128x16xf32>
    %dot_general3A_473 = arith.constant dense<0.000000e+00> : vector<8x128xf32>
    %dot_general3A_474 = tpu.matmul %get3A_17, %get3A_472, %dot_general3A_473 {dimension_numbers = #tpu.dot_dimension_numbers<[0], [1], [1], [0], [0, 1, 1, 0], [], []>, transpose_lhs_hint = false} : vector<16x8xf32>, vector<128x16xf32>, vector<8x128xf32> -> vector<8x128xf32>
    %add3A_475 = arith.addf %dot_general3A_467, %dot_general3A_474 : vector<8x128xf32>
    %add3A_476 = arith.addf %add3A_475, %dot_general3A_253 : vector<8x128xf32>
    %ge3A_477 = arith.constant 0.000000e+00 : f32
    %ge3A_478 = vector.broadcast %ge3A_477 : f32 to vector<8x128xf32>
    %ge3A_479 = arith.cmpf oge, %add3A_476, %ge3A_478 : vector<8x128xf32>
    %mul3A_480 = arith.constant 2.000000e-01 : f32
    %mul3A_481 = vector.broadcast %mul3A_480 : f32 to vector<8x128xf32>
    %mul3A_482 = arith.mulf %mul3A_481, %add3A_476 : vector<8x128xf32>
    %select_n3A_483 = arith.select %ge3A_479, %add3A_476, %mul3A_482 : vector<8x128xi1>, vector<8x128xf32>
    %dot_general3A_484 = arith.constant dense<0.000000e+00> : vector<8x128xf32>
    %dot_general3A_485 = tpu.matmul %get3A_11, %dot_general3A_118, %dot_general3A_484 {dimension_numbers = #tpu.dot_dimension_numbers<[0], [0], [1], [1], [0, 1, 1, 1], [], []>, transpose_lhs_hint = false} : vector<128x8xf32>, vector<128x128xf32>, vector<8x128xf32> -> vector<8x128xf32>
    %get3A_486 = arith.constant 13 : index
    %get3A_487 = arith.constant 0 : index
    %get3A_488 = arith.constant 0 : index
    %get3A_489 = vector.load %arg2[%get3A_486, %get3A_487, %get3A_488] : memref<33x128x16xf32, #tpu.memory_space<vmem>>, vector<1x128x16xf32>
    %get3A_490 = vector.shape_cast %get3A_489 : vector<1x128x16xf32> to vector<128x16xf32>
    %dot_general3A_491 = arith.constant dense<0.000000e+00> : vector<8x128xf32>
    %dot_general3A_492 = tpu.matmul %get3A_17, %get3A_490, %dot_general3A_491 {dimension_numbers = #tpu.dot_dimension_numbers<[0], [1], [1], [0], [0, 1, 1, 0], [], []>, transpose_lhs_hint = false} : vector<16x8xf32>, vector<128x16xf32>, vector<8x128xf32> -> vector<8x128xf32>
    %add3A_493 = arith.addf %dot_general3A_485, %dot_general3A_492 : vector<8x128xf32>
    %add3A_494 = arith.addf %add3A_493, %dot_general3A_253 : vector<8x128xf32>
    %ge3A_495 = arith.constant 0.000000e+00 : f32
    %ge3A_496 = vector.broadcast %ge3A_495 : f32 to vector<8x128xf32>
    %ge3A_497 = arith.cmpf oge, %add3A_494, %ge3A_496 : vector<8x128xf32>
    %mul3A_498 = arith.constant 2.000000e-01 : f32
    %mul3A_499 = vector.broadcast %mul3A_498 : f32 to vector<8x128xf32>
    %mul3A_500 = arith.mulf %mul3A_499, %add3A_494 : vector<8x128xf32>
    %select_n3A_501 = arith.select %ge3A_497, %add3A_494, %mul3A_500 : vector<8x128xi1>, vector<8x128xf32>
    %dot_general3A_502 = arith.constant dense<0.000000e+00> : vector<8x128xf32>
    %dot_general3A_503 = tpu.matmul %get3A_11, %dot_general3A_125, %dot_general3A_502 {dimension_numbers = #tpu.dot_dimension_numbers<[0], [0], [1], [1], [0, 1, 1, 1], [], []>, transpose_lhs_hint = false} : vector<128x8xf32>, vector<128x128xf32>, vector<8x128xf32> -> vector<8x128xf32>
    %get3A_504 = arith.constant 14 : index
    %get3A_505 = arith.constant 0 : index
    %get3A_506 = arith.constant 0 : index
    %get3A_507 = vector.load %arg2[%get3A_504, %get3A_505, %get3A_506] : memref<33x128x16xf32, #tpu.memory_space<vmem>>, vector<1x128x16xf32>
    %get3A_508 = vector.shape_cast %get3A_507 : vector<1x128x16xf32> to vector<128x16xf32>
    %dot_general3A_509 = arith.constant dense<0.000000e+00> : vector<8x128xf32>
    %dot_general3A_510 = tpu.matmul %get3A_17, %get3A_508, %dot_general3A_509 {dimension_numbers = #tpu.dot_dimension_numbers<[0], [1], [1], [0], [0, 1, 1, 0], [], []>, transpose_lhs_hint = false} : vector<16x8xf32>, vector<128x16xf32>, vector<8x128xf32> -> vector<8x128xf32>
    %add3A_511 = arith.addf %dot_general3A_503, %dot_general3A_510 : vector<8x128xf32>
    %add3A_512 = arith.addf %add3A_511, %dot_general3A_253 : vector<8x128xf32>
    %ge3A_513 = arith.constant 0.000000e+00 : f32
    %ge3A_514 = vector.broadcast %ge3A_513 : f32 to vector<8x128xf32>
    %ge3A_515 = arith.cmpf oge, %add3A_512, %ge3A_514 : vector<8x128xf32>
    %mul3A_516 = arith.constant 2.000000e-01 : f32
    %mul3A_517 = vector.broadcast %mul3A_516 : f32 to vector<8x128xf32>
    %mul3A_518 = arith.mulf %mul3A_517, %add3A_512 : vector<8x128xf32>
    %select_n3A_519 = arith.select %ge3A_515, %add3A_512, %mul3A_518 : vector<8x128xi1>, vector<8x128xf32>
    %dot_general3A_520 = arith.constant dense<0.000000e+00> : vector<8x128xf32>
    %dot_general3A_521 = tpu.matmul %get3A_11, %dot_general3A_132, %dot_general3A_520 {dimension_numbers = #tpu.dot_dimension_numbers<[0], [0], [1], [1], [0, 1, 1, 1], [], []>, transpose_lhs_hint = false} : vector<128x8xf32>, vector<128x128xf32>, vector<8x128xf32> -> vector<8x128xf32>
    %get3A_522 = arith.constant 15 : index
    %get3A_523 = arith.constant 0 : index
    %get3A_524 = arith.constant 0 : index
    %get3A_525 = vector.load %arg2[%get3A_522, %get3A_523, %get3A_524] : memref<33x128x16xf32, #tpu.memory_space<vmem>>, vector<1x128x16xf32>
    %get3A_526 = vector.shape_cast %get3A_525 : vector<1x128x16xf32> to vector<128x16xf32>
    %dot_general3A_527 = arith.constant dense<0.000000e+00> : vector<8x128xf32>
    %dot_general3A_528 = tpu.matmul %get3A_17, %get3A_526, %dot_general3A_527 {dimension_numbers = #tpu.dot_dimension_numbers<[0], [1], [1], [0], [0, 1, 1, 0], [], []>, transpose_lhs_hint = false} : vector<16x8xf32>, vector<128x16xf32>, vector<8x128xf32> -> vector<8x128xf32>
    %add3A_529 = arith.addf %dot_general3A_521, %dot_general3A_528 : vector<8x128xf32>
    %add3A_530 = arith.addf %add3A_529, %dot_general3A_253 : vector<8x128xf32>
    %ge3A_531 = arith.constant 0.000000e+00 : f32
    %ge3A_532 = vector.broadcast %ge3A_531 : f32 to vector<8x128xf32>
    %ge3A_533 = arith.cmpf oge, %add3A_530, %ge3A_532 : vector<8x128xf32>
    %mul3A_534 = arith.constant 2.000000e-01 : f32
    %mul3A_535 = vector.broadcast %mul3A_534 : f32 to vector<8x128xf32>
    %mul3A_536 = arith.mulf %mul3A_535, %add3A_530 : vector<8x128xf32>
    %select_n3A_537 = arith.select %ge3A_533, %add3A_530, %mul3A_536 : vector<8x128xi1>, vector<8x128xf32>
    %dot_general3A_538 = arith.constant dense<0.000000e+00> : vector<8x128xf32>
    %dot_general3A_539 = tpu.matmul %get3A_11, %dot_general3A_139, %dot_general3A_538 {dimension_numbers = #tpu.dot_dimension_numbers<[0], [0], [1], [1], [0, 1, 1, 1], [], []>, transpose_lhs_hint = false} : vector<128x8xf32>, vector<128x128xf32>, vector<8x128xf32> -> vector<8x128xf32>
    %get3A_540 = arith.constant 16 : index
    %get3A_541 = arith.constant 0 : index
    %get3A_542 = arith.constant 0 : index
    %get3A_543 = vector.load %arg2[%get3A_540, %get3A_541, %get3A_542] : memref<33x128x16xf32, #tpu.memory_space<vmem>>, vector<1x128x16xf32>
    %get3A_544 = vector.shape_cast %get3A_543 : vector<1x128x16xf32> to vector<128x16xf32>
    %dot_general3A_545 = arith.constant dense<0.000000e+00> : vector<8x128xf32>
    %dot_general3A_546 = tpu.matmul %get3A_17, %get3A_544, %dot_general3A_545 {dimension_numbers = #tpu.dot_dimension_numbers<[0], [1], [1], [0], [0, 1, 1, 0], [], []>, transpose_lhs_hint = false} : vector<16x8xf32>, vector<128x16xf32>, vector<8x128xf32> -> vector<8x128xf32>
    %add3A_547 = arith.addf %dot_general3A_539, %dot_general3A_546 : vector<8x128xf32>
    %add3A_548 = arith.addf %add3A_547, %dot_general3A_253 : vector<8x128xf32>
    %ge3A_549 = arith.constant 0.000000e+00 : f32
    %ge3A_550 = vector.broadcast %ge3A_549 : f32 to vector<8x128xf32>
    %ge3A_551 = arith.cmpf oge, %add3A_548, %ge3A_550 : vector<8x128xf32>
    %mul3A_552 = arith.constant 2.000000e-01 : f32
    %mul3A_553 = vector.broadcast %mul3A_552 : f32 to vector<8x128xf32>
    %mul3A_554 = arith.mulf %mul3A_553, %add3A_548 : vector<8x128xf32>
    %select_n3A_555 = arith.select %ge3A_551, %add3A_548, %mul3A_554 : vector<8x128xi1>, vector<8x128xf32>
    %dot_general3A_556 = arith.constant dense<0.000000e+00> : vector<8x128xf32>
    %dot_general3A_557 = tpu.matmul %get3A_11, %dot_general3A_146, %dot_general3A_556 {dimension_numbers = #tpu.dot_dimension_numbers<[0], [0], [1], [1], [0, 1, 1, 1], [], []>, transpose_lhs_hint = false} : vector<128x8xf32>, vector<128x128xf32>, vector<8x128xf32> -> vector<8x128xf32>
    %get3A_558 = arith.constant 17 : index
    %get3A_559 = arith.constant 0 : index
    %get3A_560 = arith.constant 0 : index
    %get3A_561 = vector.load %arg2[%get3A_558, %get3A_559, %get3A_560] : memref<33x128x16xf32, #tpu.memory_space<vmem>>, vector<1x128x16xf32>
    %get3A_562 = vector.shape_cast %get3A_561 : vector<1x128x16xf32> to vector<128x16xf32>
    %dot_general3A_563 = arith.constant dense<0.000000e+00> : vector<8x128xf32>
    %dot_general3A_564 = tpu.matmul %get3A_17, %get3A_562, %dot_general3A_563 {dimension_numbers = #tpu.dot_dimension_numbers<[0], [1], [1], [0], [0, 1, 1, 0], [], []>, transpose_lhs_hint = false} : vector<16x8xf32>, vector<128x16xf32>, vector<8x128xf32> -> vector<8x128xf32>
    %add3A_565 = arith.addf %dot_general3A_557, %dot_general3A_564 : vector<8x128xf32>
    %add3A_566 = arith.addf %add3A_565, %dot_general3A_253 : vector<8x128xf32>
    %ge3A_567 = arith.constant 0.000000e+00 : f32
    %ge3A_568 = vector.broadcast %ge3A_567 : f32 to vector<8x128xf32>
    %ge3A_569 = arith.cmpf oge, %add3A_566, %ge3A_568 : vector<8x128xf32>
    %mul3A_570 = arith.constant 2.000000e-01 : f32
    %mul3A_571 = vector.broadcast %mul3A_570 : f32 to vector<8x128xf32>
    %mul3A_572 = arith.mulf %mul3A_571, %add3A_566 : vector<8x128xf32>
    %select_n3A_573 = arith.select %ge3A_569, %add3A_566, %mul3A_572 : vector<8x128xi1>, vector<8x128xf32>
    %dot_general3A_574 = arith.constant dense<0.000000e+00> : vector<8x128xf32>
    %dot_general3A_575 = tpu.matmul %get3A_11, %dot_general3A_153, %dot_general3A_574 {dimension_numbers = #tpu.dot_dimension_numbers<[0], [0], [1], [1], [0, 1, 1, 1], [], []>, transpose_lhs_hint = false} : vector<128x8xf32>, vector<128x128xf32>, vector<8x128xf32> -> vector<8x128xf32>
    %get3A_576 = arith.constant 18 : index
    %get3A_577 = arith.constant 0 : index
    %get3A_578 = arith.constant 0 : index
    %get3A_579 = vector.load %arg2[%get3A_576, %get3A_577, %get3A_578] : memref<33x128x16xf32, #tpu.memory_space<vmem>>, vector<1x128x16xf32>
    %get3A_580 = vector.shape_cast %get3A_579 : vector<1x128x16xf32> to vector<128x16xf32>
    %dot_general3A_581 = arith.constant dense<0.000000e+00> : vector<8x128xf32>
    %dot_general3A_582 = tpu.matmul %get3A_17, %get3A_580, %dot_general3A_581 {dimension_numbers = #tpu.dot_dimension_numbers<[0], [1], [1], [0], [0, 1, 1, 0], [], []>, transpose_lhs_hint = false} : vector<16x8xf32>, vector<128x16xf32>, vector<8x128xf32> -> vector<8x128xf32>
    %add3A_583 = arith.addf %dot_general3A_575, %dot_general3A_582 : vector<8x128xf32>
    %add3A_584 = arith.addf %add3A_583, %dot_general3A_253 : vector<8x128xf32>
    %ge3A_585 = arith.constant 0.000000e+00 : f32
    %ge3A_586 = vector.broadcast %ge3A_585 : f32 to vector<8x128xf32>
    %ge3A_587 = arith.cmpf oge, %add3A_584, %ge3A_586 : vector<8x128xf32>
    %mul3A_588 = arith.constant 2.000000e-01 : f32
    %mul3A_589 = vector.broadcast %mul3A_588 : f32 to vector<8x128xf32>
    %mul3A_590 = arith.mulf %mul3A_589, %add3A_584 : vector<8x128xf32>
    %select_n3A_591 = arith.select %ge3A_587, %add3A_584, %mul3A_590 : vector<8x128xi1>, vector<8x128xf32>
    %dot_general3A_592 = arith.constant dense<0.000000e+00> : vector<8x128xf32>
    %dot_general3A_593 = tpu.matmul %get3A_11, %dot_general3A_160, %dot_general3A_592 {dimension_numbers = #tpu.dot_dimension_numbers<[0], [0], [1], [1], [0, 1, 1, 1], [], []>, transpose_lhs_hint = false} : vector<128x8xf32>, vector<128x128xf32>, vector<8x128xf32> -> vector<8x128xf32>
    %get3A_594 = arith.constant 19 : index
    %get3A_595 = arith.constant 0 : index
    %get3A_596 = arith.constant 0 : index
    %get3A_597 = vector.load %arg2[%get3A_594, %get3A_595, %get3A_596] : memref<33x128x16xf32, #tpu.memory_space<vmem>>, vector<1x128x16xf32>
    %get3A_598 = vector.shape_cast %get3A_597 : vector<1x128x16xf32> to vector<128x16xf32>
    %dot_general3A_599 = arith.constant dense<0.000000e+00> : vector<8x128xf32>
    %dot_general3A_600 = tpu.matmul %get3A_17, %get3A_598, %dot_general3A_599 {dimension_numbers = #tpu.dot_dimension_numbers<[0], [1], [1], [0], [0, 1, 1, 0], [], []>, transpose_lhs_hint = false} : vector<16x8xf32>, vector<128x16xf32>, vector<8x128xf32> -> vector<8x128xf32>
    %add3A_601 = arith.addf %dot_general3A_593, %dot_general3A_600 : vector<8x128xf32>
    %add3A_602 = arith.addf %add3A_601, %dot_general3A_253 : vector<8x128xf32>
    %ge3A_603 = arith.constant 0.000000e+00 : f32
    %ge3A_604 = vector.broadcast %ge3A_603 : f32 to vector<8x128xf32>
    %ge3A_605 = arith.cmpf oge, %add3A_602, %ge3A_604 : vector<8x128xf32>
    %mul3A_606 = arith.constant 2.000000e-01 : f32
    %mul3A_607 = vector.broadcast %mul3A_606 : f32 to vector<8x128xf32>
    %mul3A_608 = arith.mulf %mul3A_607, %add3A_602 : vector<8x128xf32>
    %select_n3A_609 = arith.select %ge3A_605, %add3A_602, %mul3A_608 : vector<8x128xi1>, vector<8x128xf32>
    %dot_general3A_610 = arith.constant dense<0.000000e+00> : vector<8x128xf32>
    %dot_general3A_611 = tpu.matmul %get3A_11, %dot_general3A_167, %dot_general3A_610 {dimension_numbers = #tpu.dot_dimension_numbers<[0], [0], [1], [1], [0, 1, 1, 1], [], []>, transpose_lhs_hint = false} : vector<128x8xf32>, vector<128x128xf32>, vector<8x128xf32> -> vector<8x128xf32>
    %get3A_612 = arith.constant 20 : index
    %get3A_613 = arith.constant 0 : index
    %get3A_614 = arith.constant 0 : index
    %get3A_615 = vector.load %arg2[%get3A_612, %get3A_613, %get3A_614] : memref<33x128x16xf32, #tpu.memory_space<vmem>>, vector<1x128x16xf32>
    %get3A_616 = vector.shape_cast %get3A_615 : vector<1x128x16xf32> to vector<128x16xf32>
    %dot_general3A_617 = arith.constant dense<0.000000e+00> : vector<8x128xf32>
    %dot_general3A_618 = tpu.matmul %get3A_17, %get3A_616, %dot_general3A_617 {dimension_numbers = #tpu.dot_dimension_numbers<[0], [1], [1], [0], [0, 1, 1, 0], [], []>, transpose_lhs_hint = false} : vector<16x8xf32>, vector<128x16xf32>, vector<8x128xf32> -> vector<8x128xf32>
    %add3A_619 = arith.addf %dot_general3A_611, %dot_general3A_618 : vector<8x128xf32>
    %add3A_620 = arith.addf %add3A_619, %dot_general3A_253 : vector<8x128xf32>
    %ge3A_621 = arith.constant 0.000000e+00 : f32
    %ge3A_622 = vector.broadcast %ge3A_621 : f32 to vector<8x128xf32>
    %ge3A_623 = arith.cmpf oge, %add3A_620, %ge3A_622 : vector<8x128xf32>
    %mul3A_624 = arith.constant 2.000000e-01 : f32
    %mul3A_625 = vector.broadcast %mul3A_624 : f32 to vector<8x128xf32>
    %mul3A_626 = arith.mulf %mul3A_625, %add3A_620 : vector<8x128xf32>
    %select_n3A_627 = arith.select %ge3A_623, %add3A_620, %mul3A_626 : vector<8x128xi1>, vector<8x128xf32>
    %dot_general3A_628 = arith.constant dense<0.000000e+00> : vector<8x128xf32>
    %dot_general3A_629 = tpu.matmul %get3A_11, %dot_general3A_174, %dot_general3A_628 {dimension_numbers = #tpu.dot_dimension_numbers<[0], [0], [1], [1], [0, 1, 1, 1], [], []>, transpose_lhs_hint = false} : vector<128x8xf32>, vector<128x128xf32>, vector<8x128xf32> -> vector<8x128xf32>
    %get3A_630 = arith.constant 21 : index
    %get3A_631 = arith.constant 0 : index
    %get3A_632 = arith.constant 0 : index
    %get3A_633 = vector.load %arg2[%get3A_630, %get3A_631, %get3A_632] : memref<33x128x16xf32, #tpu.memory_space<vmem>>, vector<1x128x16xf32>
    %get3A_634 = vector.shape_cast %get3A_633 : vector<1x128x16xf32> to vector<128x16xf32>
    %dot_general3A_635 = arith.constant dense<0.000000e+00> : vector<8x128xf32>
    %dot_general3A_636 = tpu.matmul %get3A_17, %get3A_634, %dot_general3A_635 {dimension_numbers = #tpu.dot_dimension_numbers<[0], [1], [1], [0], [0, 1, 1, 0], [], []>, transpose_lhs_hint = false} : vector<16x8xf32>, vector<128x16xf32>, vector<8x128xf32> -> vector<8x128xf32>
    %add3A_637 = arith.addf %dot_general3A_629, %dot_general3A_636 : vector<8x128xf32>
    %add3A_638 = arith.addf %add3A_637, %dot_general3A_253 : vector<8x128xf32>
    %ge3A_639 = arith.constant 0.000000e+00 : f32
    %ge3A_640 = vector.broadcast %ge3A_639 : f32 to vector<8x128xf32>
    %ge3A_641 = arith.cmpf oge, %add3A_638, %ge3A_640 : vector<8x128xf32>
    %mul3A_642 = arith.constant 2.000000e-01 : f32
    %mul3A_643 = vector.broadcast %mul3A_642 : f32 to vector<8x128xf32>
    %mul3A_644 = arith.mulf %mul3A_643, %add3A_638 : vector<8x128xf32>
    %select_n3A_645 = arith.select %ge3A_641, %add3A_638, %mul3A_644 : vector<8x128xi1>, vector<8x128xf32>
    %dot_general3A_646 = arith.constant dense<0.000000e+00> : vector<8x128xf32>
    %dot_general3A_647 = tpu.matmul %get3A_11, %dot_general3A_181, %dot_general3A_646 {dimension_numbers = #tpu.dot_dimension_numbers<[0], [0], [1], [1], [0, 1, 1, 1], [], []>, transpose_lhs_hint = false} : vector<128x8xf32>, vector<128x128xf32>, vector<8x128xf32> -> vector<8x128xf32>
    %get3A_648 = arith.constant 22 : index
    %get3A_649 = arith.constant 0 : index
    %get3A_650 = arith.constant 0 : index
    %get3A_651 = vector.load %arg2[%get3A_648, %get3A_649, %get3A_650] : memref<33x128x16xf32, #tpu.memory_space<vmem>>, vector<1x128x16xf32>
    %get3A_652 = vector.shape_cast %get3A_651 : vector<1x128x16xf32> to vector<128x16xf32>
    %dot_general3A_653 = arith.constant dense<0.000000e+00> : vector<8x128xf32>
    %dot_general3A_654 = tpu.matmul %get3A_17, %get3A_652, %dot_general3A_653 {dimension_numbers = #tpu.dot_dimension_numbers<[0], [1], [1], [0], [0, 1, 1, 0], [], []>, transpose_lhs_hint = false} : vector<16x8xf32>, vector<128x16xf32>, vector<8x128xf32> -> vector<8x128xf32>
    %add3A_655 = arith.addf %dot_general3A_647, %dot_general3A_654 : vector<8x128xf32>
    %add3A_656 = arith.addf %add3A_655, %dot_general3A_253 : vector<8x128xf32>
    %ge3A_657 = arith.constant 0.000000e+00 : f32
    %ge3A_658 = vector.broadcast %ge3A_657 : f32 to vector<8x128xf32>
    %ge3A_659 = arith.cmpf oge, %add3A_656, %ge3A_658 : vector<8x128xf32>
    %mul3A_660 = arith.constant 2.000000e-01 : f32
    %mul3A_661 = vector.broadcast %mul3A_660 : f32 to vector<8x128xf32>
    %mul3A_662 = arith.mulf %mul3A_661, %add3A_656 : vector<8x128xf32>
    %select_n3A_663 = arith.select %ge3A_659, %add3A_656, %mul3A_662 : vector<8x128xi1>, vector<8x128xf32>
    %dot_general3A_664 = arith.constant dense<0.000000e+00> : vector<8x128xf32>
    %dot_general3A_665 = tpu.matmul %get3A_11, %dot_general3A_188, %dot_general3A_664 {dimension_numbers = #tpu.dot_dimension_numbers<[0], [0], [1], [1], [0, 1, 1, 1], [], []>, transpose_lhs_hint = false} : vector<128x8xf32>, vector<128x128xf32>, vector<8x128xf32> -> vector<8x128xf32>
    %get3A_666 = arith.constant 23 : index
    %get3A_667 = arith.constant 0 : index
    %get3A_668 = arith.constant 0 : index
    %get3A_669 = vector.load %arg2[%get3A_666, %get3A_667, %get3A_668] : memref<33x128x16xf32, #tpu.memory_space<vmem>>, vector<1x128x16xf32>
    %get3A_670 = vector.shape_cast %get3A_669 : vector<1x128x16xf32> to vector<128x16xf32>
    %dot_general3A_671 = arith.constant dense<0.000000e+00> : vector<8x128xf32>
    %dot_general3A_672 = tpu.matmul %get3A_17, %get3A_670, %dot_general3A_671 {dimension_numbers = #tpu.dot_dimension_numbers<[0], [1], [1], [0], [0, 1, 1, 0], [], []>, transpose_lhs_hint = false} : vector<16x8xf32>, vector<128x16xf32>, vector<8x128xf32> -> vector<8x128xf32>
    %add3A_673 = arith.addf %dot_general3A_665, %dot_general3A_672 : vector<8x128xf32>
    %add3A_674 = arith.addf %add3A_673, %dot_general3A_253 : vector<8x128xf32>
    %ge3A_675 = arith.constant 0.000000e+00 : f32
    %ge3A_676 = vector.broadcast %ge3A_675 : f32 to vector<8x128xf32>
    %ge3A_677 = arith.cmpf oge, %add3A_674, %ge3A_676 : vector<8x128xf32>
    %mul3A_678 = arith.constant 2.000000e-01 : f32
    %mul3A_679 = vector.broadcast %mul3A_678 : f32 to vector<8x128xf32>
    %mul3A_680 = arith.mulf %mul3A_679, %add3A_674 : vector<8x128xf32>
    %select_n3A_681 = arith.select %ge3A_677, %add3A_674, %mul3A_680 : vector<8x128xi1>, vector<8x128xf32>
    %dot_general3A_682 = arith.constant dense<0.000000e+00> : vector<8x128xf32>
    %dot_general3A_683 = tpu.matmul %get3A_11, %dot_general3A_195, %dot_general3A_682 {dimension_numbers = #tpu.dot_dimension_numbers<[0], [0], [1], [1], [0, 1, 1, 1], [], []>, transpose_lhs_hint = false} : vector<128x8xf32>, vector<128x128xf32>, vector<8x128xf32> -> vector<8x128xf32>
    %get3A_684 = arith.constant 24 : index
    %get3A_685 = arith.constant 0 : index
    %get3A_686 = arith.constant 0 : index
    %get3A_687 = vector.load %arg2[%get3A_684, %get3A_685, %get3A_686] : memref<33x128x16xf32, #tpu.memory_space<vmem>>, vector<1x128x16xf32>
    %get3A_688 = vector.shape_cast %get3A_687 : vector<1x128x16xf32> to vector<128x16xf32>
    %dot_general3A_689 = arith.constant dense<0.000000e+00> : vector<8x128xf32>
    %dot_general3A_690 = tpu.matmul %get3A_17, %get3A_688, %dot_general3A_689 {dimension_numbers = #tpu.dot_dimension_numbers<[0], [1], [1], [0], [0, 1, 1, 0], [], []>, transpose_lhs_hint = false} : vector<16x8xf32>, vector<128x16xf32>, vector<8x128xf32> -> vector<8x128xf32>
    %add3A_691 = arith.addf %dot_general3A_683, %dot_general3A_690 : vector<8x128xf32>
    %add3A_692 = arith.addf %add3A_691, %dot_general3A_253 : vector<8x128xf32>
    %ge3A_693 = arith.constant 0.000000e+00 : f32
    %ge3A_694 = vector.broadcast %ge3A_693 : f32 to vector<8x128xf32>
    %ge3A_695 = arith.cmpf oge, %add3A_692, %ge3A_694 : vector<8x128xf32>
    %mul3A_696 = arith.constant 2.000000e-01 : f32
    %mul3A_697 = vector.broadcast %mul3A_696 : f32 to vector<8x128xf32>
    %mul3A_698 = arith.mulf %mul3A_697, %add3A_692 : vector<8x128xf32>
    %select_n3A_699 = arith.select %ge3A_695, %add3A_692, %mul3A_698 : vector<8x128xi1>, vector<8x128xf32>
    %dot_general3A_700 = arith.constant dense<0.000000e+00> : vector<8x128xf32>
    %dot_general3A_701 = tpu.matmul %get3A_11, %dot_general3A_202, %dot_general3A_700 {dimension_numbers = #tpu.dot_dimension_numbers<[0], [0], [1], [1], [0, 1, 1, 1], [], []>, transpose_lhs_hint = false} : vector<128x8xf32>, vector<128x128xf32>, vector<8x128xf32> -> vector<8x128xf32>
    %get3A_702 = arith.constant 25 : index
    %get3A_703 = arith.constant 0 : index
    %get3A_704 = arith.constant 0 : index
    %get3A_705 = vector.load %arg2[%get3A_702, %get3A_703, %get3A_704] : memref<33x128x16xf32, #tpu.memory_space<vmem>>, vector<1x128x16xf32>
    %get3A_706 = vector.shape_cast %get3A_705 : vector<1x128x16xf32> to vector<128x16xf32>
    %dot_general3A_707 = arith.constant dense<0.000000e+00> : vector<8x128xf32>
    %dot_general3A_708 = tpu.matmul %get3A_17, %get3A_706, %dot_general3A_707 {dimension_numbers = #tpu.dot_dimension_numbers<[0], [1], [1], [0], [0, 1, 1, 0], [], []>, transpose_lhs_hint = false} : vector<16x8xf32>, vector<128x16xf32>, vector<8x128xf32> -> vector<8x128xf32>
    %add3A_709 = arith.addf %dot_general3A_701, %dot_general3A_708 : vector<8x128xf32>
    %add3A_710 = arith.addf %add3A_709, %dot_general3A_253 : vector<8x128xf32>
    %ge3A_711 = arith.constant 0.000000e+00 : f32
    %ge3A_712 = vector.broadcast %ge3A_711 : f32 to vector<8x128xf32>
    %ge3A_713 = arith.cmpf oge, %add3A_710, %ge3A_712 : vector<8x128xf32>
    %mul3A_714 = arith.constant 2.000000e-01 : f32
    %mul3A_715 = vector.broadcast %mul3A_714 : f32 to vector<8x128xf32>
    %mul3A_716 = arith.mulf %mul3A_715, %add3A_710 : vector<8x128xf32>
    %select_n3A_717 = arith.select %ge3A_713, %add3A_710, %mul3A_716 : vector<8x128xi1>, vector<8x128xf32>
    %dot_general3A_718 = arith.constant dense<0.000000e+00> : vector<8x128xf32>
    %dot_general3A_719 = tpu.matmul %get3A_11, %dot_general3A_209, %dot_general3A_718 {dimension_numbers = #tpu.dot_dimension_numbers<[0], [0], [1], [1], [0, 1, 1, 1], [], []>, transpose_lhs_hint = false} : vector<128x8xf32>, vector<128x128xf32>, vector<8x128xf32> -> vector<8x128xf32>
    %get3A_720 = arith.constant 26 : index
    %get3A_721 = arith.constant 0 : index
    %get3A_722 = arith.constant 0 : index
    %get3A_723 = vector.load %arg2[%get3A_720, %get3A_721, %get3A_722] : memref<33x128x16xf32, #tpu.memory_space<vmem>>, vector<1x128x16xf32>
    %get3A_724 = vector.shape_cast %get3A_723 : vector<1x128x16xf32> to vector<128x16xf32>
    %dot_general3A_725 = arith.constant dense<0.000000e+00> : vector<8x128xf32>
    %dot_general3A_726 = tpu.matmul %get3A_17, %get3A_724, %dot_general3A_725 {dimension_numbers = #tpu.dot_dimension_numbers<[0], [1], [1], [0], [0, 1, 1, 0], [], []>, transpose_lhs_hint = false} : vector<16x8xf32>, vector<128x16xf32>, vector<8x128xf32> -> vector<8x128xf32>
    %add3A_727 = arith.addf %dot_general3A_719, %dot_general3A_726 : vector<8x128xf32>
    %add3A_728 = arith.addf %add3A_727, %dot_general3A_253 : vector<8x128xf32>
    %ge3A_729 = arith.constant 0.000000e+00 : f32
    %ge3A_730 = vector.broadcast %ge3A_729 : f32 to vector<8x128xf32>
    %ge3A_731 = arith.cmpf oge, %add3A_728, %ge3A_730 : vector<8x128xf32>
    %mul3A_732 = arith.constant 2.000000e-01 : f32
    %mul3A_733 = vector.broadcast %mul3A_732 : f32 to vector<8x128xf32>
    %mul3A_734 = arith.mulf %mul3A_733, %add3A_728 : vector<8x128xf32>
    %select_n3A_735 = arith.select %ge3A_731, %add3A_728, %mul3A_734 : vector<8x128xi1>, vector<8x128xf32>
    %dot_general3A_736 = arith.constant dense<0.000000e+00> : vector<8x128xf32>
    %dot_general3A_737 = tpu.matmul %get3A_11, %dot_general3A_216, %dot_general3A_736 {dimension_numbers = #tpu.dot_dimension_numbers<[0], [0], [1], [1], [0, 1, 1, 1], [], []>, transpose_lhs_hint = false} : vector<128x8xf32>, vector<128x128xf32>, vector<8x128xf32> -> vector<8x128xf32>
    %get3A_738 = arith.constant 27 : index
    %get3A_739 = arith.constant 0 : index
    %get3A_740 = arith.constant 0 : index
    %get3A_741 = vector.load %arg2[%get3A_738, %get3A_739, %get3A_740] : memref<33x128x16xf32, #tpu.memory_space<vmem>>, vector<1x128x16xf32>
    %get3A_742 = vector.shape_cast %get3A_741 : vector<1x128x16xf32> to vector<128x16xf32>
    %dot_general3A_743 = arith.constant dense<0.000000e+00> : vector<8x128xf32>
    %dot_general3A_744 = tpu.matmul %get3A_17, %get3A_742, %dot_general3A_743 {dimension_numbers = #tpu.dot_dimension_numbers<[0], [1], [1], [0], [0, 1, 1, 0], [], []>, transpose_lhs_hint = false} : vector<16x8xf32>, vector<128x16xf32>, vector<8x128xf32> -> vector<8x128xf32>
    %add3A_745 = arith.addf %dot_general3A_737, %dot_general3A_744 : vector<8x128xf32>
    %add3A_746 = arith.addf %add3A_745, %dot_general3A_253 : vector<8x128xf32>
    %ge3A_747 = arith.constant 0.000000e+00 : f32
    %ge3A_748 = vector.broadcast %ge3A_747 : f32 to vector<8x128xf32>
    %ge3A_749 = arith.cmpf oge, %add3A_746, %ge3A_748 : vector<8x128xf32>
    %mul3A_750 = arith.constant 2.000000e-01 : f32
    %mul3A_751 = vector.broadcast %mul3A_750 : f32 to vector<8x128xf32>
    %mul3A_752 = arith.mulf %mul3A_751, %add3A_746 : vector<8x128xf32>
    %select_n3A_753 = arith.select %ge3A_749, %add3A_746, %mul3A_752 : vector<8x128xi1>, vector<8x128xf32>
    %dot_general3A_754 = arith.constant dense<0.000000e+00> : vector<8x128xf32>
    %dot_general3A_755 = tpu.matmul %get3A_11, %dot_general3A_223, %dot_general3A_754 {dimension_numbers = #tpu.dot_dimension_numbers<[0], [0], [1], [1], [0, 1, 1, 1], [], []>, transpose_lhs_hint = false} : vector<128x8xf32>, vector<128x128xf32>, vector<8x128xf32> -> vector<8x128xf32>
    %get3A_756 = arith.constant 28 : index
    %get3A_757 = arith.constant 0 : index
    %get3A_758 = arith.constant 0 : index
    %get3A_759 = vector.load %arg2[%get3A_756, %get3A_757, %get3A_758] : memref<33x128x16xf32, #tpu.memory_space<vmem>>, vector<1x128x16xf32>
    %get3A_760 = vector.shape_cast %get3A_759 : vector<1x128x16xf32> to vector<128x16xf32>
    %dot_general3A_761 = arith.constant dense<0.000000e+00> : vector<8x128xf32>
    %dot_general3A_762 = tpu.matmul %get3A_17, %get3A_760, %dot_general3A_761 {dimension_numbers = #tpu.dot_dimension_numbers<[0], [1], [1], [0], [0, 1, 1, 0], [], []>, transpose_lhs_hint = false} : vector<16x8xf32>, vector<128x16xf32>, vector<8x128xf32> -> vector<8x128xf32>
    %add3A_763 = arith.addf %dot_general3A_755, %dot_general3A_762 : vector<8x128xf32>
    %add3A_764 = arith.addf %add3A_763, %dot_general3A_253 : vector<8x128xf32>
    %ge3A_765 = arith.constant 0.000000e+00 : f32
    %ge3A_766 = vector.broadcast %ge3A_765 : f32 to vector<8x128xf32>
    %ge3A_767 = arith.cmpf oge, %add3A_764, %ge3A_766 : vector<8x128xf32>
    %mul3A_768 = arith.constant 2.000000e-01 : f32
    %mul3A_769 = vector.broadcast %mul3A_768 : f32 to vector<8x128xf32>
    %mul3A_770 = arith.mulf %mul3A_769, %add3A_764 : vector<8x128xf32>
    %select_n3A_771 = arith.select %ge3A_767, %add3A_764, %mul3A_770 : vector<8x128xi1>, vector<8x128xf32>
    %dot_general3A_772 = arith.constant dense<0.000000e+00> : vector<8x128xf32>
    %dot_general3A_773 = tpu.matmul %get3A_11, %dot_general3A_230, %dot_general3A_772 {dimension_numbers = #tpu.dot_dimension_numbers<[0], [0], [1], [1], [0, 1, 1, 1], [], []>, transpose_lhs_hint = false} : vector<128x8xf32>, vector<128x128xf32>, vector<8x128xf32> -> vector<8x128xf32>
    %get3A_774 = arith.constant 29 : index
    %get3A_775 = arith.constant 0 : index
    %get3A_776 = arith.constant 0 : index
    %get3A_777 = vector.load %arg2[%get3A_774, %get3A_775, %get3A_776] : memref<33x128x16xf32, #tpu.memory_space<vmem>>, vector<1x128x16xf32>
    %get3A_778 = vector.shape_cast %get3A_777 : vector<1x128x16xf32> to vector<128x16xf32>
    %dot_general3A_779 = arith.constant dense<0.000000e+00> : vector<8x128xf32>
    %dot_general3A_780 = tpu.matmul %get3A_17, %get3A_778, %dot_general3A_779 {dimension_numbers = #tpu.dot_dimension_numbers<[0], [1], [1], [0], [0, 1, 1, 0], [], []>, transpose_lhs_hint = false} : vector<16x8xf32>, vector<128x16xf32>, vector<8x128xf32> -> vector<8x128xf32>
    %add3A_781 = arith.addf %dot_general3A_773, %dot_general3A_780 : vector<8x128xf32>
    %add3A_782 = arith.addf %add3A_781, %dot_general3A_253 : vector<8x128xf32>
    %ge3A_783 = arith.constant 0.000000e+00 : f32
    %ge3A_784 = vector.broadcast %ge3A_783 : f32 to vector<8x128xf32>
    %ge3A_785 = arith.cmpf oge, %add3A_782, %ge3A_784 : vector<8x128xf32>
    %mul3A_786 = arith.constant 2.000000e-01 : f32
    %mul3A_787 = vector.broadcast %mul3A_786 : f32 to vector<8x128xf32>
    %mul3A_788 = arith.mulf %mul3A_787, %add3A_782 : vector<8x128xf32>
    %select_n3A_789 = arith.select %ge3A_785, %add3A_782, %mul3A_788 : vector<8x128xi1>, vector<8x128xf32>
    %dot_general3A_790 = arith.constant dense<0.000000e+00> : vector<8x128xf32>
    %dot_general3A_791 = tpu.matmul %get3A_11, %dot_general3A_237, %dot_general3A_790 {dimension_numbers = #tpu.dot_dimension_numbers<[0], [0], [1], [1], [0, 1, 1, 1], [], []>, transpose_lhs_hint = false} : vector<128x8xf32>, vector<128x128xf32>, vector<8x128xf32> -> vector<8x128xf32>
    %get3A_792 = arith.constant 30 : index
    %get3A_793 = arith.constant 0 : index
    %get3A_794 = arith.constant 0 : index
    %get3A_795 = vector.load %arg2[%get3A_792, %get3A_793, %get3A_794] : memref<33x128x16xf32, #tpu.memory_space<vmem>>, vector<1x128x16xf32>
    %get3A_796 = vector.shape_cast %get3A_795 : vector<1x128x16xf32> to vector<128x16xf32>
    %dot_general3A_797 = arith.constant dense<0.000000e+00> : vector<8x128xf32>
    %dot_general3A_798 = tpu.matmul %get3A_17, %get3A_796, %dot_general3A_797 {dimension_numbers = #tpu.dot_dimension_numbers<[0], [1], [1], [0], [0, 1, 1, 0], [], []>, transpose_lhs_hint = false} : vector<16x8xf32>, vector<128x16xf32>, vector<8x128xf32> -> vector<8x128xf32>
    %add3A_799 = arith.addf %dot_general3A_791, %dot_general3A_798 : vector<8x128xf32>
    %add3A_800 = arith.addf %add3A_799, %dot_general3A_253 : vector<8x128xf32>
    %ge3A_801 = arith.constant 0.000000e+00 : f32
    %ge3A_802 = vector.broadcast %ge3A_801 : f32 to vector<8x128xf32>
    %ge3A_803 = arith.cmpf oge, %add3A_800, %ge3A_802 : vector<8x128xf32>
    %mul3A_804 = arith.constant 2.000000e-01 : f32
    %mul3A_805 = vector.broadcast %mul3A_804 : f32 to vector<8x128xf32>
    %mul3A_806 = arith.mulf %mul3A_805, %add3A_800 : vector<8x128xf32>
    %select_n3A_807 = arith.select %ge3A_803, %add3A_800, %mul3A_806 : vector<8x128xi1>, vector<8x128xf32>
    %dot_general3A_808 = arith.constant dense<0.000000e+00> : vector<8x128xf32>
    %dot_general3A_809 = tpu.matmul %get3A_11, %dot_general3A_244, %dot_general3A_808 {dimension_numbers = #tpu.dot_dimension_numbers<[0], [0], [1], [1], [0, 1, 1, 1], [], []>, transpose_lhs_hint = false} : vector<128x8xf32>, vector<128x128xf32>, vector<8x128xf32> -> vector<8x128xf32>
    %get3A_810 = arith.constant 31 : index
    %get3A_811 = arith.constant 0 : index
    %get3A_812 = arith.constant 0 : index
    %get3A_813 = vector.load %arg2[%get3A_810, %get3A_811, %get3A_812] : memref<33x128x16xf32, #tpu.memory_space<vmem>>, vector<1x128x16xf32>
    %get3A_814 = vector.shape_cast %get3A_813 : vector<1x128x16xf32> to vector<128x16xf32>
    %dot_general3A_815 = arith.constant dense<0.000000e+00> : vector<8x128xf32>
    %dot_general3A_816 = tpu.matmul %get3A_17, %get3A_814, %dot_general3A_815 {dimension_numbers = #tpu.dot_dimension_numbers<[0], [1], [1], [0], [0, 1, 1, 0], [], []>, transpose_lhs_hint = false} : vector<16x8xf32>, vector<128x16xf32>, vector<8x128xf32> -> vector<8x128xf32>
    %add3A_817 = arith.addf %dot_general3A_809, %dot_general3A_816 : vector<8x128xf32>
    %add3A_818 = arith.addf %add3A_817, %dot_general3A_253 : vector<8x128xf32>
    %ge3A_819 = arith.constant 0.000000e+00 : f32
    %ge3A_820 = vector.broadcast %ge3A_819 : f32 to vector<8x128xf32>
    %ge3A_821 = arith.cmpf oge, %add3A_818, %ge3A_820 : vector<8x128xf32>
    %mul3A_822 = arith.constant 2.000000e-01 : f32
    %mul3A_823 = vector.broadcast %mul3A_822 : f32 to vector<8x128xf32>
    %mul3A_824 = arith.mulf %mul3A_823, %add3A_818 : vector<8x128xf32>
    %select_n3A_825 = arith.select %ge3A_821, %add3A_818, %mul3A_824 : vector<8x128xi1>, vector<8x128xf32>
    %dot_general3A_826 = arith.constant dense<0.000000e+00> : vector<8x128xf32>
    %dot_general3A_827 = tpu.matmul %get3A_11, %dot_general3A_251, %dot_general3A_826 {dimension_numbers = #tpu.dot_dimension_numbers<[0], [0], [1], [1], [0, 1, 1, 1], [], []>, transpose_lhs_hint = false} : vector<128x8xf32>, vector<128x128xf32>, vector<8x128xf32> -> vector<8x128xf32>
    %get3A_828 = arith.constant 32 : index
    %get3A_829 = arith.constant 0 : index
    %get3A_830 = arith.constant 0 : index
    %get3A_831 = vector.load %arg2[%get3A_828, %get3A_829, %get3A_830] : memref<33x128x16xf32, #tpu.memory_space<vmem>>, vector<1x128x16xf32>
    %get3A_832 = vector.shape_cast %get3A_831 : vector<1x128x16xf32> to vector<128x16xf32>
    %dot_general3A_833 = arith.constant dense<0.000000e+00> : vector<8x128xf32>
    %dot_general3A_834 = tpu.matmul %get3A_17, %get3A_832, %dot_general3A_833 {dimension_numbers = #tpu.dot_dimension_numbers<[0], [1], [1], [0], [0, 1, 1, 0], [], []>, transpose_lhs_hint = false} : vector<16x8xf32>, vector<128x16xf32>, vector<8x128xf32> -> vector<8x128xf32>
    %add3A_835 = arith.addf %dot_general3A_827, %dot_general3A_834 : vector<8x128xf32>
    %add3A_836 = arith.addf %add3A_835, %dot_general3A_253 : vector<8x128xf32>
    %ge3A_837 = arith.constant 0.000000e+00 : f32
    %ge3A_838 = vector.broadcast %ge3A_837 : f32 to vector<8x128xf32>
    %ge3A_839 = arith.cmpf oge, %add3A_836, %ge3A_838 : vector<8x128xf32>
    %mul3A_840 = arith.constant 2.000000e-01 : f32
    %mul3A_841 = vector.broadcast %mul3A_840 : f32 to vector<8x128xf32>
    %mul3A_842 = arith.mulf %mul3A_841, %add3A_836 : vector<8x128xf32>
    %select_n3A_843 = arith.select %ge3A_839, %add3A_836, %mul3A_842 : vector<8x128xi1>, vector<8x128xf32>
    %max3A = arith.maximumf %select_n3A, %select_n3A_285 : vector<8x128xf32>
    %max3A_844 = arith.maximumf %max3A, %select_n3A_303 : vector<8x128xf32>
    %max3A_845 = arith.maximumf %max3A_844, %select_n3A_321 : vector<8x128xf32>
    %max3A_846 = arith.maximumf %max3A_845, %select_n3A_339 : vector<8x128xf32>
    %max3A_847 = arith.maximumf %max3A_846, %select_n3A_357 : vector<8x128xf32>
    %max3A_848 = arith.maximumf %max3A_847, %select_n3A_375 : vector<8x128xf32>
    %max3A_849 = arith.maximumf %max3A_848, %select_n3A_393 : vector<8x128xf32>
    %max3A_850 = arith.maximumf %max3A_849, %select_n3A_411 : vector<8x128xf32>
    %max3A_851 = arith.maximumf %max3A_850, %select_n3A_429 : vector<8x128xf32>
    %max3A_852 = arith.maximumf %max3A_851, %select_n3A_447 : vector<8x128xf32>
    %max3A_853 = arith.maximumf %max3A_852, %select_n3A_465 : vector<8x128xf32>
    %max3A_854 = arith.maximumf %max3A_853, %select_n3A_483 : vector<8x128xf32>
    %max3A_855 = arith.maximumf %max3A_854, %select_n3A_501 : vector<8x128xf32>
    %max3A_856 = arith.maximumf %max3A_855, %select_n3A_519 : vector<8x128xf32>
    %max3A_857 = arith.maximumf %max3A_856, %select_n3A_537 : vector<8x128xf32>
    %max3A_858 = arith.maximumf %max3A_857, %select_n3A_555 : vector<8x128xf32>
    %max3A_859 = arith.maximumf %select_n3A_573, %select_n3A_591 : vector<8x128xf32>
    %max3A_860 = arith.maximumf %max3A_859, %select_n3A_609 : vector<8x128xf32>
    %max3A_861 = arith.maximumf %max3A_860, %select_n3A_627 : vector<8x128xf32>
    %max3A_862 = arith.maximumf %max3A_861, %select_n3A_645 : vector<8x128xf32>
    %max3A_863 = arith.maximumf %max3A_862, %select_n3A_663 : vector<8x128xf32>
    %max3A_864 = arith.maximumf %max3A_863, %select_n3A_681 : vector<8x128xf32>
    %max3A_865 = arith.maximumf %max3A_864, %select_n3A_699 : vector<8x128xf32>
    %max3A_866 = arith.maximumf %max3A_865, %select_n3A_717 : vector<8x128xf32>
    %max3A_867 = arith.maximumf %max3A_866, %select_n3A_735 : vector<8x128xf32>
    %max3A_868 = arith.maximumf %max3A_867, %select_n3A_753 : vector<8x128xf32>
    %max3A_869 = arith.maximumf %max3A_868, %select_n3A_771 : vector<8x128xf32>
    %max3A_870 = arith.maximumf %max3A_869, %select_n3A_789 : vector<8x128xf32>
    %max3A_871 = arith.maximumf %max3A_870, %select_n3A_807 : vector<8x128xf32>
    %max3A_872 = arith.maximumf %max3A_871, %select_n3A_825 : vector<8x128xf32>
    %max3A_873 = arith.maximumf %max3A_872, %select_n3A_843 : vector<8x128xf32>
    %sub3A = arith.subf %select_n3A, %max3A_858 : vector<8x128xf32>
    %exp3A = math.exp %sub3A : vector<8x128xf32>
    %sub3A_874 = arith.subf %select_n3A_285, %max3A_858 : vector<8x128xf32>
    %exp3A_875 = math.exp %sub3A_874 : vector<8x128xf32>
    %sub3A_876 = arith.subf %select_n3A_303, %max3A_858 : vector<8x128xf32>
    %exp3A_877 = math.exp %sub3A_876 : vector<8x128xf32>
    %sub3A_878 = arith.subf %select_n3A_321, %max3A_858 : vector<8x128xf32>
    %exp3A_879 = math.exp %sub3A_878 : vector<8x128xf32>
    %sub3A_880 = arith.subf %select_n3A_339, %max3A_858 : vector<8x128xf32>
    %exp3A_881 = math.exp %sub3A_880 : vector<8x128xf32>
    %sub3A_882 = arith.subf %select_n3A_357, %max3A_858 : vector<8x128xf32>
    %exp3A_883 = math.exp %sub3A_882 : vector<8x128xf32>
    %sub3A_884 = arith.subf %select_n3A_375, %max3A_858 : vector<8x128xf32>
    %exp3A_885 = math.exp %sub3A_884 : vector<8x128xf32>
    %sub3A_886 = arith.subf %select_n3A_393, %max3A_858 : vector<8x128xf32>
    %exp3A_887 = math.exp %sub3A_886 : vector<8x128xf32>
    %sub3A_888 = arith.subf %select_n3A_411, %max3A_858 : vector<8x128xf32>
    %exp3A_889 = math.exp %sub3A_888 : vector<8x128xf32>
    %sub3A_890 = arith.subf %select_n3A_429, %max3A_858 : vector<8x128xf32>
    %exp3A_891 = math.exp %sub3A_890 : vector<8x128xf32>
    %sub3A_892 = arith.subf %select_n3A_447, %max3A_858 : vector<8x128xf32>
    %exp3A_893 = math.exp %sub3A_892 : vector<8x128xf32>
    %sub3A_894 = arith.subf %select_n3A_465, %max3A_858 : vector<8x128xf32>
    %exp3A_895 = math.exp %sub3A_894 : vector<8x128xf32>
    %sub3A_896 = arith.subf %select_n3A_483, %max3A_858 : vector<8x128xf32>
    %exp3A_897 = math.exp %sub3A_896 : vector<8x128xf32>
    %sub3A_898 = arith.subf %select_n3A_501, %max3A_858 : vector<8x128xf32>
    %exp3A_899 = math.exp %sub3A_898 : vector<8x128xf32>
    %sub3A_900 = arith.subf %select_n3A_519, %max3A_858 : vector<8x128xf32>
    %exp3A_901 = math.exp %sub3A_900 : vector<8x128xf32>
    %sub3A_902 = arith.subf %select_n3A_537, %max3A_858 : vector<8x128xf32>
    %exp3A_903 = math.exp %sub3A_902 : vector<8x128xf32>
    %sub3A_904 = arith.subf %select_n3A_555, %max3A_858 : vector<8x128xf32>
    %exp3A_905 = math.exp %sub3A_904 : vector<8x128xf32>
    %sub3A_906 = arith.subf %select_n3A_573, %max3A_873 : vector<8x128xf32>
    %exp3A_907 = math.exp %sub3A_906 : vector<8x128xf32>
    %sub3A_908 = arith.subf %select_n3A_591, %max3A_873 : vector<8x128xf32>
    %exp3A_909 = math.exp %sub3A_908 : vector<8x128xf32>
    %sub3A_910 = arith.subf %select_n3A_609, %max3A_873 : vector<8x128xf32>
    %exp3A_911 = math.exp %sub3A_910 : vector<8x128xf32>
    %sub3A_912 = arith.subf %select_n3A_627, %max3A_873 : vector<8x128xf32>
    %exp3A_913 = math.exp %sub3A_912 : vector<8x128xf32>
    %sub3A_914 = arith.subf %select_n3A_645, %max3A_873 : vector<8x128xf32>
    %exp3A_915 = math.exp %sub3A_914 : vector<8x128xf32>
    %sub3A_916 = arith.subf %select_n3A_663, %max3A_873 : vector<8x128xf32>
    %exp3A_917 = math.exp %sub3A_916 : vector<8x128xf32>
    %sub3A_918 = arith.subf %select_n3A_681, %max3A_873 : vector<8x128xf32>
    %exp3A_919 = math.exp %sub3A_918 : vector<8x128xf32>
    %sub3A_920 = arith.subf %select_n3A_699, %max3A_873 : vector<8x128xf32>
    %exp3A_921 = math.exp %sub3A_920 : vector<8x128xf32>
    %sub3A_922 = arith.subf %select_n3A_717, %max3A_873 : vector<8x128xf32>
    %exp3A_923 = math.exp %sub3A_922 : vector<8x128xf32>
    %sub3A_924 = arith.subf %select_n3A_735, %max3A_873 : vector<8x128xf32>
    %exp3A_925 = math.exp %sub3A_924 : vector<8x128xf32>
    %sub3A_926 = arith.subf %select_n3A_753, %max3A_873 : vector<8x128xf32>
    %exp3A_927 = math.exp %sub3A_926 : vector<8x128xf32>
    %sub3A_928 = arith.subf %select_n3A_771, %max3A_873 : vector<8x128xf32>
    %exp3A_929 = math.exp %sub3A_928 : vector<8x128xf32>
    %sub3A_930 = arith.subf %select_n3A_789, %max3A_873 : vector<8x128xf32>
    %exp3A_931 = math.exp %sub3A_930 : vector<8x128xf32>
    %sub3A_932 = arith.subf %select_n3A_807, %max3A_873 : vector<8x128xf32>
    %exp3A_933 = math.exp %sub3A_932 : vector<8x128xf32>
    %sub3A_934 = arith.subf %select_n3A_825, %max3A_873 : vector<8x128xf32>
    %exp3A_935 = math.exp %sub3A_934 : vector<8x128xf32>
    %sub3A_936 = arith.subf %select_n3A_843, %max3A_873 : vector<8x128xf32>
    %exp3A_937 = math.exp %sub3A_936 : vector<8x128xf32>
    %add3A_938 = arith.addf %exp3A, %exp3A_875 : vector<8x128xf32>
    %add3A_939 = arith.addf %add3A_938, %exp3A_877 : vector<8x128xf32>
    %add3A_940 = arith.addf %add3A_939, %exp3A_879 : vector<8x128xf32>
    %add3A_941 = arith.addf %add3A_940, %exp3A_881 : vector<8x128xf32>
    %add3A_942 = arith.addf %add3A_941, %exp3A_883 : vector<8x128xf32>
    %add3A_943 = arith.addf %add3A_942, %exp3A_885 : vector<8x128xf32>
    %add3A_944 = arith.addf %add3A_943, %exp3A_887 : vector<8x128xf32>
    %add3A_945 = arith.addf %add3A_944, %exp3A_889 : vector<8x128xf32>
    %add3A_946 = arith.addf %add3A_945, %exp3A_891 : vector<8x128xf32>
    %add3A_947 = arith.addf %add3A_946, %exp3A_893 : vector<8x128xf32>
    %add3A_948 = arith.addf %add3A_947, %exp3A_895 : vector<8x128xf32>
    %add3A_949 = arith.addf %add3A_948, %exp3A_897 : vector<8x128xf32>
    %add3A_950 = arith.addf %add3A_949, %exp3A_899 : vector<8x128xf32>
    %add3A_951 = arith.addf %add3A_950, %exp3A_901 : vector<8x128xf32>
    %add3A_952 = arith.addf %add3A_951, %exp3A_903 : vector<8x128xf32>
    %add3A_953 = arith.addf %add3A_952, %exp3A_905 : vector<8x128xf32>
    %add3A_954 = arith.addf %exp3A_907, %exp3A_909 : vector<8x128xf32>
    %add3A_955 = arith.addf %add3A_954, %exp3A_911 : vector<8x128xf32>
    %add3A_956 = arith.addf %add3A_955, %exp3A_913 : vector<8x128xf32>
    %add3A_957 = arith.addf %add3A_956, %exp3A_915 : vector<8x128xf32>
    %add3A_958 = arith.addf %add3A_957, %exp3A_917 : vector<8x128xf32>
    %add3A_959 = arith.addf %add3A_958, %exp3A_919 : vector<8x128xf32>
    %add3A_960 = arith.addf %add3A_959, %exp3A_921 : vector<8x128xf32>
    %add3A_961 = arith.addf %add3A_960, %exp3A_923 : vector<8x128xf32>
    %add3A_962 = arith.addf %add3A_961, %exp3A_925 : vector<8x128xf32>
    %add3A_963 = arith.addf %add3A_962, %exp3A_927 : vector<8x128xf32>
    %add3A_964 = arith.addf %add3A_963, %exp3A_929 : vector<8x128xf32>
    %add3A_965 = arith.addf %add3A_964, %exp3A_931 : vector<8x128xf32>
    %add3A_966 = arith.addf %add3A_965, %exp3A_933 : vector<8x128xf32>
    %add3A_967 = arith.addf %add3A_966, %exp3A_935 : vector<8x128xf32>
    %add3A_968 = arith.addf %add3A_967, %exp3A_937 : vector<8x128xf32>
    %div3A = arith.constant 1.000000e+00 : f32
    %div3A_969 = vector.broadcast %div3A : f32 to vector<8x128xf32>
    %div3A_970 = arith.divf %div3A_969, %add3A_953 : vector<8x128xf32>
    %div3A_971 = arith.constant 1.000000e+00 : f32
    %div3A_972 = vector.broadcast %div3A_971 : f32 to vector<8x128xf32>
    %div3A_973 = arith.divf %div3A_972, %add3A_968 : vector<8x128xf32>
    %broadcast_in_dim3A = arith.constant 0.000000e+00 : f32
    %broadcast_in_dim3A_974 = vector.broadcast %broadcast_in_dim3A : f32 to vector<128x128xf32>
    %broadcast_in_dim3A_975 = arith.constant 0.000000e+00 : f32
    %broadcast_in_dim3A_976 = vector.broadcast %broadcast_in_dim3A_975 : f32 to vector<128x128xf32>
    %slice3A = vector.extract_strided_slice %exp3A {offsets = [0, 0], sizes = [1, 128], strides = [1, 1]} : vector<8x128xf32> to vector<1x128xf32>
    %mul3A_977 = vector.broadcast %slice3A : vector<1x128xf32> to vector<128x128xf32>
    %mul3A_978 = arith.mulf %mul3A_977, %dot_general3A_27 : vector<128x128xf32>
    %add3A_979 = arith.addf %broadcast_in_dim3A_974, %mul3A_978 : vector<128x128xf32>
    %slice3A_980 = vector.extract_strided_slice %exp3A {offsets = [1, 0], sizes = [1, 128], strides = [1, 1]} : vector<8x128xf32> to vector<1x128xf32>
    %mul3A_981 = vector.broadcast %slice3A_980 : vector<1x128xf32> to vector<128x128xf32>
    %mul3A_982 = arith.mulf %mul3A_981, %dot_general3A_27 : vector<128x128xf32>
    %add3A_983 = arith.addf %broadcast_in_dim3A_976, %mul3A_982 : vector<128x128xf32>
    %slice3A_984 = vector.extract_strided_slice %exp3A_875 {offsets = [0, 0], sizes = [1, 128], strides = [1, 1]} : vector<8x128xf32> to vector<1x128xf32>
    %mul3A_985 = vector.broadcast %slice3A_984 : vector<1x128xf32> to vector<128x128xf32>
    %mul3A_986 = arith.mulf %mul3A_985, %dot_general3A_34 : vector<128x128xf32>
    %add3A_987 = arith.addf %add3A_979, %mul3A_986 : vector<128x128xf32>
    %slice3A_988 = vector.extract_strided_slice %exp3A_875 {offsets = [1, 0], sizes = [1, 128], strides = [1, 1]} : vector<8x128xf32> to vector<1x128xf32>
    %mul3A_989 = vector.broadcast %slice3A_988 : vector<1x128xf32> to vector<128x128xf32>
    %mul3A_990 = arith.mulf %mul3A_989, %dot_general3A_34 : vector<128x128xf32>
    %add3A_991 = arith.addf %add3A_983, %mul3A_990 : vector<128x128xf32>
    %slice3A_992 = vector.extract_strided_slice %exp3A_877 {offsets = [0, 0], sizes = [1, 128], strides = [1, 1]} : vector<8x128xf32> to vector<1x128xf32>
    %mul3A_993 = vector.broadcast %slice3A_992 : vector<1x128xf32> to vector<128x128xf32>
    %mul3A_994 = arith.mulf %mul3A_993, %dot_general3A_41 : vector<128x128xf32>
    %add3A_995 = arith.addf %add3A_987, %mul3A_994 : vector<128x128xf32>
    %slice3A_996 = vector.extract_strided_slice %exp3A_877 {offsets = [1, 0], sizes = [1, 128], strides = [1, 1]} : vector<8x128xf32> to vector<1x128xf32>
    %mul3A_997 = vector.broadcast %slice3A_996 : vector<1x128xf32> to vector<128x128xf32>
    %mul3A_998 = arith.mulf %mul3A_997, %dot_general3A_41 : vector<128x128xf32>
    %add3A_999 = arith.addf %add3A_991, %mul3A_998 : vector<128x128xf32>
    %slice3A_1000 = vector.extract_strided_slice %exp3A_879 {offsets = [0, 0], sizes = [1, 128], strides = [1, 1]} : vector<8x128xf32> to vector<1x128xf32>
    %mul3A_1001 = vector.broadcast %slice3A_1000 : vector<1x128xf32> to vector<128x128xf32>
    %mul3A_1002 = arith.mulf %mul3A_1001, %dot_general3A_48 : vector<128x128xf32>
    %add3A_1003 = arith.addf %add3A_995, %mul3A_1002 : vector<128x128xf32>
    %slice3A_1004 = vector.extract_strided_slice %exp3A_879 {offsets = [1, 0], sizes = [1, 128], strides = [1, 1]} : vector<8x128xf32> to vector<1x128xf32>
    %mul3A_1005 = vector.broadcast %slice3A_1004 : vector<1x128xf32> to vector<128x128xf32>
    %mul3A_1006 = arith.mulf %mul3A_1005, %dot_general3A_48 : vector<128x128xf32>
    %add3A_1007 = arith.addf %add3A_999, %mul3A_1006 : vector<128x128xf32>
    %slice3A_1008 = vector.extract_strided_slice %exp3A_881 {offsets = [0, 0], sizes = [1, 128], strides = [1, 1]} : vector<8x128xf32> to vector<1x128xf32>
    %mul3A_1009 = vector.broadcast %slice3A_1008 : vector<1x128xf32> to vector<128x128xf32>
    %mul3A_1010 = arith.mulf %mul3A_1009, %dot_general3A_55 : vector<128x128xf32>
    %add3A_1011 = arith.addf %add3A_1003, %mul3A_1010 : vector<128x128xf32>
    %slice3A_1012 = vector.extract_strided_slice %exp3A_881 {offsets = [1, 0], sizes = [1, 128], strides = [1, 1]} : vector<8x128xf32> to vector<1x128xf32>
    %mul3A_1013 = vector.broadcast %slice3A_1012 : vector<1x128xf32> to vector<128x128xf32>
    %mul3A_1014 = arith.mulf %mul3A_1013, %dot_general3A_55 : vector<128x128xf32>
    %add3A_1015 = arith.addf %add3A_1007, %mul3A_1014 : vector<128x128xf32>
    %slice3A_1016 = vector.extract_strided_slice %exp3A_883 {offsets = [0, 0], sizes = [1, 128], strides = [1, 1]} : vector<8x128xf32> to vector<1x128xf32>
    %mul3A_1017 = vector.broadcast %slice3A_1016 : vector<1x128xf32> to vector<128x128xf32>
    %mul3A_1018 = arith.mulf %mul3A_1017, %dot_general3A_62 : vector<128x128xf32>
    %add3A_1019 = arith.addf %add3A_1011, %mul3A_1018 : vector<128x128xf32>
    %slice3A_1020 = vector.extract_strided_slice %exp3A_883 {offsets = [1, 0], sizes = [1, 128], strides = [1, 1]} : vector<8x128xf32> to vector<1x128xf32>
    %mul3A_1021 = vector.broadcast %slice3A_1020 : vector<1x128xf32> to vector<128x128xf32>
    %mul3A_1022 = arith.mulf %mul3A_1021, %dot_general3A_62 : vector<128x128xf32>
    %add3A_1023 = arith.addf %add3A_1015, %mul3A_1022 : vector<128x128xf32>
    %slice3A_1024 = vector.extract_strided_slice %exp3A_885 {offsets = [0, 0], sizes = [1, 128], strides = [1, 1]} : vector<8x128xf32> to vector<1x128xf32>
    %mul3A_1025 = vector.broadcast %slice3A_1024 : vector<1x128xf32> to vector<128x128xf32>
    %mul3A_1026 = arith.mulf %mul3A_1025, %dot_general3A_69 : vector<128x128xf32>
    %add3A_1027 = arith.addf %add3A_1019, %mul3A_1026 : vector<128x128xf32>
    %slice3A_1028 = vector.extract_strided_slice %exp3A_885 {offsets = [1, 0], sizes = [1, 128], strides = [1, 1]} : vector<8x128xf32> to vector<1x128xf32>
    %mul3A_1029 = vector.broadcast %slice3A_1028 : vector<1x128xf32> to vector<128x128xf32>
    %mul3A_1030 = arith.mulf %mul3A_1029, %dot_general3A_69 : vector<128x128xf32>
    %add3A_1031 = arith.addf %add3A_1023, %mul3A_1030 : vector<128x128xf32>
    %slice3A_1032 = vector.extract_strided_slice %exp3A_887 {offsets = [0, 0], sizes = [1, 128], strides = [1, 1]} : vector<8x128xf32> to vector<1x128xf32>
    %mul3A_1033 = vector.broadcast %slice3A_1032 : vector<1x128xf32> to vector<128x128xf32>
    %mul3A_1034 = arith.mulf %mul3A_1033, %dot_general3A_76 : vector<128x128xf32>
    %add3A_1035 = arith.addf %add3A_1027, %mul3A_1034 : vector<128x128xf32>
    %slice3A_1036 = vector.extract_strided_slice %exp3A_887 {offsets = [1, 0], sizes = [1, 128], strides = [1, 1]} : vector<8x128xf32> to vector<1x128xf32>
    %mul3A_1037 = vector.broadcast %slice3A_1036 : vector<1x128xf32> to vector<128x128xf32>
    %mul3A_1038 = arith.mulf %mul3A_1037, %dot_general3A_76 : vector<128x128xf32>
    %add3A_1039 = arith.addf %add3A_1031, %mul3A_1038 : vector<128x128xf32>
    %slice3A_1040 = vector.extract_strided_slice %exp3A_889 {offsets = [0, 0], sizes = [1, 128], strides = [1, 1]} : vector<8x128xf32> to vector<1x128xf32>
    %mul3A_1041 = vector.broadcast %slice3A_1040 : vector<1x128xf32> to vector<128x128xf32>
    %mul3A_1042 = arith.mulf %mul3A_1041, %dot_general3A_83 : vector<128x128xf32>
    %add3A_1043 = arith.addf %add3A_1035, %mul3A_1042 : vector<128x128xf32>
    %slice3A_1044 = vector.extract_strided_slice %exp3A_889 {offsets = [1, 0], sizes = [1, 128], strides = [1, 1]} : vector<8x128xf32> to vector<1x128xf32>
    %mul3A_1045 = vector.broadcast %slice3A_1044 : vector<1x128xf32> to vector<128x128xf32>
    %mul3A_1046 = arith.mulf %mul3A_1045, %dot_general3A_83 : vector<128x128xf32>
    %add3A_1047 = arith.addf %add3A_1039, %mul3A_1046 : vector<128x128xf32>
    %slice3A_1048 = vector.extract_strided_slice %exp3A_891 {offsets = [0, 0], sizes = [1, 128], strides = [1, 1]} : vector<8x128xf32> to vector<1x128xf32>
    %mul3A_1049 = vector.broadcast %slice3A_1048 : vector<1x128xf32> to vector<128x128xf32>
    %mul3A_1050 = arith.mulf %mul3A_1049, %dot_general3A_90 : vector<128x128xf32>
    %add3A_1051 = arith.addf %add3A_1043, %mul3A_1050 : vector<128x128xf32>
    %slice3A_1052 = vector.extract_strided_slice %exp3A_891 {offsets = [1, 0], sizes = [1, 128], strides = [1, 1]} : vector<8x128xf32> to vector<1x128xf32>
    %mul3A_1053 = vector.broadcast %slice3A_1052 : vector<1x128xf32> to vector<128x128xf32>
    %mul3A_1054 = arith.mulf %mul3A_1053, %dot_general3A_90 : vector<128x128xf32>
    %add3A_1055 = arith.addf %add3A_1047, %mul3A_1054 : vector<128x128xf32>
    %slice3A_1056 = vector.extract_strided_slice %exp3A_893 {offsets = [0, 0], sizes = [1, 128], strides = [1, 1]} : vector<8x128xf32> to vector<1x128xf32>
    %mul3A_1057 = vector.broadcast %slice3A_1056 : vector<1x128xf32> to vector<128x128xf32>
    %mul3A_1058 = arith.mulf %mul3A_1057, %dot_general3A_97 : vector<128x128xf32>
    %add3A_1059 = arith.addf %add3A_1051, %mul3A_1058 : vector<128x128xf32>
    %slice3A_1060 = vector.extract_strided_slice %exp3A_893 {offsets = [1, 0], sizes = [1, 128], strides = [1, 1]} : vector<8x128xf32> to vector<1x128xf32>
    %mul3A_1061 = vector.broadcast %slice3A_1060 : vector<1x128xf32> to vector<128x128xf32>
    %mul3A_1062 = arith.mulf %mul3A_1061, %dot_general3A_97 : vector<128x128xf32>
    %add3A_1063 = arith.addf %add3A_1055, %mul3A_1062 : vector<128x128xf32>
    %slice3A_1064 = vector.extract_strided_slice %exp3A_895 {offsets = [0, 0], sizes = [1, 128], strides = [1, 1]} : vector<8x128xf32> to vector<1x128xf32>
    %mul3A_1065 = vector.broadcast %slice3A_1064 : vector<1x128xf32> to vector<128x128xf32>
    %mul3A_1066 = arith.mulf %mul3A_1065, %dot_general3A_104 : vector<128x128xf32>
    %add3A_1067 = arith.addf %add3A_1059, %mul3A_1066 : vector<128x128xf32>
    %slice3A_1068 = vector.extract_strided_slice %exp3A_895 {offsets = [1, 0], sizes = [1, 128], strides = [1, 1]} : vector<8x128xf32> to vector<1x128xf32>
    %mul3A_1069 = vector.broadcast %slice3A_1068 : vector<1x128xf32> to vector<128x128xf32>
    %mul3A_1070 = arith.mulf %mul3A_1069, %dot_general3A_104 : vector<128x128xf32>
    %add3A_1071 = arith.addf %add3A_1063, %mul3A_1070 : vector<128x128xf32>
    %slice3A_1072 = vector.extract_strided_slice %exp3A_897 {offsets = [0, 0], sizes = [1, 128], strides = [1, 1]} : vector<8x128xf32> to vector<1x128xf32>
    %mul3A_1073 = vector.broadcast %slice3A_1072 : vector<1x128xf32> to vector<128x128xf32>
    %mul3A_1074 = arith.mulf %mul3A_1073, %dot_general3A_111 : vector<128x128xf32>
    %add3A_1075 = arith.addf %add3A_1067, %mul3A_1074 : vector<128x128xf32>
    %slice3A_1076 = vector.extract_strided_slice %exp3A_897 {offsets = [1, 0], sizes = [1, 128], strides = [1, 1]} : vector<8x128xf32> to vector<1x128xf32>
    %mul3A_1077 = vector.broadcast %slice3A_1076 : vector<1x128xf32> to vector<128x128xf32>
    %mul3A_1078 = arith.mulf %mul3A_1077, %dot_general3A_111 : vector<128x128xf32>
    %add3A_1079 = arith.addf %add3A_1071, %mul3A_1078 : vector<128x128xf32>
    %slice3A_1080 = vector.extract_strided_slice %exp3A_899 {offsets = [0, 0], sizes = [1, 128], strides = [1, 1]} : vector<8x128xf32> to vector<1x128xf32>
    %mul3A_1081 = vector.broadcast %slice3A_1080 : vector<1x128xf32> to vector<128x128xf32>
    %mul3A_1082 = arith.mulf %mul3A_1081, %dot_general3A_118 : vector<128x128xf32>
    %add3A_1083 = arith.addf %add3A_1075, %mul3A_1082 : vector<128x128xf32>
    %slice3A_1084 = vector.extract_strided_slice %exp3A_899 {offsets = [1, 0], sizes = [1, 128], strides = [1, 1]} : vector<8x128xf32> to vector<1x128xf32>
    %mul3A_1085 = vector.broadcast %slice3A_1084 : vector<1x128xf32> to vector<128x128xf32>
    %mul3A_1086 = arith.mulf %mul3A_1085, %dot_general3A_118 : vector<128x128xf32>
    %add3A_1087 = arith.addf %add3A_1079, %mul3A_1086 : vector<128x128xf32>
    %slice3A_1088 = vector.extract_strided_slice %exp3A_901 {offsets = [0, 0], sizes = [1, 128], strides = [1, 1]} : vector<8x128xf32> to vector<1x128xf32>
    %mul3A_1089 = vector.broadcast %slice3A_1088 : vector<1x128xf32> to vector<128x128xf32>
    %mul3A_1090 = arith.mulf %mul3A_1089, %dot_general3A_125 : vector<128x128xf32>
    %add3A_1091 = arith.addf %add3A_1083, %mul3A_1090 : vector<128x128xf32>
    %slice3A_1092 = vector.extract_strided_slice %exp3A_901 {offsets = [1, 0], sizes = [1, 128], strides = [1, 1]} : vector<8x128xf32> to vector<1x128xf32>
    %mul3A_1093 = vector.broadcast %slice3A_1092 : vector<1x128xf32> to vector<128x128xf32>
    %mul3A_1094 = arith.mulf %mul3A_1093, %dot_general3A_125 : vector<128x128xf32>
    %add3A_1095 = arith.addf %add3A_1087, %mul3A_1094 : vector<128x128xf32>
    %slice3A_1096 = vector.extract_strided_slice %exp3A_903 {offsets = [0, 0], sizes = [1, 128], strides = [1, 1]} : vector<8x128xf32> to vector<1x128xf32>
    %mul3A_1097 = vector.broadcast %slice3A_1096 : vector<1x128xf32> to vector<128x128xf32>
    %mul3A_1098 = arith.mulf %mul3A_1097, %dot_general3A_132 : vector<128x128xf32>
    %add3A_1099 = arith.addf %add3A_1091, %mul3A_1098 : vector<128x128xf32>
    %slice3A_1100 = vector.extract_strided_slice %exp3A_903 {offsets = [1, 0], sizes = [1, 128], strides = [1, 1]} : vector<8x128xf32> to vector<1x128xf32>
    %mul3A_1101 = vector.broadcast %slice3A_1100 : vector<1x128xf32> to vector<128x128xf32>
    %mul3A_1102 = arith.mulf %mul3A_1101, %dot_general3A_132 : vector<128x128xf32>
    %add3A_1103 = arith.addf %add3A_1095, %mul3A_1102 : vector<128x128xf32>
    %slice3A_1104 = vector.extract_strided_slice %exp3A_905 {offsets = [0, 0], sizes = [1, 128], strides = [1, 1]} : vector<8x128xf32> to vector<1x128xf32>
    %mul3A_1105 = vector.broadcast %slice3A_1104 : vector<1x128xf32> to vector<128x128xf32>
    %mul3A_1106 = arith.mulf %mul3A_1105, %dot_general3A_139 : vector<128x128xf32>
    %add3A_1107 = arith.addf %add3A_1099, %mul3A_1106 : vector<128x128xf32>
    %slice3A_1108 = vector.extract_strided_slice %exp3A_905 {offsets = [1, 0], sizes = [1, 128], strides = [1, 1]} : vector<8x128xf32> to vector<1x128xf32>
    %mul3A_1109 = vector.broadcast %slice3A_1108 : vector<1x128xf32> to vector<128x128xf32>
    %mul3A_1110 = arith.mulf %mul3A_1109, %dot_general3A_139 : vector<128x128xf32>
    %add3A_1111 = arith.addf %add3A_1103, %mul3A_1110 : vector<128x128xf32>
    %slice3A_1112 = vector.extract_strided_slice %div3A_970 {offsets = [0, 0], sizes = [1, 128], strides = [1, 1]} : vector<8x128xf32> to vector<1x128xf32>
    %mul3A_1113 = vector.broadcast %slice3A_1112 : vector<1x128xf32> to vector<128x128xf32>
    %mul3A_1114 = arith.mulf %add3A_1107, %mul3A_1113 : vector<128x128xf32>
    %slice3A_1115 = vector.extract_strided_slice %div3A_970 {offsets = [1, 0], sizes = [1, 128], strides = [1, 1]} : vector<8x128xf32> to vector<1x128xf32>
    %mul3A_1116 = vector.broadcast %slice3A_1115 : vector<1x128xf32> to vector<128x128xf32>
    %mul3A_1117 = arith.mulf %add3A_1111, %mul3A_1116 : vector<128x128xf32>
    %broadcast_in_dim3A_1118 = arith.constant 0.000000e+00 : f32
    %broadcast_in_dim3A_1119 = vector.broadcast %broadcast_in_dim3A_1118 : f32 to vector<128x128xf32>
    %broadcast_in_dim3A_1120 = arith.constant 0.000000e+00 : f32
    %broadcast_in_dim3A_1121 = vector.broadcast %broadcast_in_dim3A_1120 : f32 to vector<128x128xf32>
    %slice3A_1122 = vector.extract_strided_slice %exp3A_907 {offsets = [4, 0], sizes = [1, 128], strides = [1, 1]} : vector<8x128xf32> to vector<1x128xf32>
    %mul3A_1123 = vector.broadcast %slice3A_1122 : vector<1x128xf32> to vector<128x128xf32>
    %mul3A_1124 = arith.mulf %mul3A_1123, %dot_general3A_146 : vector<128x128xf32>
    %add3A_1125 = arith.addf %broadcast_in_dim3A_1119, %mul3A_1124 : vector<128x128xf32>
    %slice3A_1126 = vector.extract_strided_slice %exp3A_907 {offsets = [5, 0], sizes = [1, 128], strides = [1, 1]} : vector<8x128xf32> to vector<1x128xf32>
    %mul3A_1127 = vector.broadcast %slice3A_1126 : vector<1x128xf32> to vector<128x128xf32>
    %mul3A_1128 = arith.mulf %mul3A_1127, %dot_general3A_146 : vector<128x128xf32>
    %add3A_1129 = arith.addf %broadcast_in_dim3A_1121, %mul3A_1128 : vector<128x128xf32>
    %slice3A_1130 = vector.extract_strided_slice %exp3A_909 {offsets = [4, 0], sizes = [1, 128], strides = [1, 1]} : vector<8x128xf32> to vector<1x128xf32>
    %mul3A_1131 = vector.broadcast %slice3A_1130 : vector<1x128xf32> to vector<128x128xf32>
    %mul3A_1132 = arith.mulf %mul3A_1131, %dot_general3A_153 : vector<128x128xf32>
    %add3A_1133 = arith.addf %add3A_1125, %mul3A_1132 : vector<128x128xf32>
    %slice3A_1134 = vector.extract_strided_slice %exp3A_909 {offsets = [5, 0], sizes = [1, 128], strides = [1, 1]} : vector<8x128xf32> to vector<1x128xf32>
    %mul3A_1135 = vector.broadcast %slice3A_1134 : vector<1x128xf32> to vector<128x128xf32>
    %mul3A_1136 = arith.mulf %mul3A_1135, %dot_general3A_153 : vector<128x128xf32>
    %add3A_1137 = arith.addf %add3A_1129, %mul3A_1136 : vector<128x128xf32>
    %slice3A_1138 = vector.extract_strided_slice %exp3A_911 {offsets = [4, 0], sizes = [1, 128], strides = [1, 1]} : vector<8x128xf32> to vector<1x128xf32>
    %mul3A_1139 = vector.broadcast %slice3A_1138 : vector<1x128xf32> to vector<128x128xf32>
    %mul3A_1140 = arith.mulf %mul3A_1139, %dot_general3A_160 : vector<128x128xf32>
    %add3A_1141 = arith.addf %add3A_1133, %mul3A_1140 : vector<128x128xf32>
    %slice3A_1142 = vector.extract_strided_slice %exp3A_911 {offsets = [5, 0], sizes = [1, 128], strides = [1, 1]} : vector<8x128xf32> to vector<1x128xf32>
    %mul3A_1143 = vector.broadcast %slice3A_1142 : vector<1x128xf32> to vector<128x128xf32>
    %mul3A_1144 = arith.mulf %mul3A_1143, %dot_general3A_160 : vector<128x128xf32>
    %add3A_1145 = arith.addf %add3A_1137, %mul3A_1144 : vector<128x128xf32>
    %slice3A_1146 = vector.extract_strided_slice %exp3A_913 {offsets = [4, 0], sizes = [1, 128], strides = [1, 1]} : vector<8x128xf32> to vector<1x128xf32>
    %mul3A_1147 = vector.broadcast %slice3A_1146 : vector<1x128xf32> to vector<128x128xf32>
    %mul3A_1148 = arith.mulf %mul3A_1147, %dot_general3A_167 : vector<128x128xf32>
    %add3A_1149 = arith.addf %add3A_1141, %mul3A_1148 : vector<128x128xf32>
    %slice3A_1150 = vector.extract_strided_slice %exp3A_913 {offsets = [5, 0], sizes = [1, 128], strides = [1, 1]} : vector<8x128xf32> to vector<1x128xf32>
    %mul3A_1151 = vector.broadcast %slice3A_1150 : vector<1x128xf32> to vector<128x128xf32>
    %mul3A_1152 = arith.mulf %mul3A_1151, %dot_general3A_167 : vector<128x128xf32>
    %add3A_1153 = arith.addf %add3A_1145, %mul3A_1152 : vector<128x128xf32>
    %slice3A_1154 = vector.extract_strided_slice %exp3A_915 {offsets = [4, 0], sizes = [1, 128], strides = [1, 1]} : vector<8x128xf32> to vector<1x128xf32>
    %mul3A_1155 = vector.broadcast %slice3A_1154 : vector<1x128xf32> to vector<128x128xf32>
    %mul3A_1156 = arith.mulf %mul3A_1155, %dot_general3A_174 : vector<128x128xf32>
    %add3A_1157 = arith.addf %add3A_1149, %mul3A_1156 : vector<128x128xf32>
    %slice3A_1158 = vector.extract_strided_slice %exp3A_915 {offsets = [5, 0], sizes = [1, 128], strides = [1, 1]} : vector<8x128xf32> to vector<1x128xf32>
    %mul3A_1159 = vector.broadcast %slice3A_1158 : vector<1x128xf32> to vector<128x128xf32>
    %mul3A_1160 = arith.mulf %mul3A_1159, %dot_general3A_174 : vector<128x128xf32>
    %add3A_1161 = arith.addf %add3A_1153, %mul3A_1160 : vector<128x128xf32>
    %slice3A_1162 = vector.extract_strided_slice %exp3A_917 {offsets = [4, 0], sizes = [1, 128], strides = [1, 1]} : vector<8x128xf32> to vector<1x128xf32>
    %mul3A_1163 = vector.broadcast %slice3A_1162 : vector<1x128xf32> to vector<128x128xf32>
    %mul3A_1164 = arith.mulf %mul3A_1163, %dot_general3A_181 : vector<128x128xf32>
    %add3A_1165 = arith.addf %add3A_1157, %mul3A_1164 : vector<128x128xf32>
    %slice3A_1166 = vector.extract_strided_slice %exp3A_917 {offsets = [5, 0], sizes = [1, 128], strides = [1, 1]} : vector<8x128xf32> to vector<1x128xf32>
    %mul3A_1167 = vector.broadcast %slice3A_1166 : vector<1x128xf32> to vector<128x128xf32>
    %mul3A_1168 = arith.mulf %mul3A_1167, %dot_general3A_181 : vector<128x128xf32>
    %add3A_1169 = arith.addf %add3A_1161, %mul3A_1168 : vector<128x128xf32>
    %slice3A_1170 = vector.extract_strided_slice %exp3A_919 {offsets = [4, 0], sizes = [1, 128], strides = [1, 1]} : vector<8x128xf32> to vector<1x128xf32>
    %mul3A_1171 = vector.broadcast %slice3A_1170 : vector<1x128xf32> to vector<128x128xf32>
    %mul3A_1172 = arith.mulf %mul3A_1171, %dot_general3A_188 : vector<128x128xf32>
    %add3A_1173 = arith.addf %add3A_1165, %mul3A_1172 : vector<128x128xf32>
    %slice3A_1174 = vector.extract_strided_slice %exp3A_919 {offsets = [5, 0], sizes = [1, 128], strides = [1, 1]} : vector<8x128xf32> to vector<1x128xf32>
    %mul3A_1175 = vector.broadcast %slice3A_1174 : vector<1x128xf32> to vector<128x128xf32>
    %mul3A_1176 = arith.mulf %mul3A_1175, %dot_general3A_188 : vector<128x128xf32>
    %add3A_1177 = arith.addf %add3A_1169, %mul3A_1176 : vector<128x128xf32>
    %slice3A_1178 = vector.extract_strided_slice %exp3A_921 {offsets = [4, 0], sizes = [1, 128], strides = [1, 1]} : vector<8x128xf32> to vector<1x128xf32>
    %mul3A_1179 = vector.broadcast %slice3A_1178 : vector<1x128xf32> to vector<128x128xf32>
    %mul3A_1180 = arith.mulf %mul3A_1179, %dot_general3A_195 : vector<128x128xf32>
    %add3A_1181 = arith.addf %add3A_1173, %mul3A_1180 : vector<128x128xf32>
    %slice3A_1182 = vector.extract_strided_slice %exp3A_921 {offsets = [5, 0], sizes = [1, 128], strides = [1, 1]} : vector<8x128xf32> to vector<1x128xf32>
    %mul3A_1183 = vector.broadcast %slice3A_1182 : vector<1x128xf32> to vector<128x128xf32>
    %mul3A_1184 = arith.mulf %mul3A_1183, %dot_general3A_195 : vector<128x128xf32>
    %add3A_1185 = arith.addf %add3A_1177, %mul3A_1184 : vector<128x128xf32>
    %slice3A_1186 = vector.extract_strided_slice %exp3A_923 {offsets = [4, 0], sizes = [1, 128], strides = [1, 1]} : vector<8x128xf32> to vector<1x128xf32>
    %mul3A_1187 = vector.broadcast %slice3A_1186 : vector<1x128xf32> to vector<128x128xf32>
    %mul3A_1188 = arith.mulf %mul3A_1187, %dot_general3A_202 : vector<128x128xf32>
    %add3A_1189 = arith.addf %add3A_1181, %mul3A_1188 : vector<128x128xf32>
    %slice3A_1190 = vector.extract_strided_slice %exp3A_923 {offsets = [5, 0], sizes = [1, 128], strides = [1, 1]} : vector<8x128xf32> to vector<1x128xf32>
    %mul3A_1191 = vector.broadcast %slice3A_1190 : vector<1x128xf32> to vector<128x128xf32>
    %mul3A_1192 = arith.mulf %mul3A_1191, %dot_general3A_202 : vector<128x128xf32>
    %add3A_1193 = arith.addf %add3A_1185, %mul3A_1192 : vector<128x128xf32>
    %slice3A_1194 = vector.extract_strided_slice %exp3A_925 {offsets = [4, 0], sizes = [1, 128], strides = [1, 1]} : vector<8x128xf32> to vector<1x128xf32>
    %mul3A_1195 = vector.broadcast %slice3A_1194 : vector<1x128xf32> to vector<128x128xf32>
    %mul3A_1196 = arith.mulf %mul3A_1195, %dot_general3A_209 : vector<128x128xf32>
    %add3A_1197 = arith.addf %add3A_1189, %mul3A_1196 : vector<128x128xf32>
    %slice3A_1198 = vector.extract_strided_slice %exp3A_925 {offsets = [5, 0], sizes = [1, 128], strides = [1, 1]} : vector<8x128xf32> to vector<1x128xf32>
    %mul3A_1199 = vector.broadcast %slice3A_1198 : vector<1x128xf32> to vector<128x128xf32>
    %mul3A_1200 = arith.mulf %mul3A_1199, %dot_general3A_209 : vector<128x128xf32>
    %add3A_1201 = arith.addf %add3A_1193, %mul3A_1200 : vector<128x128xf32>
    %slice3A_1202 = vector.extract_strided_slice %exp3A_927 {offsets = [4, 0], sizes = [1, 128], strides = [1, 1]} : vector<8x128xf32> to vector<1x128xf32>
    %mul3A_1203 = vector.broadcast %slice3A_1202 : vector<1x128xf32> to vector<128x128xf32>
    %mul3A_1204 = arith.mulf %mul3A_1203, %dot_general3A_216 : vector<128x128xf32>
    %add3A_1205 = arith.addf %add3A_1197, %mul3A_1204 : vector<128x128xf32>
    %slice3A_1206 = vector.extract_strided_slice %exp3A_927 {offsets = [5, 0], sizes = [1, 128], strides = [1, 1]} : vector<8x128xf32> to vector<1x128xf32>
    %mul3A_1207 = vector.broadcast %slice3A_1206 : vector<1x128xf32> to vector<128x128xf32>
    %mul3A_1208 = arith.mulf %mul3A_1207, %dot_general3A_216 : vector<128x128xf32>
    %add3A_1209 = arith.addf %add3A_1201, %mul3A_1208 : vector<128x128xf32>
    %slice3A_1210 = vector.extract_strided_slice %exp3A_929 {offsets = [4, 0], sizes = [1, 128], strides = [1, 1]} : vector<8x128xf32> to vector<1x128xf32>
    %mul3A_1211 = vector.broadcast %slice3A_1210 : vector<1x128xf32> to vector<128x128xf32>
    %mul3A_1212 = arith.mulf %mul3A_1211, %dot_general3A_223 : vector<128x128xf32>
    %add3A_1213 = arith.addf %add3A_1205, %mul3A_1212 : vector<128x128xf32>
    %slice3A_1214 = vector.extract_strided_slice %exp3A_929 {offsets = [5, 0], sizes = [1, 128], strides = [1, 1]} : vector<8x128xf32> to vector<1x128xf32>
    %mul3A_1215 = vector.broadcast %slice3A_1214 : vector<1x128xf32> to vector<128x128xf32>
    %mul3A_1216 = arith.mulf %mul3A_1215, %dot_general3A_223 : vector<128x128xf32>
    %add3A_1217 = arith.addf %add3A_1209, %mul3A_1216 : vector<128x128xf32>
    %slice3A_1218 = vector.extract_strided_slice %exp3A_931 {offsets = [4, 0], sizes = [1, 128], strides = [1, 1]} : vector<8x128xf32> to vector<1x128xf32>
    %mul3A_1219 = vector.broadcast %slice3A_1218 : vector<1x128xf32> to vector<128x128xf32>
    %mul3A_1220 = arith.mulf %mul3A_1219, %dot_general3A_230 : vector<128x128xf32>
    %add3A_1221 = arith.addf %add3A_1213, %mul3A_1220 : vector<128x128xf32>
    %slice3A_1222 = vector.extract_strided_slice %exp3A_931 {offsets = [5, 0], sizes = [1, 128], strides = [1, 1]} : vector<8x128xf32> to vector<1x128xf32>
    %mul3A_1223 = vector.broadcast %slice3A_1222 : vector<1x128xf32> to vector<128x128xf32>
    %mul3A_1224 = arith.mulf %mul3A_1223, %dot_general3A_230 : vector<128x128xf32>
    %add3A_1225 = arith.addf %add3A_1217, %mul3A_1224 : vector<128x128xf32>
    %slice3A_1226 = vector.extract_strided_slice %exp3A_933 {offsets = [4, 0], sizes = [1, 128], strides = [1, 1]} : vector<8x128xf32> to vector<1x128xf32>
    %mul3A_1227 = vector.broadcast %slice3A_1226 : vector<1x128xf32> to vector<128x128xf32>
    %mul3A_1228 = arith.mulf %mul3A_1227, %dot_general3A_237 : vector<128x128xf32>
    %add3A_1229 = arith.addf %add3A_1221, %mul3A_1228 : vector<128x128xf32>
    %slice3A_1230 = vector.extract_strided_slice %exp3A_933 {offsets = [5, 0], sizes = [1, 128], strides = [1, 1]} : vector<8x128xf32> to vector<1x128xf32>
    %mul3A_1231 = vector.broadcast %slice3A_1230 : vector<1x128xf32> to vector<128x128xf32>
    %mul3A_1232 = arith.mulf %mul3A_1231, %dot_general3A_237 : vector<128x128xf32>
    %add3A_1233 = arith.addf %add3A_1225, %mul3A_1232 : vector<128x128xf32>
    %slice3A_1234 = vector.extract_strided_slice %exp3A_935 {offsets = [4, 0], sizes = [1, 128], strides = [1, 1]} : vector<8x128xf32> to vector<1x128xf32>
    %mul3A_1235 = vector.broadcast %slice3A_1234 : vector<1x128xf32> to vector<128x128xf32>
    %mul3A_1236 = arith.mulf %mul3A_1235, %dot_general3A_244 : vector<128x128xf32>
    %add3A_1237 = arith.addf %add3A_1229, %mul3A_1236 : vector<128x128xf32>
    %slice3A_1238 = vector.extract_strided_slice %exp3A_935 {offsets = [5, 0], sizes = [1, 128], strides = [1, 1]} : vector<8x128xf32> to vector<1x128xf32>
    %mul3A_1239 = vector.broadcast %slice3A_1238 : vector<1x128xf32> to vector<128x128xf32>
    %mul3A_1240 = arith.mulf %mul3A_1239, %dot_general3A_244 : vector<128x128xf32>
    %add3A_1241 = arith.addf %add3A_1233, %mul3A_1240 : vector<128x128xf32>
    %slice3A_1242 = vector.extract_strided_slice %exp3A_937 {offsets = [4, 0], sizes = [1, 128], strides = [1, 1]} : vector<8x128xf32> to vector<1x128xf32>
    %mul3A_1243 = vector.broadcast %slice3A_1242 : vector<1x128xf32> to vector<128x128xf32>
    %mul3A_1244 = arith.mulf %mul3A_1243, %dot_general3A_251 : vector<128x128xf32>
    %add3A_1245 = arith.addf %add3A_1237, %mul3A_1244 : vector<128x128xf32>
    %slice3A_1246 = vector.extract_strided_slice %exp3A_937 {offsets = [5, 0], sizes = [1, 128], strides = [1, 1]} : vector<8x128xf32> to vector<1x128xf32>
    %mul3A_1247 = vector.broadcast %slice3A_1246 : vector<1x128xf32> to vector<128x128xf32>
    %mul3A_1248 = arith.mulf %mul3A_1247, %dot_general3A_251 : vector<128x128xf32>
    %add3A_1249 = arith.addf %add3A_1241, %mul3A_1248 : vector<128x128xf32>
    %slice3A_1250 = vector.extract_strided_slice %div3A_973 {offsets = [4, 0], sizes = [1, 128], strides = [1, 1]} : vector<8x128xf32> to vector<1x128xf32>
    %mul3A_1251 = vector.broadcast %slice3A_1250 : vector<1x128xf32> to vector<128x128xf32>
    %mul3A_1252 = arith.mulf %add3A_1245, %mul3A_1251 : vector<128x128xf32>
    %slice3A_1253 = vector.extract_strided_slice %div3A_973 {offsets = [5, 0], sizes = [1, 128], strides = [1, 1]} : vector<8x128xf32> to vector<1x128xf32>
    %mul3A_1254 = vector.broadcast %slice3A_1253 : vector<1x128xf32> to vector<128x128xf32>
    %mul3A_1255 = arith.mulf %add3A_1249, %mul3A_1254 : vector<128x128xf32>
    %broadcast_in_dim3A_1256 = arith.constant 0.000000e+00 : f32
    %broadcast_in_dim3A_1257 = vector.broadcast %broadcast_in_dim3A_1256 : f32 to vector<128x128xf32>
    %broadcast_in_dim3A_1258 = arith.constant 0.000000e+00 : f32
    %broadcast_in_dim3A_1259 = vector.broadcast %broadcast_in_dim3A_1258 : f32 to vector<128x128xf32>
    %slice3A_1260 = vector.extract_strided_slice %exp3A {offsets = [2, 0], sizes = [1, 128], strides = [1, 1]} : vector<8x128xf32> to vector<1x128xf32>
    %mul3A_1261 = vector.broadcast %slice3A_1260 : vector<1x128xf32> to vector<128x128xf32>
    %mul3A_1262 = arith.mulf %mul3A_1261, %dot_general3A_27 : vector<128x128xf32>
    %add3A_1263 = arith.addf %broadcast_in_dim3A_1257, %mul3A_1262 : vector<128x128xf32>
    %slice3A_1264 = vector.extract_strided_slice %exp3A {offsets = [3, 0], sizes = [1, 128], strides = [1, 1]} : vector<8x128xf32> to vector<1x128xf32>
    %mul3A_1265 = vector.broadcast %slice3A_1264 : vector<1x128xf32> to vector<128x128xf32>
    %mul3A_1266 = arith.mulf %mul3A_1265, %dot_general3A_27 : vector<128x128xf32>
    %add3A_1267 = arith.addf %broadcast_in_dim3A_1259, %mul3A_1266 : vector<128x128xf32>
    %slice3A_1268 = vector.extract_strided_slice %exp3A_875 {offsets = [2, 0], sizes = [1, 128], strides = [1, 1]} : vector<8x128xf32> to vector<1x128xf32>
    %mul3A_1269 = vector.broadcast %slice3A_1268 : vector<1x128xf32> to vector<128x128xf32>
    %mul3A_1270 = arith.mulf %mul3A_1269, %dot_general3A_34 : vector<128x128xf32>
    %add3A_1271 = arith.addf %add3A_1263, %mul3A_1270 : vector<128x128xf32>
    %slice3A_1272 = vector.extract_strided_slice %exp3A_875 {offsets = [3, 0], sizes = [1, 128], strides = [1, 1]} : vector<8x128xf32> to vector<1x128xf32>
    %mul3A_1273 = vector.broadcast %slice3A_1272 : vector<1x128xf32> to vector<128x128xf32>
    %mul3A_1274 = arith.mulf %mul3A_1273, %dot_general3A_34 : vector<128x128xf32>
    %add3A_1275 = arith.addf %add3A_1267, %mul3A_1274 : vector<128x128xf32>
    %slice3A_1276 = vector.extract_strided_slice %exp3A_877 {offsets = [2, 0], sizes = [1, 128], strides = [1, 1]} : vector<8x128xf32> to vector<1x128xf32>
    %mul3A_1277 = vector.broadcast %slice3A_1276 : vector<1x128xf32> to vector<128x128xf32>
    %mul3A_1278 = arith.mulf %mul3A_1277, %dot_general3A_41 : vector<128x128xf32>
    %add3A_1279 = arith.addf %add3A_1271, %mul3A_1278 : vector<128x128xf32>
    %slice3A_1280 = vector.extract_strided_slice %exp3A_877 {offsets = [3, 0], sizes = [1, 128], strides = [1, 1]} : vector<8x128xf32> to vector<1x128xf32>
    %mul3A_1281 = vector.broadcast %slice3A_1280 : vector<1x128xf32> to vector<128x128xf32>
    %mul3A_1282 = arith.mulf %mul3A_1281, %dot_general3A_41 : vector<128x128xf32>
    %add3A_1283 = arith.addf %add3A_1275, %mul3A_1282 : vector<128x128xf32>
    %slice3A_1284 = vector.extract_strided_slice %exp3A_879 {offsets = [2, 0], sizes = [1, 128], strides = [1, 1]} : vector<8x128xf32> to vector<1x128xf32>
    %mul3A_1285 = vector.broadcast %slice3A_1284 : vector<1x128xf32> to vector<128x128xf32>
    %mul3A_1286 = arith.mulf %mul3A_1285, %dot_general3A_48 : vector<128x128xf32>
    %add3A_1287 = arith.addf %add3A_1279, %mul3A_1286 : vector<128x128xf32>
    %slice3A_1288 = vector.extract_strided_slice %exp3A_879 {offsets = [3, 0], sizes = [1, 128], strides = [1, 1]} : vector<8x128xf32> to vector<1x128xf32>
    %mul3A_1289 = vector.broadcast %slice3A_1288 : vector<1x128xf32> to vector<128x128xf32>
    %mul3A_1290 = arith.mulf %mul3A_1289, %dot_general3A_48 : vector<128x128xf32>
    %add3A_1291 = arith.addf %add3A_1283, %mul3A_1290 : vector<128x128xf32>
    %slice3A_1292 = vector.extract_strided_slice %exp3A_881 {offsets = [2, 0], sizes = [1, 128], strides = [1, 1]} : vector<8x128xf32> to vector<1x128xf32>
    %mul3A_1293 = vector.broadcast %slice3A_1292 : vector<1x128xf32> to vector<128x128xf32>
    %mul3A_1294 = arith.mulf %mul3A_1293, %dot_general3A_55 : vector<128x128xf32>
    %add3A_1295 = arith.addf %add3A_1287, %mul3A_1294 : vector<128x128xf32>
    %slice3A_1296 = vector.extract_strided_slice %exp3A_881 {offsets = [3, 0], sizes = [1, 128], strides = [1, 1]} : vector<8x128xf32> to vector<1x128xf32>
    %mul3A_1297 = vector.broadcast %slice3A_1296 : vector<1x128xf32> to vector<128x128xf32>
    %mul3A_1298 = arith.mulf %mul3A_1297, %dot_general3A_55 : vector<128x128xf32>
    %add3A_1299 = arith.addf %add3A_1291, %mul3A_1298 : vector<128x128xf32>
    %slice3A_1300 = vector.extract_strided_slice %exp3A_883 {offsets = [2, 0], sizes = [1, 128], strides = [1, 1]} : vector<8x128xf32> to vector<1x128xf32>
    %mul3A_1301 = vector.broadcast %slice3A_1300 : vector<1x128xf32> to vector<128x128xf32>
    %mul3A_1302 = arith.mulf %mul3A_1301, %dot_general3A_62 : vector<128x128xf32>
    %add3A_1303 = arith.addf %add3A_1295, %mul3A_1302 : vector<128x128xf32>
    %slice3A_1304 = vector.extract_strided_slice %exp3A_883 {offsets = [3, 0], sizes = [1, 128], strides = [1, 1]} : vector<8x128xf32> to vector<1x128xf32>
    %mul3A_1305 = vector.broadcast %slice3A_1304 : vector<1x128xf32> to vector<128x128xf32>
    %mul3A_1306 = arith.mulf %mul3A_1305, %dot_general3A_62 : vector<128x128xf32>
    %add3A_1307 = arith.addf %add3A_1299, %mul3A_1306 : vector<128x128xf32>
    %slice3A_1308 = vector.extract_strided_slice %exp3A_885 {offsets = [2, 0], sizes = [1, 128], strides = [1, 1]} : vector<8x128xf32> to vector<1x128xf32>
    %mul3A_1309 = vector.broadcast %slice3A_1308 : vector<1x128xf32> to vector<128x128xf32>
    %mul3A_1310 = arith.mulf %mul3A_1309, %dot_general3A_69 : vector<128x128xf32>
    %add3A_1311 = arith.addf %add3A_1303, %mul3A_1310 : vector<128x128xf32>
    %slice3A_1312 = vector.extract_strided_slice %exp3A_885 {offsets = [3, 0], sizes = [1, 128], strides = [1, 1]} : vector<8x128xf32> to vector<1x128xf32>
    %mul3A_1313 = vector.broadcast %slice3A_1312 : vector<1x128xf32> to vector<128x128xf32>
    %mul3A_1314 = arith.mulf %mul3A_1313, %dot_general3A_69 : vector<128x128xf32>
    %add3A_1315 = arith.addf %add3A_1307, %mul3A_1314 : vector<128x128xf32>
    %slice3A_1316 = vector.extract_strided_slice %exp3A_887 {offsets = [2, 0], sizes = [1, 128], strides = [1, 1]} : vector<8x128xf32> to vector<1x128xf32>
    %mul3A_1317 = vector.broadcast %slice3A_1316 : vector<1x128xf32> to vector<128x128xf32>
    %mul3A_1318 = arith.mulf %mul3A_1317, %dot_general3A_76 : vector<128x128xf32>
    %add3A_1319 = arith.addf %add3A_1311, %mul3A_1318 : vector<128x128xf32>
    %slice3A_1320 = vector.extract_strided_slice %exp3A_887 {offsets = [3, 0], sizes = [1, 128], strides = [1, 1]} : vector<8x128xf32> to vector<1x128xf32>
    %mul3A_1321 = vector.broadcast %slice3A_1320 : vector<1x128xf32> to vector<128x128xf32>
    %mul3A_1322 = arith.mulf %mul3A_1321, %dot_general3A_76 : vector<128x128xf32>
    %add3A_1323 = arith.addf %add3A_1315, %mul3A_1322 : vector<128x128xf32>
    %slice3A_1324 = vector.extract_strided_slice %exp3A_889 {offsets = [2, 0], sizes = [1, 128], strides = [1, 1]} : vector<8x128xf32> to vector<1x128xf32>
    %mul3A_1325 = vector.broadcast %slice3A_1324 : vector<1x128xf32> to vector<128x128xf32>
    %mul3A_1326 = arith.mulf %mul3A_1325, %dot_general3A_83 : vector<128x128xf32>
    %add3A_1327 = arith.addf %add3A_1319, %mul3A_1326 : vector<128x128xf32>
    %slice3A_1328 = vector.extract_strided_slice %exp3A_889 {offsets = [3, 0], sizes = [1, 128], strides = [1, 1]} : vector<8x128xf32> to vector<1x128xf32>
    %mul3A_1329 = vector.broadcast %slice3A_1328 : vector<1x128xf32> to vector<128x128xf32>
    %mul3A_1330 = arith.mulf %mul3A_1329, %dot_general3A_83 : vector<128x128xf32>
    %add3A_1331 = arith.addf %add3A_1323, %mul3A_1330 : vector<128x128xf32>
    %slice3A_1332 = vector.extract_strided_slice %exp3A_891 {offsets = [2, 0], sizes = [1, 128], strides = [1, 1]} : vector<8x128xf32> to vector<1x128xf32>
    %mul3A_1333 = vector.broadcast %slice3A_1332 : vector<1x128xf32> to vector<128x128xf32>
    %mul3A_1334 = arith.mulf %mul3A_1333, %dot_general3A_90 : vector<128x128xf32>
    %add3A_1335 = arith.addf %add3A_1327, %mul3A_1334 : vector<128x128xf32>
    %slice3A_1336 = vector.extract_strided_slice %exp3A_891 {offsets = [3, 0], sizes = [1, 128], strides = [1, 1]} : vector<8x128xf32> to vector<1x128xf32>
    %mul3A_1337 = vector.broadcast %slice3A_1336 : vector<1x128xf32> to vector<128x128xf32>
    %mul3A_1338 = arith.mulf %mul3A_1337, %dot_general3A_90 : vector<128x128xf32>
    %add3A_1339 = arith.addf %add3A_1331, %mul3A_1338 : vector<128x128xf32>
    %slice3A_1340 = vector.extract_strided_slice %exp3A_893 {offsets = [2, 0], sizes = [1, 128], strides = [1, 1]} : vector<8x128xf32> to vector<1x128xf32>
    %mul3A_1341 = vector.broadcast %slice3A_1340 : vector<1x128xf32> to vector<128x128xf32>
    %mul3A_1342 = arith.mulf %mul3A_1341, %dot_general3A_97 : vector<128x128xf32>
    %add3A_1343 = arith.addf %add3A_1335, %mul3A_1342 : vector<128x128xf32>
    %slice3A_1344 = vector.extract_strided_slice %exp3A_893 {offsets = [3, 0], sizes = [1, 128], strides = [1, 1]} : vector<8x128xf32> to vector<1x128xf32>
    %mul3A_1345 = vector.broadcast %slice3A_1344 : vector<1x128xf32> to vector<128x128xf32>
    %mul3A_1346 = arith.mulf %mul3A_1345, %dot_general3A_97 : vector<128x128xf32>
    %add3A_1347 = arith.addf %add3A_1339, %mul3A_1346 : vector<128x128xf32>
    %slice3A_1348 = vector.extract_strided_slice %exp3A_895 {offsets = [2, 0], sizes = [1, 128], strides = [1, 1]} : vector<8x128xf32> to vector<1x128xf32>
    %mul3A_1349 = vector.broadcast %slice3A_1348 : vector<1x128xf32> to vector<128x128xf32>
    %mul3A_1350 = arith.mulf %mul3A_1349, %dot_general3A_104 : vector<128x128xf32>
    %add3A_1351 = arith.addf %add3A_1343, %mul3A_1350 : vector<128x128xf32>
    %slice3A_1352 = vector.extract_strided_slice %exp3A_895 {offsets = [3, 0], sizes = [1, 128], strides = [1, 1]} : vector<8x128xf32> to vector<1x128xf32>
    %mul3A_1353 = vector.broadcast %slice3A_1352 : vector<1x128xf32> to vector<128x128xf32>
    %mul3A_1354 = arith.mulf %mul3A_1353, %dot_general3A_104 : vector<128x128xf32>
    %add3A_1355 = arith.addf %add3A_1347, %mul3A_1354 : vector<128x128xf32>
    %slice3A_1356 = vector.extract_strided_slice %exp3A_897 {offsets = [2, 0], sizes = [1, 128], strides = [1, 1]} : vector<8x128xf32> to vector<1x128xf32>
    %mul3A_1357 = vector.broadcast %slice3A_1356 : vector<1x128xf32> to vector<128x128xf32>
    %mul3A_1358 = arith.mulf %mul3A_1357, %dot_general3A_111 : vector<128x128xf32>
    %add3A_1359 = arith.addf %add3A_1351, %mul3A_1358 : vector<128x128xf32>
    %slice3A_1360 = vector.extract_strided_slice %exp3A_897 {offsets = [3, 0], sizes = [1, 128], strides = [1, 1]} : vector<8x128xf32> to vector<1x128xf32>
    %mul3A_1361 = vector.broadcast %slice3A_1360 : vector<1x128xf32> to vector<128x128xf32>
    %mul3A_1362 = arith.mulf %mul3A_1361, %dot_general3A_111 : vector<128x128xf32>
    %add3A_1363 = arith.addf %add3A_1355, %mul3A_1362 : vector<128x128xf32>
    %slice3A_1364 = vector.extract_strided_slice %exp3A_899 {offsets = [2, 0], sizes = [1, 128], strides = [1, 1]} : vector<8x128xf32> to vector<1x128xf32>
    %mul3A_1365 = vector.broadcast %slice3A_1364 : vector<1x128xf32> to vector<128x128xf32>
    %mul3A_1366 = arith.mulf %mul3A_1365, %dot_general3A_118 : vector<128x128xf32>
    %add3A_1367 = arith.addf %add3A_1359, %mul3A_1366 : vector<128x128xf32>
    %slice3A_1368 = vector.extract_strided_slice %exp3A_899 {offsets = [3, 0], sizes = [1, 128], strides = [1, 1]} : vector<8x128xf32> to vector<1x128xf32>
    %mul3A_1369 = vector.broadcast %slice3A_1368 : vector<1x128xf32> to vector<128x128xf32>
    %mul3A_1370 = arith.mulf %mul3A_1369, %dot_general3A_118 : vector<128x128xf32>
    %add3A_1371 = arith.addf %add3A_1363, %mul3A_1370 : vector<128x128xf32>
    %slice3A_1372 = vector.extract_strided_slice %exp3A_901 {offsets = [2, 0], sizes = [1, 128], strides = [1, 1]} : vector<8x128xf32> to vector<1x128xf32>
    %mul3A_1373 = vector.broadcast %slice3A_1372 : vector<1x128xf32> to vector<128x128xf32>
    %mul3A_1374 = arith.mulf %mul3A_1373, %dot_general3A_125 : vector<128x128xf32>
    %add3A_1375 = arith.addf %add3A_1367, %mul3A_1374 : vector<128x128xf32>
    %slice3A_1376 = vector.extract_strided_slice %exp3A_901 {offsets = [3, 0], sizes = [1, 128], strides = [1, 1]} : vector<8x128xf32> to vector<1x128xf32>
    %mul3A_1377 = vector.broadcast %slice3A_1376 : vector<1x128xf32> to vector<128x128xf32>
    %mul3A_1378 = arith.mulf %mul3A_1377, %dot_general3A_125 : vector<128x128xf32>
    %add3A_1379 = arith.addf %add3A_1371, %mul3A_1378 : vector<128x128xf32>
    %slice3A_1380 = vector.extract_strided_slice %exp3A_903 {offsets = [2, 0], sizes = [1, 128], strides = [1, 1]} : vector<8x128xf32> to vector<1x128xf32>
    %mul3A_1381 = vector.broadcast %slice3A_1380 : vector<1x128xf32> to vector<128x128xf32>
    %mul3A_1382 = arith.mulf %mul3A_1381, %dot_general3A_132 : vector<128x128xf32>
    %add3A_1383 = arith.addf %add3A_1375, %mul3A_1382 : vector<128x128xf32>
    %slice3A_1384 = vector.extract_strided_slice %exp3A_903 {offsets = [3, 0], sizes = [1, 128], strides = [1, 1]} : vector<8x128xf32> to vector<1x128xf32>
    %mul3A_1385 = vector.broadcast %slice3A_1384 : vector<1x128xf32> to vector<128x128xf32>
    %mul3A_1386 = arith.mulf %mul3A_1385, %dot_general3A_132 : vector<128x128xf32>
    %add3A_1387 = arith.addf %add3A_1379, %mul3A_1386 : vector<128x128xf32>
    %slice3A_1388 = vector.extract_strided_slice %exp3A_905 {offsets = [2, 0], sizes = [1, 128], strides = [1, 1]} : vector<8x128xf32> to vector<1x128xf32>
    %mul3A_1389 = vector.broadcast %slice3A_1388 : vector<1x128xf32> to vector<128x128xf32>
    %mul3A_1390 = arith.mulf %mul3A_1389, %dot_general3A_139 : vector<128x128xf32>
    %add3A_1391 = arith.addf %add3A_1383, %mul3A_1390 : vector<128x128xf32>
    %slice3A_1392 = vector.extract_strided_slice %exp3A_905 {offsets = [3, 0], sizes = [1, 128], strides = [1, 1]} : vector<8x128xf32> to vector<1x128xf32>
    %mul3A_1393 = vector.broadcast %slice3A_1392 : vector<1x128xf32> to vector<128x128xf32>
    %mul3A_1394 = arith.mulf %mul3A_1393, %dot_general3A_139 : vector<128x128xf32>
    %add3A_1395 = arith.addf %add3A_1387, %mul3A_1394 : vector<128x128xf32>
    %slice3A_1396 = vector.extract_strided_slice %div3A_970 {offsets = [2, 0], sizes = [1, 128], strides = [1, 1]} : vector<8x128xf32> to vector<1x128xf32>
    %mul3A_1397 = vector.broadcast %slice3A_1396 : vector<1x128xf32> to vector<128x128xf32>
    %mul3A_1398 = arith.mulf %add3A_1391, %mul3A_1397 : vector<128x128xf32>
    %slice3A_1399 = vector.extract_strided_slice %div3A_970 {offsets = [3, 0], sizes = [1, 128], strides = [1, 1]} : vector<8x128xf32> to vector<1x128xf32>
    %mul3A_1400 = vector.broadcast %slice3A_1399 : vector<1x128xf32> to vector<128x128xf32>
    %mul3A_1401 = arith.mulf %add3A_1395, %mul3A_1400 : vector<128x128xf32>
    %broadcast_in_dim3A_1402 = arith.constant 0.000000e+00 : f32
    %broadcast_in_dim3A_1403 = vector.broadcast %broadcast_in_dim3A_1402 : f32 to vector<128x128xf32>
    %broadcast_in_dim3A_1404 = arith.constant 0.000000e+00 : f32
    %broadcast_in_dim3A_1405 = vector.broadcast %broadcast_in_dim3A_1404 : f32 to vector<128x128xf32>
    %slice3A_1406 = vector.extract_strided_slice %exp3A_907 {offsets = [6, 0], sizes = [1, 128], strides = [1, 1]} : vector<8x128xf32> to vector<1x128xf32>
    %mul3A_1407 = vector.broadcast %slice3A_1406 : vector<1x128xf32> to vector<128x128xf32>
    %mul3A_1408 = arith.mulf %mul3A_1407, %dot_general3A_146 : vector<128x128xf32>
    %add3A_1409 = arith.addf %broadcast_in_dim3A_1403, %mul3A_1408 : vector<128x128xf32>
    %slice3A_1410 = vector.extract_strided_slice %exp3A_907 {offsets = [7, 0], sizes = [1, 128], strides = [1, 1]} : vector<8x128xf32> to vector<1x128xf32>
    %mul3A_1411 = vector.broadcast %slice3A_1410 : vector<1x128xf32> to vector<128x128xf32>
    %mul3A_1412 = arith.mulf %mul3A_1411, %dot_general3A_146 : vector<128x128xf32>
    %add3A_1413 = arith.addf %broadcast_in_dim3A_1405, %mul3A_1412 : vector<128x128xf32>
    %slice3A_1414 = vector.extract_strided_slice %exp3A_909 {offsets = [6, 0], sizes = [1, 128], strides = [1, 1]} : vector<8x128xf32> to vector<1x128xf32>
    %mul3A_1415 = vector.broadcast %slice3A_1414 : vector<1x128xf32> to vector<128x128xf32>
    %mul3A_1416 = arith.mulf %mul3A_1415, %dot_general3A_153 : vector<128x128xf32>
    %add3A_1417 = arith.addf %add3A_1409, %mul3A_1416 : vector<128x128xf32>
    %slice3A_1418 = vector.extract_strided_slice %exp3A_909 {offsets = [7, 0], sizes = [1, 128], strides = [1, 1]} : vector<8x128xf32> to vector<1x128xf32>
    %mul3A_1419 = vector.broadcast %slice3A_1418 : vector<1x128xf32> to vector<128x128xf32>
    %mul3A_1420 = arith.mulf %mul3A_1419, %dot_general3A_153 : vector<128x128xf32>
    %add3A_1421 = arith.addf %add3A_1413, %mul3A_1420 : vector<128x128xf32>
    %slice3A_1422 = vector.extract_strided_slice %exp3A_911 {offsets = [6, 0], sizes = [1, 128], strides = [1, 1]} : vector<8x128xf32> to vector<1x128xf32>
    %mul3A_1423 = vector.broadcast %slice3A_1422 : vector<1x128xf32> to vector<128x128xf32>
    %mul3A_1424 = arith.mulf %mul3A_1423, %dot_general3A_160 : vector<128x128xf32>
    %add3A_1425 = arith.addf %add3A_1417, %mul3A_1424 : vector<128x128xf32>
    %slice3A_1426 = vector.extract_strided_slice %exp3A_911 {offsets = [7, 0], sizes = [1, 128], strides = [1, 1]} : vector<8x128xf32> to vector<1x128xf32>
    %mul3A_1427 = vector.broadcast %slice3A_1426 : vector<1x128xf32> to vector<128x128xf32>
    %mul3A_1428 = arith.mulf %mul3A_1427, %dot_general3A_160 : vector<128x128xf32>
    %add3A_1429 = arith.addf %add3A_1421, %mul3A_1428 : vector<128x128xf32>
    %slice3A_1430 = vector.extract_strided_slice %exp3A_913 {offsets = [6, 0], sizes = [1, 128], strides = [1, 1]} : vector<8x128xf32> to vector<1x128xf32>
    %mul3A_1431 = vector.broadcast %slice3A_1430 : vector<1x128xf32> to vector<128x128xf32>
    %mul3A_1432 = arith.mulf %mul3A_1431, %dot_general3A_167 : vector<128x128xf32>
    %add3A_1433 = arith.addf %add3A_1425, %mul3A_1432 : vector<128x128xf32>
    %slice3A_1434 = vector.extract_strided_slice %exp3A_913 {offsets = [7, 0], sizes = [1, 128], strides = [1, 1]} : vector<8x128xf32> to vector<1x128xf32>
    %mul3A_1435 = vector.broadcast %slice3A_1434 : vector<1x128xf32> to vector<128x128xf32>
    %mul3A_1436 = arith.mulf %mul3A_1435, %dot_general3A_167 : vector<128x128xf32>
    %add3A_1437 = arith.addf %add3A_1429, %mul3A_1436 : vector<128x128xf32>
    %slice3A_1438 = vector.extract_strided_slice %exp3A_915 {offsets = [6, 0], sizes = [1, 128], strides = [1, 1]} : vector<8x128xf32> to vector<1x128xf32>
    %mul3A_1439 = vector.broadcast %slice3A_1438 : vector<1x128xf32> to vector<128x128xf32>
    %mul3A_1440 = arith.mulf %mul3A_1439, %dot_general3A_174 : vector<128x128xf32>
    %add3A_1441 = arith.addf %add3A_1433, %mul3A_1440 : vector<128x128xf32>
    %slice3A_1442 = vector.extract_strided_slice %exp3A_915 {offsets = [7, 0], sizes = [1, 128], strides = [1, 1]} : vector<8x128xf32> to vector<1x128xf32>
    %mul3A_1443 = vector.broadcast %slice3A_1442 : vector<1x128xf32> to vector<128x128xf32>
    %mul3A_1444 = arith.mulf %mul3A_1443, %dot_general3A_174 : vector<128x128xf32>
    %add3A_1445 = arith.addf %add3A_1437, %mul3A_1444 : vector<128x128xf32>
    %slice3A_1446 = vector.extract_strided_slice %exp3A_917 {offsets = [6, 0], sizes = [1, 128], strides = [1, 1]} : vector<8x128xf32> to vector<1x128xf32>
    %mul3A_1447 = vector.broadcast %slice3A_1446 : vector<1x128xf32> to vector<128x128xf32>
    %mul3A_1448 = arith.mulf %mul3A_1447, %dot_general3A_181 : vector<128x128xf32>
    %add3A_1449 = arith.addf %add3A_1441, %mul3A_1448 : vector<128x128xf32>
    %slice3A_1450 = vector.extract_strided_slice %exp3A_917 {offsets = [7, 0], sizes = [1, 128], strides = [1, 1]} : vector<8x128xf32> to vector<1x128xf32>
    %mul3A_1451 = vector.broadcast %slice3A_1450 : vector<1x128xf32> to vector<128x128xf32>
    %mul3A_1452 = arith.mulf %mul3A_1451, %dot_general3A_181 : vector<128x128xf32>
    %add3A_1453 = arith.addf %add3A_1445, %mul3A_1452 : vector<128x128xf32>
    %slice3A_1454 = vector.extract_strided_slice %exp3A_919 {offsets = [6, 0], sizes = [1, 128], strides = [1, 1]} : vector<8x128xf32> to vector<1x128xf32>
    %mul3A_1455 = vector.broadcast %slice3A_1454 : vector<1x128xf32> to vector<128x128xf32>
    %mul3A_1456 = arith.mulf %mul3A_1455, %dot_general3A_188 : vector<128x128xf32>
    %add3A_1457 = arith.addf %add3A_1449, %mul3A_1456 : vector<128x128xf32>
    %slice3A_1458 = vector.extract_strided_slice %exp3A_919 {offsets = [7, 0], sizes = [1, 128], strides = [1, 1]} : vector<8x128xf32> to vector<1x128xf32>
    %mul3A_1459 = vector.broadcast %slice3A_1458 : vector<1x128xf32> to vector<128x128xf32>
    %mul3A_1460 = arith.mulf %mul3A_1459, %dot_general3A_188 : vector<128x128xf32>
    %add3A_1461 = arith.addf %add3A_1453, %mul3A_1460 : vector<128x128xf32>
    %slice3A_1462 = vector.extract_strided_slice %exp3A_921 {offsets = [6, 0], sizes = [1, 128], strides = [1, 1]} : vector<8x128xf32> to vector<1x128xf32>
    %mul3A_1463 = vector.broadcast %slice3A_1462 : vector<1x128xf32> to vector<128x128xf32>
    %mul3A_1464 = arith.mulf %mul3A_1463, %dot_general3A_195 : vector<128x128xf32>
    %add3A_1465 = arith.addf %add3A_1457, %mul3A_1464 : vector<128x128xf32>
    %slice3A_1466 = vector.extract_strided_slice %exp3A_921 {offsets = [7, 0], sizes = [1, 128], strides = [1, 1]} : vector<8x128xf32> to vector<1x128xf32>
    %mul3A_1467 = vector.broadcast %slice3A_1466 : vector<1x128xf32> to vector<128x128xf32>
    %mul3A_1468 = arith.mulf %mul3A_1467, %dot_general3A_195 : vector<128x128xf32>
    %add3A_1469 = arith.addf %add3A_1461, %mul3A_1468 : vector<128x128xf32>
    %slice3A_1470 = vector.extract_strided_slice %exp3A_923 {offsets = [6, 0], sizes = [1, 128], strides = [1, 1]} : vector<8x128xf32> to vector<1x128xf32>
    %mul3A_1471 = vector.broadcast %slice3A_1470 : vector<1x128xf32> to vector<128x128xf32>
    %mul3A_1472 = arith.mulf %mul3A_1471, %dot_general3A_202 : vector<128x128xf32>
    %add3A_1473 = arith.addf %add3A_1465, %mul3A_1472 : vector<128x128xf32>
    %slice3A_1474 = vector.extract_strided_slice %exp3A_923 {offsets = [7, 0], sizes = [1, 128], strides = [1, 1]} : vector<8x128xf32> to vector<1x128xf32>
    %mul3A_1475 = vector.broadcast %slice3A_1474 : vector<1x128xf32> to vector<128x128xf32>
    %mul3A_1476 = arith.mulf %mul3A_1475, %dot_general3A_202 : vector<128x128xf32>
    %add3A_1477 = arith.addf %add3A_1469, %mul3A_1476 : vector<128x128xf32>
    %slice3A_1478 = vector.extract_strided_slice %exp3A_925 {offsets = [6, 0], sizes = [1, 128], strides = [1, 1]} : vector<8x128xf32> to vector<1x128xf32>
    %mul3A_1479 = vector.broadcast %slice3A_1478 : vector<1x128xf32> to vector<128x128xf32>
    %mul3A_1480 = arith.mulf %mul3A_1479, %dot_general3A_209 : vector<128x128xf32>
    %add3A_1481 = arith.addf %add3A_1473, %mul3A_1480 : vector<128x128xf32>
    %slice3A_1482 = vector.extract_strided_slice %exp3A_925 {offsets = [7, 0], sizes = [1, 128], strides = [1, 1]} : vector<8x128xf32> to vector<1x128xf32>
    %mul3A_1483 = vector.broadcast %slice3A_1482 : vector<1x128xf32> to vector<128x128xf32>
    %mul3A_1484 = arith.mulf %mul3A_1483, %dot_general3A_209 : vector<128x128xf32>
    %add3A_1485 = arith.addf %add3A_1477, %mul3A_1484 : vector<128x128xf32>
    %slice3A_1486 = vector.extract_strided_slice %exp3A_927 {offsets = [6, 0], sizes = [1, 128], strides = [1, 1]} : vector<8x128xf32> to vector<1x128xf32>
    %mul3A_1487 = vector.broadcast %slice3A_1486 : vector<1x128xf32> to vector<128x128xf32>
    %mul3A_1488 = arith.mulf %mul3A_1487, %dot_general3A_216 : vector<128x128xf32>
    %add3A_1489 = arith.addf %add3A_1481, %mul3A_1488 : vector<128x128xf32>
    %slice3A_1490 = vector.extract_strided_slice %exp3A_927 {offsets = [7, 0], sizes = [1, 128], strides = [1, 1]} : vector<8x128xf32> to vector<1x128xf32>
    %mul3A_1491 = vector.broadcast %slice3A_1490 : vector<1x128xf32> to vector<128x128xf32>
    %mul3A_1492 = arith.mulf %mul3A_1491, %dot_general3A_216 : vector<128x128xf32>
    %add3A_1493 = arith.addf %add3A_1485, %mul3A_1492 : vector<128x128xf32>
    %slice3A_1494 = vector.extract_strided_slice %exp3A_929 {offsets = [6, 0], sizes = [1, 128], strides = [1, 1]} : vector<8x128xf32> to vector<1x128xf32>
    %mul3A_1495 = vector.broadcast %slice3A_1494 : vector<1x128xf32> to vector<128x128xf32>
    %mul3A_1496 = arith.mulf %mul3A_1495, %dot_general3A_223 : vector<128x128xf32>
    %add3A_1497 = arith.addf %add3A_1489, %mul3A_1496 : vector<128x128xf32>
    %slice3A_1498 = vector.extract_strided_slice %exp3A_929 {offsets = [7, 0], sizes = [1, 128], strides = [1, 1]} : vector<8x128xf32> to vector<1x128xf32>
    %mul3A_1499 = vector.broadcast %slice3A_1498 : vector<1x128xf32> to vector<128x128xf32>
    %mul3A_1500 = arith.mulf %mul3A_1499, %dot_general3A_223 : vector<128x128xf32>
    %add3A_1501 = arith.addf %add3A_1493, %mul3A_1500 : vector<128x128xf32>
    %slice3A_1502 = vector.extract_strided_slice %exp3A_931 {offsets = [6, 0], sizes = [1, 128], strides = [1, 1]} : vector<8x128xf32> to vector<1x128xf32>
    %mul3A_1503 = vector.broadcast %slice3A_1502 : vector<1x128xf32> to vector<128x128xf32>
    %mul3A_1504 = arith.mulf %mul3A_1503, %dot_general3A_230 : vector<128x128xf32>
    %add3A_1505 = arith.addf %add3A_1497, %mul3A_1504 : vector<128x128xf32>
    %slice3A_1506 = vector.extract_strided_slice %exp3A_931 {offsets = [7, 0], sizes = [1, 128], strides = [1, 1]} : vector<8x128xf32> to vector<1x128xf32>
    %mul3A_1507 = vector.broadcast %slice3A_1506 : vector<1x128xf32> to vector<128x128xf32>
    %mul3A_1508 = arith.mulf %mul3A_1507, %dot_general3A_230 : vector<128x128xf32>
    %add3A_1509 = arith.addf %add3A_1501, %mul3A_1508 : vector<128x128xf32>
    %slice3A_1510 = vector.extract_strided_slice %exp3A_933 {offsets = [6, 0], sizes = [1, 128], strides = [1, 1]} : vector<8x128xf32> to vector<1x128xf32>
    %mul3A_1511 = vector.broadcast %slice3A_1510 : vector<1x128xf32> to vector<128x128xf32>
    %mul3A_1512 = arith.mulf %mul3A_1511, %dot_general3A_237 : vector<128x128xf32>
    %add3A_1513 = arith.addf %add3A_1505, %mul3A_1512 : vector<128x128xf32>
    %slice3A_1514 = vector.extract_strided_slice %exp3A_933 {offsets = [7, 0], sizes = [1, 128], strides = [1, 1]} : vector<8x128xf32> to vector<1x128xf32>
    %mul3A_1515 = vector.broadcast %slice3A_1514 : vector<1x128xf32> to vector<128x128xf32>
    %mul3A_1516 = arith.mulf %mul3A_1515, %dot_general3A_237 : vector<128x128xf32>
    %add3A_1517 = arith.addf %add3A_1509, %mul3A_1516 : vector<128x128xf32>
    %slice3A_1518 = vector.extract_strided_slice %exp3A_935 {offsets = [6, 0], sizes = [1, 128], strides = [1, 1]} : vector<8x128xf32> to vector<1x128xf32>
    %mul3A_1519 = vector.broadcast %slice3A_1518 : vector<1x128xf32> to vector<128x128xf32>
    %mul3A_1520 = arith.mulf %mul3A_1519, %dot_general3A_244 : vector<128x128xf32>
    %add3A_1521 = arith.addf %add3A_1513, %mul3A_1520 : vector<128x128xf32>
    %slice3A_1522 = vector.extract_strided_slice %exp3A_935 {offsets = [7, 0], sizes = [1, 128], strides = [1, 1]} : vector<8x128xf32> to vector<1x128xf32>
    %mul3A_1523 = vector.broadcast %slice3A_1522 : vector<1x128xf32> to vector<128x128xf32>
    %mul3A_1524 = arith.mulf %mul3A_1523, %dot_general3A_244 : vector<128x128xf32>
    %add3A_1525 = arith.addf %add3A_1517, %mul3A_1524 : vector<128x128xf32>
    %slice3A_1526 = vector.extract_strided_slice %exp3A_937 {offsets = [6, 0], sizes = [1, 128], strides = [1, 1]} : vector<8x128xf32> to vector<1x128xf32>
    %mul3A_1527 = vector.broadcast %slice3A_1526 : vector<1x128xf32> to vector<128x128xf32>
    %mul3A_1528 = arith.mulf %mul3A_1527, %dot_general3A_251 : vector<128x128xf32>
    %add3A_1529 = arith.addf %add3A_1521, %mul3A_1528 : vector<128x128xf32>
    %slice3A_1530 = vector.extract_strided_slice %exp3A_937 {offsets = [7, 0], sizes = [1, 128], strides = [1, 1]} : vector<8x128xf32> to vector<1x128xf32>
    %mul3A_1531 = vector.broadcast %slice3A_1530 : vector<1x128xf32> to vector<128x128xf32>
    %mul3A_1532 = arith.mulf %mul3A_1531, %dot_general3A_251 : vector<128x128xf32>
    %add3A_1533 = arith.addf %add3A_1525, %mul3A_1532 : vector<128x128xf32>
    %slice3A_1534 = vector.extract_strided_slice %div3A_973 {offsets = [6, 0], sizes = [1, 128], strides = [1, 1]} : vector<8x128xf32> to vector<1x128xf32>
    %mul3A_1535 = vector.broadcast %slice3A_1534 : vector<1x128xf32> to vector<128x128xf32>
    %mul3A_1536 = arith.mulf %add3A_1529, %mul3A_1535 : vector<128x128xf32>
    %slice3A_1537 = vector.extract_strided_slice %div3A_973 {offsets = [7, 0], sizes = [1, 128], strides = [1, 1]} : vector<8x128xf32> to vector<1x128xf32>
    %mul3A_1538 = vector.broadcast %slice3A_1537 : vector<1x128xf32> to vector<128x128xf32>
    %mul3A_1539 = arith.mulf %add3A_1533, %mul3A_1538 : vector<128x128xf32>
    %slice3A_1540 = vector.extract_strided_slice %get3A_2 {offsets = [0, 0, 0], sizes = [1, 128, 64], strides = [1, 1, 1]} : vector<4x128x64xf32> to vector<1x128x64xf32>
    %squeeze3A = vector.shape_cast %slice3A_1540 : vector<1x128x64xf32> to vector<128x64xf32>
    %dot_general3A_1541 = arith.constant dense<0.000000e+00> : vector<128x64xf32>
    %dot_general3A_1542 = tpu.matmul %mul3A_1114, %squeeze3A, %dot_general3A_1541 {dimension_numbers = #tpu.dot_dimension_numbers<[0], [0], [1], [1], [0, 1, 1, 1], [], []>, transpose_lhs_hint = false} : vector<128x128xf32>, vector<128x64xf32>, vector<128x64xf32> -> vector<128x64xf32>
    %slice3A_1543 = vector.extract_strided_slice %get3A_2 {offsets = [1, 0, 0], sizes = [1, 128, 64], strides = [1, 1, 1]} : vector<4x128x64xf32> to vector<1x128x64xf32>
    %squeeze3A_1544 = vector.shape_cast %slice3A_1543 : vector<1x128x64xf32> to vector<128x64xf32>
    %dot_general3A_1545 = arith.constant dense<0.000000e+00> : vector<128x64xf32>
    %dot_general3A_1546 = tpu.matmul %mul3A_1117, %squeeze3A_1544, %dot_general3A_1545 {dimension_numbers = #tpu.dot_dimension_numbers<[0], [0], [1], [1], [0, 1, 1, 1], [], []>, transpose_lhs_hint = false} : vector<128x128xf32>, vector<128x64xf32>, vector<128x64xf32> -> vector<128x64xf32>
    %add3A_1547 = arith.addf %dot_general3A_1542, %dot_general3A_1546 : vector<128x64xf32>
    %slice3A_1548 = vector.extract_strided_slice %get3A_2 {offsets = [2, 0, 0], sizes = [1, 128, 64], strides = [1, 1, 1]} : vector<4x128x64xf32> to vector<1x128x64xf32>
    %squeeze3A_1549 = vector.shape_cast %slice3A_1548 : vector<1x128x64xf32> to vector<128x64xf32>
    %dot_general3A_1550 = arith.constant dense<0.000000e+00> : vector<128x64xf32>
    %dot_general3A_1551 = tpu.matmul %mul3A_1398, %squeeze3A_1549, %dot_general3A_1550 {dimension_numbers = #tpu.dot_dimension_numbers<[0], [0], [1], [1], [0, 1, 1, 1], [], []>, transpose_lhs_hint = false} : vector<128x128xf32>, vector<128x64xf32>, vector<128x64xf32> -> vector<128x64xf32>
    %add3A_1552 = arith.addf %add3A_1547, %dot_general3A_1551 : vector<128x64xf32>
    %slice3A_1553 = vector.extract_strided_slice %get3A_2 {offsets = [3, 0, 0], sizes = [1, 128, 64], strides = [1, 1, 1]} : vector<4x128x64xf32> to vector<1x128x64xf32>
    %squeeze3A_1554 = vector.shape_cast %slice3A_1553 : vector<1x128x64xf32> to vector<128x64xf32>
    %dot_general3A_1555 = arith.constant dense<0.000000e+00> : vector<128x64xf32>
    %dot_general3A_1556 = tpu.matmul %mul3A_1401, %squeeze3A_1554, %dot_general3A_1555 {dimension_numbers = #tpu.dot_dimension_numbers<[0], [0], [1], [1], [0, 1, 1, 1], [], []>, transpose_lhs_hint = false} : vector<128x128xf32>, vector<128x64xf32>, vector<128x64xf32> -> vector<128x64xf32>
    %add3A_1557 = arith.addf %add3A_1552, %dot_general3A_1556 : vector<128x64xf32>
    %slice3A_1558 = vector.extract_strided_slice %get3A_6 {offsets = [0, 0, 0], sizes = [1, 128, 64], strides = [1, 1, 1]} : vector<4x128x64xf32> to vector<1x128x64xf32>
    %squeeze3A_1559 = vector.shape_cast %slice3A_1558 : vector<1x128x64xf32> to vector<128x64xf32>
    %dot_general3A_1560 = arith.constant dense<0.000000e+00> : vector<128x64xf32>
    %dot_general3A_1561 = tpu.matmul %mul3A_1252, %squeeze3A_1559, %dot_general3A_1560 {dimension_numbers = #tpu.dot_dimension_numbers<[0], [0], [1], [1], [0, 1, 1, 1], [], []>, transpose_lhs_hint = false} : vector<128x128xf32>, vector<128x64xf32>, vector<128x64xf32> -> vector<128x64xf32>
    %add3A_1562 = arith.addf %add3A_1557, %dot_general3A_1561 : vector<128x64xf32>
    %slice3A_1563 = vector.extract_strided_slice %get3A_6 {offsets = [1, 0, 0], sizes = [1, 128, 64], strides = [1, 1, 1]} : vector<4x128x64xf32> to vector<1x128x64xf32>
    %squeeze3A_1564 = vector.shape_cast %slice3A_1563 : vector<1x128x64xf32> to vector<128x64xf32>
    %dot_general3A_1565 = arith.constant dense<0.000000e+00> : vector<128x64xf32>
    %dot_general3A_1566 = tpu.matmul %mul3A_1255, %squeeze3A_1564, %dot_general3A_1565 {dimension_numbers = #tpu.dot_dimension_numbers<[0], [0], [1], [1], [0, 1, 1, 1], [], []>, transpose_lhs_hint = false} : vector<128x128xf32>, vector<128x64xf32>, vector<128x64xf32> -> vector<128x64xf32>
    %add3A_1567 = arith.addf %add3A_1562, %dot_general3A_1566 : vector<128x64xf32>
    %slice3A_1568 = vector.extract_strided_slice %get3A_6 {offsets = [2, 0, 0], sizes = [1, 128, 64], strides = [1, 1, 1]} : vector<4x128x64xf32> to vector<1x128x64xf32>
    %squeeze3A_1569 = vector.shape_cast %slice3A_1568 : vector<1x128x64xf32> to vector<128x64xf32>
    %dot_general3A_1570 = arith.constant dense<0.000000e+00> : vector<128x64xf32>
    %dot_general3A_1571 = tpu.matmul %mul3A_1536, %squeeze3A_1569, %dot_general3A_1570 {dimension_numbers = #tpu.dot_dimension_numbers<[0], [0], [1], [1], [0, 1, 1, 1], [], []>, transpose_lhs_hint = false} : vector<128x128xf32>, vector<128x64xf32>, vector<128x64xf32> -> vector<128x64xf32>
    %add3A_1572 = arith.addf %add3A_1567, %dot_general3A_1571 : vector<128x64xf32>
    %slice3A_1573 = vector.extract_strided_slice %get3A_6 {offsets = [3, 0, 0], sizes = [1, 128, 64], strides = [1, 1, 1]} : vector<4x128x64xf32> to vector<1x128x64xf32>
    %squeeze3A_1574 = vector.shape_cast %slice3A_1573 : vector<1x128x64xf32> to vector<128x64xf32>
    %dot_general3A_1575 = arith.constant dense<0.000000e+00> : vector<128x64xf32>
    %dot_general3A_1576 = tpu.matmul %mul3A_1539, %squeeze3A_1574, %dot_general3A_1575 {dimension_numbers = #tpu.dot_dimension_numbers<[0], [0], [1], [1], [0, 1, 1, 1], [], []>, transpose_lhs_hint = false} : vector<128x128xf32>, vector<128x64xf32>, vector<128x64xf32> -> vector<128x64xf32>
    %add3A_1577 = arith.addf %add3A_1572, %dot_general3A_1576 : vector<128x64xf32>
    %mul3A_1578 = arith.constant 2.500000e-01 : f32
    %mul3A_1579 = vector.broadcast %mul3A_1578 : f32 to vector<128x64xf32>
    %mul3A_1580 = arith.mulf %add3A_1577, %mul3A_1579 : vector<128x64xf32>
    %max3A_1581 = arith.constant 0.000000e+00 : f32
    %max3A_1582 = vector.broadcast %max3A_1581 : f32 to vector<128x64xf32>
    %max3A_1583 = arith.maximumf %mul3A_1580, %max3A_1582 : vector<128x64xf32>
    %swap3A = arith.constant 0 : index
    %swap3A_1584 = arith.constant 0 : index
    %swap3A_1585 = vector.load %arg11[%swap3A, %swap3A_1584] : memref<128x64xf32, #tpu.memory_space<vmem>>, vector<128x64xf32>
    tpu.vector_store %arg11[%swap3A, %swap3A_1584], %max3A_1583 {strides = array<i32>} : memref<128x64xf32, #tpu.memory_space<vmem>>, vector<128x64xf32>,
    %get3A_1586 = arith.constant 16 : index
    %get3A_1587 = arith.constant 0 : index
    %get3A_1588 = arith.constant 0 : index
    %get3A_1589 = vector.load %arg2[%get3A_1586, %get3A_1587, %get3A_1588] : memref<33x128x16xf32, #tpu.memory_space<vmem>>, vector<1x128x16xf32>
    %get3A_1590 = vector.shape_cast %get3A_1589 : vector<1x128x16xf32> to vector<128x16xf32>
    %swap3A_1591 = arith.constant 0 : index
    %swap3A_1592 = arith.constant 0 : index
    %swap3A_1593 = vector.load %arg12[%swap3A_1591, %swap3A_1592] : memref<128x16xf32, #tpu.memory_space<vmem>>, vector<128x16xf32>
    tpu.vector_store %arg12[%swap3A_1591, %swap3A_1592], %get3A_1590 {strides = array<i32>} : memref<128x16xf32, #tpu.memory_space<vmem>>, vector<128x16xf32>,
    return
  }
  func.func @transform_0(%arg0: i32) -> (i32, i32, i32) {
    %c0_i32 = arith.constant 0 : i32
    %c0_i32_0 = arith.constant 0 : i32
    %c0_i32_1 = arith.constant 0 : i32
    return %c0_i32, %arg0, %c0_i32_0 : i32, i32, i32
  }
  func.func @transform_1(%arg0: i32) -> (i32, i32, i32) {
    %c0_i32 = arith.constant 0 : i32
    %c0_i32_0 = arith.constant 0 : i32
    %c0_i32_1 = arith.constant 0 : i32
    return %c0_i32, %arg0, %c0_i32_0 : i32, i32, i32
  }
  func.func @transform_2(%arg0: i32) -> (i32, i32, i32) {
    %c0_i32 = arith.constant 0 : i32
    %c0_i32_0 = arith.constant 0 : i32
    %c0_i32_1 = arith.constant 0 : i32
    %c0_i32_2 = arith.constant 0 : i32
    return %c0_i32, %c0_i32_0, %c0_i32_1 : i32, i32, i32
  }
  func.func @transform_3(%arg0: i32) -> (i32, i32) {
    %c0_i32 = arith.constant 0 : i32
    %c0_i32_0 = arith.constant 0 : i32
    %c0_i32_1 = arith.constant 0 : i32
    return %c0_i32, %c0_i32_0 : i32, i32
  }
  func.func @transform_4(%arg0: i32) -> (i32, i32) {
    %c0_i32 = arith.constant 0 : i32
    %c0_i32_0 = arith.constant 0 : i32
    %c0_i32_1 = arith.constant 0 : i32
    return %c0_i32, %c0_i32_0 : i32, i32
  }
  func.func @transform_5(%arg0: i32) -> (i32, i32) {
    %c0_i32 = arith.constant 0 : i32
    %c0_i32_0 = arith.constant 0 : i32
    %c0_i32_1 = arith.constant 0 : i32
    return %c0_i32, %c0_i32_0 : i32, i32
  }
  func.func @transform_6(%arg0: i32) -> (i32, i32, i32) {
    %c0_i32 = arith.constant 0 : i32
    %c0_i32_0 = arith.constant 0 : i32
    %c0_i32_1 = arith.constant 0 : i32
    %c0_i32_2 = arith.constant 0 : i32
    return %c0_i32, %c0_i32_0, %c0_i32_1 : i32, i32, i32
  }
  func.func @transform_7(%arg0: i32) -> (i32, i32) {
    %c0_i32 = arith.constant 0 : i32
    %c0_i32_0 = arith.constant 0 : i32
    %c0_i32_1 = arith.constant 0 : i32
    return %c0_i32, %c0_i32_0 : i32, i32
  }
  func.func @transform_8(%arg0: i32) -> (i32, i32) {
    %c0_i32 = arith.constant 0 : i32
    %c0_i32_0 = arith.constant 0 : i32
    %c0_i32_1 = arith.constant 0 : i32
    return %c0_i32, %c0_i32_0 : i32, i32
  }
  func.func @transform_9(%arg0: i32) -> (i32, i32) {
    %c0_i32 = arith.constant 0 : i32
    %c0_i32_0 = arith.constant 0 : i32
    %c0_i32_1 = arith.constant 0 : i32
    return %c0_i32, %c0_i32_0 : i32, i32
  }
  func.func @transform_10(%arg0: i32) -> (i32, i32) {
    %c0_i32 = arith.constant 0 : i32
    %c0_i32_0 = arith.constant 0 : i32
    return %arg0, %c0_i32 : i32, i32
  }
  func.func @transform_11(%arg0: i32) -> (i32, i32) {
    %c0_i32 = arith.constant 0 : i32
    %c0_i32_0 = arith.constant 0 : i32
    return %arg0, %c0_i32 : i32, i32
  }
}

</mosaic_0001>

<sc_bundles>
// kernel: kernel.5.cloned.1.call-start
scs
__scs_entry_jumppad:
0x0: {  	(pc) =	sbr.rel $0x88, $3  }
0x1: {  	(tag) =	ssettag $0x0;
	lr =	simm.s32 $0x1  }
0x2: {  	[smem:$0x3F94] =	sst lr;
	_ =	strace $0xD0000000  }
0x3: {  	_ = 	snop  }
0x4: {  	_ = 	snop  }
0x5: {  	_ = 	snop  }
0x6: {  	_ = 	snop  }
0x7: {  	_ = 	snop  }
__scs_overlays_trampoline_lowered:
0x8: {  	[smem:$0x3FA3] =	sst s0  }
0x9: {  	[smem:$0x3FA4] =	sst s1  }
0xa: {  	[smem:$0x3FA5] =	sst s2  }
0xb: {  	[smem:$0x3FA6] =	sst s3  }
0xc: {  	[smem:$0x3FA7] =	sst s4  }
0xd: {  	[smem:$0x3FA8] =	sst s5  }
0xe: {  	[smem:$0x3FA9] =	sst s6  }
0xf: {  	[smem:$0x3FAA] =	sst s7  }
0x10: {  	[smem:$0x3FAB] =	sst s8  }
0x11: {  	[smem:$0x3FAC] =	sst s9;
	s0 =	simm.s32 @!p0 $0x0  }
0x12: {  	s1 =	sld [smem:$0x3F92];
	s0 =	simm.s32 @p0 $0x1  }
0x13: {  	[smem:$0x3FAD] =	sst s0;
	s0 =	simm.s32 @!p1 $0x0  }
0x14: {  	s2 =	sld [smem:$0x3F91];
	s0 =	simm.s32 @p1 $0x1  }
0x15: {  	[smem:$0x3FAE] =	sst s0;
	s0 =	simm.s32 @!p2 $0x0  }
0x16: {  	s3 =	sld [smem:$0x3FDB];
	s0 =	simm.s32 @p2 $0x1  }
0x17: {  	s4 =	simm.s32 $0x1BF5;
	[smem:$0x3FB0] =	sst s0  }
0x18: {  	s0 =	sld [smem:$0x3F93];
	_ =	swait.ge [sflag:s4], $0x0  }
0x19: {  	s7 =	sld [smem:$0x3F94]  }
0x1a: {  	s8 =	sadd.s32 $0xFFFFE003, lr  }
0x1b: {  	s9 =	sadd.s32 $0xFFFFFEF7, lr;
	s5 =	simm.s32 $0xFFFFFFFF;
	p2 =	slt.u32 s8, $0xFFFFF086  }
0x1c: {  	p1 =	slt.u32 s9, $0xF7A;
	s5 =	simm.s32 @!p2 $0x0  }
0x1d: {  	s5 =	simm.s32 @p1 $0x1;
	p0 =	seq.s32 s7, s2  }
0x1e: {  	s7 =	smul.u32 @!p0 $0xF7A, s2;
	p2 =	seq.s32 @!p0 s5, $0x0  }
0x1f: {  	s9 =	smul.u32 $0xF7A, s1;
	s8 =	simm.s32 @!p0 $0x1BF5;
	p2 =	por !p2, p0  }
0x20: {  	[sflag:s8] =	ssyncset.s32 @!p0 $0xFFFFF086;
	s6 =	sadd.s32 @!p0 s3, s7;
	s7 =	simm.s32 @!p0 $0x108  }
0x21: {  	s3 =	sadd.s32 s3, s9;
	s6 =	sadd.s32 @!p0 $0x88, s6;
	s7 =	simm.s32 @p2 $0x1082  }
0x22: {  	[simem:s7], [sflag:s8] =	dma.local @!p0 [hbm:s6], $0xF7A  }
0x23: {  	s9 =	sor.u32 $0xD0000000, s2;
	s6 =	simm.s32 $0x108;
	_ =	swait.ge @!p0 [sflag:s8], $0x0  }
0x24: {  	s3 =	sadd.s32 $0x88, s3;
	s6 =	simm.s32 @!p1 $0x1082;
	[sflag:s4] =	ssyncset.s32 $0xFFFFF086  }
0x25: {  	[simem:s6], [sflag:s4] =	dma.local [hbm:s3], $0xF7A  }
0x26: {  	[smem:$0x3F94] =	sst s1;
	(tag) =	ssettag s2;
	_ =	strace s9  }
0x27: {  	s1 =	sld [smem:$0x3FA4]  }
0x28: {  	s2 =	sld [smem:$0x3FA5]  }
0x29: {  	s4 =	sld [smem:$0x3FA7]  }
0x2a: {  	p0 =	seq.s32 s5, $0x0;
	s5 =	sld [smem:$0x3FA8]  }
0x2b: {  	s6 =	sld [smem:$0x3FA9]  }
0x2c: {  	s7 =	sld [smem:$0x3FAA]  }
0x2d: {  	s3 =	simm.s32 $0x108;
	s8 =	sld [smem:$0x3FAB]  }
0x2e: {  	s3 =	simm.s32 @!p0 $0x1082;
	s9 =	sld [smem:$0x3FAC]  }
0x2f: {  	lr =	sadd.s32 s0, s3;
	s0 =	sld [smem:$0x3FA3]  }
0x30: {  	s3 =	sld [smem:$0x3FA6]  }
0x31: {  	[smem:$0x3FAF] =	sst s10  }
0x32: {  	s10 =	sld [smem:$0x3FAD];
	_ =	sdelay $0x3  }
0x33: {  	p0 =	seq.s32 s10, $0x1;
	s10 =	sld [smem:$0x3FAF];
	_ =	sdelay $0x3  }
0x34: {  	[smem:$0x3FAF] =	sst s10  }
0x35: {  	s10 =	sld [smem:$0x3FAE];
	_ =	sdelay $0x3  }
0x36: {  	p1 =	seq.s32 s10, $0x1;
	s10 =	sld [smem:$0x3FAF];
	_ =	sdelay $0x3  }
0x37: {  	[smem:$0x3FAF] =	sst s10  }
0x38: {  	s10 =	sld [smem:$0x3FB0]  }
0x39: {  	_ = 	snop;
	(pc) =	sbr.ind lr, $3  }
0x3a: {  	_ = 	snop  }
0x3b: {  	_ = 	snop  }
0x3c: {  	p2 =	seq.s32 s10, $0x1;
	s10 =	sld [smem:$0x3FAF]  }
0x3d: {  	_ =	shalt  }
0x3e: {  	_ =	shalt  }
0x3f: {  	_ =	shalt  }
0x40: {  	_ =	shalt  }
0x41: {  	_ =	shalt  }
0x42: {  	_ =	shalt  }
0x43: {  	_ =	shalt  }
0x44: {  	_ =	shalt  }
0x45: {  	_ =	shalt  }
0x46: {  	_ =	shalt  }
0x47: {  	_ =	shalt  }
0x48: {  	_ =	shalt  }
0x49: {  	_ =	shalt  }
0x4a: {  	_ =	shalt  }
0x4b: {  	_ =	shalt  }
0x4c: {  	_ =	shalt  }
0x4d: {  	_ =	shalt  }
0x4e: {  	_ =	shalt  }
0x4f: {  	_ =	shalt  }
0x50: {  	_ =	shalt  }
0x51: {  	_ =	shalt  }
0x52: {  	_ =	shalt  }
0x53: {  	_ =	shalt  }
0x54: {  	_ =	shalt  }
0x55: {  	_ =	shalt  }
0x56: {  	_ =	shalt  }
0x57: {  	_ =	shalt  }
0x58: {  	_ =	shalt  }
0x59: {  	_ =	shalt  }
0x5a: {  	_ =	shalt  }
0x5b: {  	_ =	shalt  }
0x5c: {  	_ =	shalt  }
0x5d: {  	_ =	shalt  }
0x5e: {  	_ =	shalt  }
0x5f: {  	_ =	shalt  }
0x60: {  	_ =	shalt  }
0x61: {  	_ =	shalt  }
0x62: {  	_ =	shalt  }
0x63: {  	_ =	shalt  }
0x64: {  	_ =	shalt  }
0x65: {  	_ =	shalt  }
0x66: {  	_ =	shalt  }
0x67: {  	_ =	shalt  }
0x68: {  	_ =	shalt  }
0x69: {  	_ =	shalt  }
0x6a: {  	_ =	shalt  }
0x6b: {  	_ =	shalt  }
0x6c: {  	_ =	shalt  }
0x6d: {  	_ =	shalt  }
0x6e: {  	_ =	shalt  }
0x6f: {  	_ =	shalt  }
0x70: {  	_ =	shalt  }
0x71: {  	_ =	shalt  }
0x72: {  	_ =	shalt  }
0x73: {  	_ =	shalt  }
0x74: {  	_ =	shalt  }
0x75: {  	_ =	shalt  }
0x76: {  	_ =	shalt  }
0x77: {  	_ =	shalt  }
0x78: {  	_ =	shalt  }
0x79: {  	_ =	shalt  }
0x7a: {  	_ =	shalt  }
0x7b: {  	_ =	shalt  }
0x7c: {  	_ =	shalt  }
0x7d: {  	_ =	shalt  }
0x7e: {  	_ =	shalt  }
0x7f: {  	_ =	shalt  }
0x80: {  	_ =	shalt  }
0x81: {  	_ =	shalt  }
0x82: {  	_ =	shalt  }
0x83: {  	_ =	shalt  }
0x84: {  	_ =	shalt  }
0x85: {  	_ =	shalt  }
0x86: {  	_ =	shalt  }
0x87: {  	_ =	shalt  }
.Lfunc_end0:
.L_simem_size_0:
called_computation_lowered:
.L_overlay_start_0:
0x88: {  	s2 =	sld [smem:$0x3FD9]  }
0x89: {  	s3 =	sld [smem:$0x3FFE];
	_ =	sdelay $0x1  }
0x8a: {  	s1 =	srdreg.scid  }
0x8b: {  	s0 =	sand.u32 $0x1, s1  }
0x8c: {  	s15 =	sshll.u32 s0, $0xA;
	s2 =	sadd.s32 s3, s2  }
0x8d: {  	s2 =	sadd.s32 s2, s15  }
0x8e: {  	[smem:$0x3FBB] =	sst s2  }
0x8f: {  	_ = 	snop  }
0x90: {  	s16 =	sld [smem:$0x3FD0];
	_ =	sdelay $0x2  }
0x91: {  	s4 =	simm.s32 $0xB;
	s5 =	simm.s32 $0x10;
	s2 =	sld [smem:$0x3FC6]  }
0x92: {  	[smem:s5], [sflag:s4] =	dma.local [hbm:s16], $0x1  }
0x93: {  	_ =	swait.eq [sflag:s4], $0x1  }
0x94: {  	[sflag:s4] =	ssyncset.done $0x0  }
0x95: {  	[sflag:s4] =	ssyncadd.s32 $0xFFFFFFFF  }
0x96: {  	s17 =	sld [smem:$0x10];
	(tm) =	ssettm $0x1  }
0x97: {  	s18 =	sld [smem:$0x3FFB];
	_ =	sdelay $0x3  }
0x98: {  	_ =	strace s18  }
0x99: {  	s3 =	sld [smem:$0x3FFC];
	_ =	sdelay $0x3  }
0x9a: {  	_ =	strace s3  }
0x9b: {  	s3 =	sld [smem:$0x3FFD];
	_ =	sdelay $0x3  }
0x9c: {  	_ =	strace s3  }
0x9d: {  	_ =	strace $0x8FFFFFFF  }
0x9e: {  	s19 =	sld [smem:$0x3FDB];
	_ =	sdelay $0x1  }
0x9f: {  	s20 =	simm.s32 $_scs_section_size  }
0xa0: {  	s6 =	simm.s32 $_size__tile_overlayer_lowered;
	s7 =	simm.s32 $_tile_overlayer_lowered  }
0xa1: {  	s8 =	simm.s32 $0x1BFF;
	s21 =	sshll.u32 s7, $0x1;
	s5 =	sadd.s32 s20, s19  }
0xa2: {  	s22 =	simm.s32 $0x0;
	s6 =	sshll.u32 s6, $0x1;
	s7 =	sadd.s32 s21, s5  }
0xa3: {  	[timem:s22], [sflag:s8] =	dma.local [hbm:s7], s6  }
0xa4: {  	_ =	swait.ge [sflag:s8], s6  }
0xa5: {  	s6 =	ssub.s32 $0x0, s6;
	[sflag:s8] =	ssyncset.done $0x0  }
0xa6: {  	[sflag:s8] =	ssyncadd.s32 s6;
	_ =	sdelay $0x1  }
0xa7: {  	s23 =	simm.s32 $0x1B8B  }
0xa8: {  	_ =	swait.ge [sflag:s23], $0x1  }
0xa9: {  	[sflag:s23] =	ssyncset.done $0x0  }
0xaa: {  	[sflag:s23] =	ssyncadd.s32 $0xFFFFFFFF  }
0xab: {  	s6 =	sld [smem:$0x0]  }
0xac: {  	s7 =	sand.u32 $0xFFFFFFFE, s1  }
0xad: {  	p0 =	sne.s32 s1, s7  }
0xae: {  	s7 =	sshll.u32 @p0 s7, $0xE  }
0xaf: {  	s7 =	sadd.s32 @p0 $0x11B8D, s7;
	s8 =	sshll.u32 @p0 s6, $0x11  }
0xb0: {  	s7 =	sor.u32 @p0 s8, s7  }
0xb1: {  	[sflag:s7] =	ssyncadd.remote.s32 @p0 $0x1;
	_ =	sdelay $0x1  }
0xb2: {  	s7 =	simm.s32 @p0 $0x1B8D  }
0xb3: {  	_ =	swait.eq @p0 [sflag:s7], $0x1  }
0xb4: {  	[sflag:s7] =	ssyncadd.s32 @p0 $0xFFFFFFFF  }
0xb5: {  	s8 =	sshll.u32 @!p0 s1, $0xE  }
0xb6: {  	s8 =	sor.u32 @!p0 $0x4000, s8;
	s7 =	simm.s32 @!p0 $0x1B8D  }
0xb7: {  	s6 =	sshll.u32 @!p0 s6, $0x11;
	s8 =	sadd.s32 @!p0 $0x11B8D, s8;
	_ =	swait.eq @!p0 [sflag:s7], $0x1  }
0xb8: {  	s6 =	sor.u32 @!p0 s6, s8;
	[sflag:s7] =	ssyncadd.s32 @!p0 $0xFFFFFFFF  }
0xb9: {  	s25 =	simm.s32 $0x1B8E;
	s24 =	sld [smem:$0x3FFE];
	[sflag:s6] =	ssyncadd.remote.s32 @!p0 $0x1  }
0xba: {  	s26 =	simm.s32 $execute0_lowered;
	[smem:$0x3FD2] =	sst s25  }
0xbb: {  	s7 =	sshll.u32 s26, $0x1;
	_ =	strace $0x80000049;
	[dreg:$0x1] =	wrdreg $0xFFFFFFFF  }
0xbc: {  	s28 =	simm.s32 $_size_execute0_lowered;
	s5 =	sadd.s32 s5, s7;
	[dreg:$0x0] =	wrdreg $0x0  }
0xbd: {  	s7 =	sshll.u32 s28, $0x1;
	[dreg:$0x2] =	wrdreg s5  }
0xbe: {  	[dreg:$0x3] =	wrdreg s7  }
0xbf: {  	[dreg:$0x4] =	wrdreg $0xC0  }
0xc0: {  	_ =	task [dreg:s22], $0x5FFFF  }
0xc1: {  	[dreg:$0x1] =	wrdreg $0xFFFFFFFF  }
0xc2: {  	[dreg:$0x0] =	wrdreg $0x60  }
0xc3: {  	[dreg:$0x2] =	wrdreg s17  }
0xc4: {  	[dreg:$0x3] =	wrdreg s2  }
0xc5: {  	[dreg:$0x4] =	wrdreg s24  }
0xc6: {  	[dreg:$0x5] =	wrdreg $0x9  }
0xc7: {  	_ =	task.clear_ibuf [dreg:s22], $0x6FFFF;
	_ =	strace $0x90000049  }
0xc8: {  	s29 =	simm.s32 $0x9;
	_ =	strace $0x8000004B  }
0xc9: {  	_ =	swait.ge [sflag:s29], $0x1  }
0xca: {  	[sflag:s29] =	ssyncadd.s32 $0xFFFFFFFF  }
0xcb: {  	_ =	strace $0x9000004B  }
0xcc: {  	_ =	sfence  }
0xcd: {  	s30 =	sld [smem:$0x0];
	_ =	sdelay $0x2  }
0xce: {  	s31 =	sshll.u32 s1, $0xD;
	s1 =	sshrl.u32 s1, $0x2  }
0xcf: {  	s4 =	sand.u32 $0x4000, s31;
	s1 =	sadd.s32 s1, s30  }
0xd0: {  	s0 =	sor.u32 s4, s0;
	s1 =	sshll.u32 s1, $0x11  }
0xd1: {  	s0 =	sor.u32 s1, s0  }
0xd2: {  	s0 =	sadd.s32 $0x8F2B, s0  }
0xd3: {  	[sflag:s0] =	ssyncadd.remote.s32 $0x1  }
0xd4: {  	_ =	sfence.sel $0xFFFF  }
0xd5: {  	[dreg:$0x0] =	wrdreg $0xFFFFFFFF;
	(pc) =	sbr.abs _section_cstart, $3  }
0xd6: {  	[dreg:$0x1] =	wrdreg $0xFFFFFFFF  }
0xd7: {  	_ =	task.clear_ibuf [dreg:s22], $0x2FFFF;
	_ =	strace $0x9FFFFFFF  }
0xd8: {  	(tm) =	ssettm $0x7FFFFFFF  }
0xd9: {  	_ =	shalt  }
tec
execute0_lowered:
.L_overlay_start_1:
0x0: {  	(tag) =	ssettag $0x1  }
0x1: {  	s4 =	rddreg [dreg:$0x0]  }
0x2: {  	s2 =	rddreg [dreg:$0x1]  }
0x3: {  	s5 =	rddreg [dreg:$0x2]  }
0x4: {  	s3 =	srdreg.scid;
	s1 =	stileid.u32  }
0x5: {  	s0 =	rddreg [dreg:$0x3];
	s11 =	simm.s32 $0x2980;
	s12 =	simm.s32 $0xAD80  }
0x6: {  	s13 =	simm.s32 $0x1;
	s14 =	simm.s32 $0x2;
	s15 =	simm.s32 $0x0  }
0x7: {  	s6 =	sand.u32 $0x1, s3;
	s7 =	sshll.u32 s1, $0x1;
	s3 =	simm.s32 $0x0  }
0x8: {  	s10 =	sadd.s32 $0x1B9400, s5;
	s30 =	smul.u32 $0x52800, s1;
	s7 =	sor.u32 s6, s7  }
0x9: {  	s8 =	ssub.s32 $0x2, s6;
	[smem:$0x7FF] =	sst s3;
	s7 =	smul.u32 $0x2940, s7  }
0xa: {  	s31 =	smul.u32 $0x29400, s6;
	s9 =	sshrl.u32 s8, $0x1;
	_ =	strace $0x8000004A  }
0xb: {  	s28 =	ssub.s32 s8, s9;
	s9 =	sadd.s32 s30, s10;
	s29 =	sshrl.u32 s7, $0x3  }
0xc: {  	s7 =	sshll.u32 s7, $0x4;
	s5 =	smax.u32 s28, $0x1;
	s8 =	sadd.s32 s31, s9  }
0xd: {  	s9 =	simm.s32 $0x3;
	s4 =	sadd.s32 s4, s29;
	s7 =	sadd.s32 s10, s7  }
0xe: {  	s10 =	simm.s32 $0x108;
	s6 =	sadd.s32 $0x27300, s7;
	s7 =	sadd.s32 $0x28380, s7  }
.LBB2_1:
0xf: {  	[tilespmem:s3], [sflag:$0x3] =	stream.linear.gather [hbm4b:s4+s3], $0x2940, $0x38;
	[tilespmem:$0x13180] =	vst v63  }
0x10: {  	_ =	swait.ge [sflag:s9], $0x2940  }
0x11: {  	[sflag:s9] =	ssyncset.done $0x0  }
0x12: {  	[sflag:s9] =	ssyncadd.s32 $0xFFFFD6C0  }
0x13: {  	[tilespmem:s11], [sflag:$0x1] =	stream.indirect.gather [hbm4b:s2+s10], $0x80, s3, s10, $0xb8;
	[tilespmem:$0x13180] =	vst v63  }
0x14: {  	_ = 	snop  }
0x15: {  	[tilespmem:s12], [sflag:$0x2] =	stream.indirect.gather [hbm4b:s2+s10], $0x80, s10, s10, $0xb8;
	[tilespmem:$0x13180] =	vst v63  }
0x16: {  	_ =	swait.ge [sflag:s13], $0x8400  }
0x17: {  	[sflag:s13] =	ssyncset.done $0x0  }
0x18: {  	s16 =	sadd.s32 $0x0, s8;
	[sflag:s13] =	ssyncadd.s32 $0xFFFF7C00  }
0x19: {  	[hbm4b:s16+s3] =	stream.linear.scatter [tilespmem:s11], [sflag:$0x3], $0x8400, $0x38;
	[tilespmem:$0x13180] =	vst v63  }
0x1a: {  	_ =	swait.ge [sflag:s9], $0x8400  }
0x1b: {  	[sflag:s9] =	ssyncset.done $0x0  }
0x1c: {  	s17 =	simm.s32 $0x210;
	[sflag:s9] =	ssyncadd.s32 $0xFFFF7C00  }
0x1d: {  	[tilespmem:s11], [sflag:$0x1] =	stream.indirect.gather [hbm4b:s2+s10], $0x80, s17, s10, $0xb8;
	[tilespmem:$0x13180] =	vst v63  }
0x1e: {  	_ =	swait.ge [sflag:s14], $0x8400  }
0x1f: {  	[sflag:s14] =	ssyncset.done $0x0  }
0x20: {  	s16 =	sadd.s32 $0x1080, s16;
	[sflag:s14] =	ssyncadd.s32 $0xFFFF7C00  }
0x21: {  	[hbm4b:s16+s3] =	stream.linear.scatter [tilespmem:s12], [sflag:$0x3], $0x8400, $0x38;
	[tilespmem:$0x13180] =	vst v63  }
0x22: {  	_ =	swait.ge [sflag:s9], $0x8400  }
0x23: {  	s18 =	simm.s32 $0x528;
	[sflag:s9] =	ssyncset.done $0x0  }
0x24: {  	s17 =	simm.s32 $0x2100;
	s16 =	simm.s32 $0x318;
	[sflag:s9] =	ssyncadd.s32 $0xFFFF7C00  }
.LBB2_2:
0x25: {  	[tilespmem:s12], [sflag:$0x2] =	stream.indirect.gather [hbm4b:s2+s10], $0x80, s16, s10, $0xb8;
	[tilespmem:$0x13180] =	vst v63  }
0x26: {  	s19 =	smov.u32 s17;
	s16 =	smov.u32 s18  }
0x27: {  	p0 =	sne.s32 s17, $0x25200;
	s17 =	sadd.s32 $0x2100, s17;
	_ =	swait.ge [sflag:s13], $0x8400  }
0x28: {  	[sflag:s13] =	ssyncset.done $0x0  }
0x29: {  	s19 =	sadd.s32 s19, s8;
	[sflag:s13] =	ssyncadd.s32 $0xFFFF7C00  }
0x2a: {  	[hbm4b:s19+s3] =	stream.linear.scatter [tilespmem:s11], [sflag:$0x3], $0x8400, $0x38;
	[tilespmem:$0x13180] =	vst v63  }
0x2b: {  	_ =	swait.ge [sflag:s9], $0x8400  }
0x2c: {  	[sflag:s9] =	ssyncset.done $0x0  }
0x2d: {  	s20 =	sadd.s32 $0xFFFFFEF8, s18;
	[sflag:s9] =	ssyncadd.s32 $0xFFFF7C00  }
0x2e: {  	[tilespmem:s11], [sflag:$0x1] =	stream.indirect.gather [hbm4b:s2+s10], $0x80, s20, s10, $0xb8;
	[tilespmem:$0x13180] =	vst v63  }
0x2f: {  	_ =	swait.ge [sflag:s14], $0x8400  }
0x30: {  	[sflag:s14] =	ssyncset.done $0x0  }
.Ltmp0:
0x31: {  	s19 =	sadd.s32 $0x1080, s19;
	[sflag:s14] =	ssyncadd.s32 $0xFFFF7C00;
	(pc) =	sbr.rel @p0 .LBB2_2-.Ltmp0, $4  }
0x32: {  	[hbm4b:s19+s3] =	stream.linear.scatter [tilespmem:s12], [sflag:$0x3], $0x8400, $0x38;
	[tilespmem:$0x13180] =	vst v63  }
0x33: {  	_ =	swait.ge [sflag:s9], $0x8400  }
0x34: {  	[sflag:s9] =	ssyncset.done $0x0  }
0x35: {  	s18 =	sadd.s32 $0x210, s18;
	[sflag:s9] =	ssyncadd.s32 $0xFFFF7C00  }
0x36: {  	[tilespmem:s12], [sflag:$0x2] =	stream.indirect.gather [hbm4b:s2+s10], $0x80, s16, s10, $0xb8;
	[tilespmem:$0x13180] =	vst v63  }
0x37: {  	_ =	swait.ge [sflag:s13], $0x8400  }
0x38: {  	[sflag:s13] =	ssyncset.done $0x0  }
0x39: {  	[sflag:s13] =	ssyncadd.s32 $0xFFFF7C00  }
0x3a: {  	[hbm4b:s6+s3] =	stream.linear.scatter [tilespmem:s11], [sflag:$0x3], $0x8400, $0x38;
	[tilespmem:$0x13180] =	vst v63  }
0x3b: {  	_ =	swait.ge [sflag:s9], $0x8400  }
0x3c: {  	[sflag:s9] =	ssyncset.done $0x0  }
0x3d: {  	[sflag:s9] =	ssyncadd.s32 $0xFFFF7C00  }
0x3e: {  	s15 =	sadd.s32 $0x1, s15;
	_ =	swait.ge [sflag:s14], $0x8400  }
0x3f: {  	p0 =	sne.s32 s15, s5;
	[sflag:s14] =	ssyncset.done $0x0  }
.Ltmp1:
0x40: {  	[sflag:s14] =	ssyncadd.s32 $0xFFFF7C00;
	(pc) =	sbr.rel @p0 .LBB2_1-.Ltmp1, $4  }
0x41: {  	[hbm4b:s7+s3] =	stream.linear.scatter [tilespmem:s12], [sflag:$0x3], $0x8400, $0x38;
	[tilespmem:$0x13180] =	vst v63  }
0x42: {  	_ =	swait.ge [sflag:s9], $0x8400  }
0x43: {  	[sflag:s9] =	ssyncset.done $0x0  }
0x44: {  	[sflag:s9] =	ssyncadd.s32 $0xFFFF7C00  }
0x45: {  	_ =	sfence.sel $0x180000  }
0x46: {  	[bflag:$0x0] =	sbarrier.arrive $0xFFFF  }
0x47: {  	p0 =	sne.s32 s1, $0x0;
	_ =	strace $0x9000004A  }
0x48: {  	s0 =	sadd.s32 @!p0 $0x100000, s0;
	[bflag:$0x2] =	sbarrier.arrive $0xFFFF  }
0x49: {  	[sflag:s0] =	ssyncadd.tile.s32 @!p0 $0x1;
	_ =	shalt  }
.Lfunc_end2:
_tile_overlayer_lowered:
.L_overlay_start_2:
0x4a: {  	(tag) =	ssettag $0x2  }
0x4b: {  	s0 =	rddreg [dreg:$0x0];
	s2 =	stileid.u32  }
0x4c: {  	s1 =	rddreg [dreg:$0x1];
	p0 =	sne.s32 s2, $0x0  }
0x4d: {  	s3 =	rddreg [dreg:$0x2];
	[bflag:$0x3] =	sbarrier.arrive $0xFFFF;
	s2 =	simm.s32 @!p0 $0x1C03  }
0x4e: {  	[timem:s3], [sflag:s2] =	dma.local @!p0 [hbm:s0], s1  }
0x4f: {  	s0 =	simm.s32 @!p0 $0x3  }
0x50: {  	_ =	swait.ge @!p0 [sflag:s0], s1  }
0x51: {  	s1 =	ssub.s32 @!p0 $0x0, s1;
	[sflag:s0] =	ssyncset.done @!p0 $0x0  }
0x52: {  	[sflag:s0] =	ssyncadd.s32 @!p0 s1  }
0x53: {  	[bflag:$0x3] =	sbarrier.arrive $0xFFFF  }
0x54: {  	_ =	shalt  }

// kernel: kernel.8.cloned.1.call-start
scs
__scs_entry_jumppad:
0x0: {  	(pc) =	sbr.rel $0x88, $3  }
0x1: {  	(tag) =	ssettag $0x0;
	lr =	simm.s32 $0x1  }
0x2: {  	[smem:$0x3F94] =	sst lr;
	_ =	strace $0xD0000000  }
0x3: {  	_ = 	snop  }
0x4: {  	_ = 	snop  }
0x5: {  	_ = 	snop  }
0x6: {  	_ = 	snop  }
0x7: {  	_ = 	snop  }
__scs_overlays_trampoline_lowered:
0x8: {  	[smem:$0x3FA3] =	sst s0  }
0x9: {  	[smem:$0x3FA4] =	sst s1  }
0xa: {  	[smem:$0x3FA5] =	sst s2  }
0xb: {  	[smem:$0x3FA6] =	sst s3  }
0xc: {  	[smem:$0x3FA7] =	sst s4  }
0xd: {  	[smem:$0x3FA8] =	sst s5  }
0xe: {  	[smem:$0x3FA9] =	sst s6  }
0xf: {  	[smem:$0x3FAA] =	sst s7  }
0x10: {  	[smem:$0x3FAB] =	sst s8  }
0x11: {  	[smem:$0x3FAC] =	sst s9;
	s0 =	simm.s32 @!p0 $0x0  }
0x12: {  	s1 =	sld [smem:$0x3F92];
	s0 =	simm.s32 @p0 $0x1  }
0x13: {  	[smem:$0x3FAD] =	sst s0;
	s0 =	simm.s32 @!p1 $0x0  }
0x14: {  	s2 =	sld [smem:$0x3F91];
	s0 =	simm.s32 @p1 $0x1  }
0x15: {  	[smem:$0x3FAE] =	sst s0;
	s0 =	simm.s32 @!p2 $0x0  }
0x16: {  	s3 =	sld [smem:$0x3FDB];
	s0 =	simm.s32 @p2 $0x1  }
0x17: {  	s4 =	simm.s32 $0x1BF5;
	[smem:$0x3FB0] =	sst s0  }
0x18: {  	s0 =	sld [smem:$0x3F93];
	_ =	swait.ge [sflag:s4], $0x0  }
0x19: {  	s7 =	sld [smem:$0x3F94]  }
0x1a: {  	s8 =	sadd.s32 $0xFFFFE003, lr  }
0x1b: {  	s9 =	sadd.s32 $0xFFFFFEF7, lr;
	s5 =	simm.s32 $0xFFFFFFFF;
	p2 =	slt.u32 s8, $0xFFFFF086  }
0x1c: {  	p1 =	slt.u32 s9, $0xF7A;
	s5 =	simm.s32 @!p2 $0x0  }
0x1d: {  	s5 =	simm.s32 @p1 $0x1;
	p0 =	seq.s32 s7, s2  }
0x1e: {  	s7 =	smul.u32 @!p0 $0xF7A, s2;
	p2 =	seq.s32 @!p0 s5, $0x0  }
0x1f: {  	s9 =	smul.u32 $0xF7A, s1;
	s8 =	simm.s32 @!p0 $0x1BF5;
	p2 =	por !p2, p0  }
0x20: {  	[sflag:s8] =	ssyncset.s32 @!p0 $0xFFFFF086;
	s6 =	sadd.s32 @!p0 s3, s7;
	s7 =	simm.s32 @!p0 $0x108  }
0x21: {  	s3 =	sadd.s32 s3, s9;
	s6 =	sadd.s32 @!p0 $0x88, s6;
	s7 =	simm.s32 @p2 $0x1082  }
0x22: {  	[simem:s7], [sflag:s8] =	dma.local @!p0 [hbm:s6], $0xF7A  }
0x23: {  	s9 =	sor.u32 $0xD0000000, s2;
	s6 =	simm.s32 $0x108;
	_ =	swait.ge @!p0 [sflag:s8], $0x0  }
0x24: {  	s3 =	sadd.s32 $0x88, s3;
	s6 =	simm.s32 @!p1 $0x1082;
	[sflag:s4] =	ssyncset.s32 $0xFFFFF086  }
0x25: {  	[simem:s6], [sflag:s4] =	dma.local [hbm:s3], $0xF7A  }
0x26: {  	[smem:$0x3F94] =	sst s1;
	(tag) =	ssettag s2;
	_ =	strace s9  }
0x27: {  	s1 =	sld [smem:$0x3FA4]  }
0x28: {  	s2 =	sld [smem:$0x3FA5]  }
0x29: {  	s4 =	sld [smem:$0x3FA7]  }
0x2a: {  	p0 =	seq.s32 s5, $0x0;
	s5 =	sld [smem:$0x3FA8]  }
0x2b: {  	s6 =	sld [smem:$0x3FA9]  }
0x2c: {  	s7 =	sld [smem:$0x3FAA]  }
0x2d: {  	s3 =	simm.s32 $0x108;
	s8 =	sld [smem:$0x3FAB]  }
0x2e: {  	s3 =	simm.s32 @!p0 $0x1082;
	s9 =	sld [smem:$0x3FAC]  }
0x2f: {  	lr =	sadd.s32 s0, s3;
	s0 =	sld [smem:$0x3FA3]  }
0x30: {  	s3 =	sld [smem:$0x3FA6]  }
0x31: {  	[smem:$0x3FAF] =	sst s10  }
0x32: {  	s10 =	sld [smem:$0x3FAD];
	_ =	sdelay $0x3  }
0x33: {  	p0 =	seq.s32 s10, $0x1;
	s10 =	sld [smem:$0x3FAF];
	_ =	sdelay $0x3  }
0x34: {  	[smem:$0x3FAF] =	sst s10  }
0x35: {  	s10 =	sld [smem:$0x3FAE];
	_ =	sdelay $0x3  }
0x36: {  	p1 =	seq.s32 s10, $0x1;
	s10 =	sld [smem:$0x3FAF];
	_ =	sdelay $0x3  }
0x37: {  	[smem:$0x3FAF] =	sst s10  }
0x38: {  	s10 =	sld [smem:$0x3FB0]  }
0x39: {  	_ = 	snop;
	(pc) =	sbr.ind lr, $3  }
0x3a: {  	_ = 	snop  }
0x3b: {  	_ = 	snop  }
0x3c: {  	p2 =	seq.s32 s10, $0x1;
	s10 =	sld [smem:$0x3FAF]  }
0x3d: {  	_ =	shalt  }
0x3e: {  	_ =	shalt  }
0x3f: {  	_ =	shalt  }
0x40: {  	_ =	shalt  }
0x41: {  	_ =	shalt  }
0x42: {  	_ =	shalt  }
0x43: {  	_ =	shalt  }
0x44: {  	_ =	shalt  }
0x45: {  	_ =	shalt  }
0x46: {  	_ =	shalt  }
0x47: {  	_ =	shalt  }
0x48: {  	_ =	shalt  }
0x49: {  	_ =	shalt  }
0x4a: {  	_ =	shalt  }
0x4b: {  	_ =	shalt  }
0x4c: {  	_ =	shalt  }
0x4d: {  	_ =	shalt  }
0x4e: {  	_ =	shalt  }
0x4f: {  	_ =	shalt  }
0x50: {  	_ =	shalt  }
0x51: {  	_ =	shalt  }
0x52: {  	_ =	shalt  }
0x53: {  	_ =	shalt  }
0x54: {  	_ =	shalt  }
0x55: {  	_ =	shalt  }
0x56: {  	_ =	shalt  }
0x57: {  	_ =	shalt  }
0x58: {  	_ =	shalt  }
0x59: {  	_ =	shalt  }
0x5a: {  	_ =	shalt  }
0x5b: {  	_ =	shalt  }
0x5c: {  	_ =	shalt  }
0x5d: {  	_ =	shalt  }
0x5e: {  	_ =	shalt  }
0x5f: {  	_ =	shalt  }
0x60: {  	_ =	shalt  }
0x61: {  	_ =	shalt  }
0x62: {  	_ =	shalt  }
0x63: {  	_ =	shalt  }
0x64: {  	_ =	shalt  }
0x65: {  	_ =	shalt  }
0x66: {  	_ =	shalt  }
0x67: {  	_ =	shalt  }
0x68: {  	_ =	shalt  }
0x69: {  	_ =	shalt  }
0x6a: {  	_ =	shalt  }
0x6b: {  	_ =	shalt  }
0x6c: {  	_ =	shalt  }
0x6d: {  	_ =	shalt  }
0x6e: {  	_ =	shalt  }
0x6f: {  	_ =	shalt  }
0x70: {  	_ =	shalt  }
0x71: {  	_ =	shalt  }
0x72: {  	_ =	shalt  }
0x73: {  	_ =	shalt  }
0x74: {  	_ =	shalt  }
0x75: {  	_ =	shalt  }
0x76: {  	_ =	shalt  }
0x77: {  	_ =	shalt  }
0x78: {  	_ =	shalt  }
0x79: {  	_ =	shalt  }
0x7a: {  	_ =	shalt  }
0x7b: {  	_ =	shalt  }
0x7c: {  	_ =	shalt  }
0x7d: {  	_ =	shalt  }
0x7e: {  	_ =	shalt  }
0x7f: {  	_ =	shalt  }
0x80: {  	_ =	shalt  }
0x81: {  	_ =	shalt  }
0x82: {  	_ =	shalt  }
0x83: {  	_ =	shalt  }
0x84: {  	_ =	shalt  }
0x85: {  	_ =	shalt  }
0x86: {  	_ =	shalt  }
0x87: {  	_ =	shalt  }
.Lfunc_end0:
.L_simem_size_0:
called_computation.1_lowered:
.L_overlay_start_0:
0x88: {  	s2 =	sld [smem:$0x3FD9]  }
0x89: {  	s3 =	sld [smem:$0x3FFE];
	_ =	sdelay $0x1  }
0x8a: {  	s1 =	srdreg.scid  }
0x8b: {  	s0 =	sand.u32 $0x1, s1  }
0x8c: {  	s14 =	sshll.u32 s0, $0xA;
	s2 =	sadd.s32 s3, s2  }
0x8d: {  	s2 =	sadd.s32 s2, s14  }
0x8e: {  	[smem:$0x3FBB] =	sst s2  }
0x8f: {  	_ = 	snop  }
0x90: {  	s2 =	sld [smem:$0x3FD0];
	_ =	sdelay $0x2  }
0x91: {  	s15 =	simm.s32 $0xB;
	s4 =	simm.s32 $0x10  }
0x92: {  	[smem:s4], [sflag:s15] =	dma.local [hbm:s2], $0x1  }
0x93: {  	_ =	swait.eq [sflag:s15], $0x1  }
0x94: {  	[sflag:s15] =	ssyncset.done $0x0  }
0x95: {  	[sflag:s15] =	ssyncadd.s32 $0xFFFFFFFF  }
0x96: {  	s16 =	sld [smem:$0x10];
	(tm) =	ssettm $0x1  }
0x97: {  	s17 =	sld [smem:$0x3FFB];
	_ =	sdelay $0x3  }
0x98: {  	_ =	strace s17  }
0x99: {  	s3 =	sld [smem:$0x3FFC];
	_ =	sdelay $0x3  }
0x9a: {  	_ =	strace s3  }
0x9b: {  	s3 =	sld [smem:$0x3FFD];
	_ =	sdelay $0x3  }
0x9c: {  	_ =	strace s3  }
0x9d: {  	_ =	strace $0x8FFFFFFF  }
0x9e: {  	s18 =	sld [smem:$0x3FDB];
	_ =	sdelay $0x1  }
0x9f: {  	s19 =	simm.s32 $_scs_section_size  }
0xa0: {  	s5 =	simm.s32 $_size__tile_overlayer_lowered;
	s6 =	simm.s32 $_tile_overlayer_lowered  }
0xa1: {  	s22 =	simm.s32 $0x1BFF;
	s21 =	sshll.u32 s6, $0x1;
	s3 =	sadd.s32 s19, s18  }
0xa2: {  	s7 =	simm.s32 $0x0;
	s20 =	sshll.u32 s5, $0x1;
	s5 =	sadd.s32 s21, s3  }
0xa3: {  	[timem:s7], [sflag:s22] =	dma.local [hbm:s5], s20  }
0xa4: {  	_ =	swait.ge [sflag:s22], s20  }
0xa5: {  	s4 =	ssub.s32 $0x0, s20;
	[sflag:s22] =	ssyncset.done $0x0  }
0xa6: {  	[sflag:s22] =	ssyncadd.s32 s4;
	_ =	sdelay $0x1  }
0xa7: {  	s23 =	simm.s32 $0x1B8B  }
0xa8: {  	_ =	swait.ge [sflag:s23], $0x1  }
0xa9: {  	[sflag:s23] =	ssyncset.done $0x0  }
0xaa: {  	s25 =	simm.s32 $0x1B8E;
	s24 =	sld [smem:$0x3FFE];
	[sflag:s23] =	ssyncadd.s32 $0xFFFFFFFF  }
0xab: {  	s26 =	simm.s32 $execute0_lowered;
	[smem:$0x3FD2] =	sst s25  }
0xac: {  	s5 =	sshll.u32 s26, $0x1;
	_ =	strace $0x80000046;
	[dreg:$0x1] =	wrdreg $0xFFFFFFFF  }
0xad: {  	s28 =	simm.s32 $_size_execute0_lowered;
	s3 =	sadd.s32 s3, s5;
	[dreg:$0x0] =	wrdreg $0x0  }
0xae: {  	s5 =	sshll.u32 s28, $0x1;
	[dreg:$0x2] =	wrdreg s3  }
0xaf: {  	[dreg:$0x3] =	wrdreg s5  }
0xb0: {  	[dreg:$0x4] =	wrdreg $0xC0  }
0xb1: {  	_ =	task [dreg:s7], $0x5FFFF  }
0xb2: {  	[dreg:$0x1] =	wrdreg $0xFFFFFFFF  }
0xb3: {  	[dreg:$0x0] =	wrdreg $0x60  }
0xb4: {  	[dreg:$0x2] =	wrdreg s16  }
0xb5: {  	[dreg:$0x3] =	wrdreg s24  }
0xb6: {  	[dreg:$0x4] =	wrdreg $0xA  }
0xb7: {  	_ =	task.clear_ibuf [dreg:s7], $0x5FFFF;
	_ =	strace $0x90000046  }
0xb8: {  	s29 =	simm.s32 $0xA;
	_ =	strace $0x80000048  }
0xb9: {  	_ =	swait.ge [sflag:s29], $0x1  }
0xba: {  	[sflag:s29] =	ssyncadd.s32 $0xFFFFFFFF  }
0xbb: {  	_ =	strace $0x90000048  }
0xbc: {  	_ =	sfence  }
0xbd: {  	s30 =	sld [smem:$0x0];
	_ =	sdelay $0x2  }
0xbe: {  	s31 =	sshll.u32 s1, $0xD;
	s1 =	sshrl.u32 s1, $0x2  }
0xbf: {  	s3 =	sand.u32 $0x4000, s31;
	s1 =	sadd.s32 s1, s30  }
0xc0: {  	s0 =	sor.u32 s3, s0;
	s1 =	sshll.u32 s1, $0x11  }
0xc1: {  	s0 =	sor.u32 s1, s0  }
0xc2: {  	s0 =	sadd.s32 $0x8F2B, s0  }
0xc3: {  	[sflag:s0] =	ssyncadd.remote.s32 $0x1  }
0xc4: {  	_ =	sfence.sel $0xFFFF  }
0xc5: {  	[dreg:$0x0] =	wrdreg $0xFFFFFFFF;
	(pc) =	sbr.abs _section_cstart, $3  }
0xc6: {  	[dreg:$0x1] =	wrdreg $0xFFFFFFFF  }
0xc7: {  	_ =	task.clear_ibuf [dreg:s7], $0x2FFFF;
	_ =	strace $0x9FFFFFFF  }
0xc8: {  	(tm) =	ssettm $0x7FFFFFFF  }
0xc9: {  	_ =	shalt  }
tec
execute0_lowered:
.L_overlay_start_1:
0x0: {  	(tag) =	ssettag $0x1  }
0x1: {  	s4 =	rddreg [dreg:$0x0]  }
0x2: {  	s5 =	rddreg [dreg:$0x1]  }
0x3: {  	s0 =	rddreg [dreg:$0x2];
	s2 =	simm.s32 $0x0;
	s3 =	srdreg.scid  }
0x4: {  	s1 =	stileid.u32;
	s13 =	simm.s32 $0x39C0;
	s14 =	simm.s32 $0x1  }
0x5: {  	s15 =	simm.s32 $0x2;
	s16 =	simm.s32 $0x0;
	[smem:$0x7FF] =	sst s2  }
0x6: {  	s7 =	sand.u32 $0x1, s3;
	s25 =	sshll.u32 s1, $0x1;
	s10 =	smul.u32 $0x5280, s1  }
0x7: {  	s3 =	sadd.s32 $0x188600, s5;
	s9 =	sadd.s32 $0x1C00, s5;
	s30 =	smul.u32 $0xA500, s1  }
0x8: {  	s6 =	sor.u32 s7, s25;
	s8 =	ssub.s32 $0x2, s7;
	s11 =	smul.u32 $0x2940, s7  }
0x9: {  	_ =	strace $0x80000047;
	s6 =	smul.u32 $0x2940, s6;
	s26 =	sshrl.u32 s8, $0x1  }
0xa: {  	s12 =	smul.u32 $0x5280, s7;
	s5 =	ssub.s32 s8, s26;
	s10 =	sadd.s32 s11, s10  }
0xb: {  	s11 =	simm.s32 $0x108;
	s28 =	sshrl.u32 s6, $0x3;
	s5 =	smax.u32 s5, $0x1  }
0xc: {  	s6 =	sshll.u32 s6, $0x1;
	s10 =	sshll.u32 s10, $0x1;
	s4 =	sadd.s32 s4, s28  }
0xd: {  	s29 =	sadd.s32 s9, s6;
	s31 =	sadd.s32 s9, s10;
	s9 =	sadd.s32 s30, s9  }
0xe: {  	s10 =	simm.s32 $0x3;
	s6 =	sadd.s32 $0x4E60, s29;
	s7 =	sadd.s32 $0x5070, s29  }
0xf: {  	s8 =	sadd.s32 $0x210, s31;
	s9 =	sadd.s32 s12, s9;
	s12 =	simm.s32 $0x2940  }
.LBB2_1:
0x10: {  	[tilespmem:s2], [sflag:$0x3] =	stream.linear.gather [hbm4b:s4+s2], $0x2940, $0x38;
	[tilespmem:$0x4A40] =	vst v63  }
0x11: {  	_ =	swait.ge [sflag:s10], $0x2940  }
0x12: {  	[sflag:s10] =	ssyncset.done $0x0  }
0x13: {  	[sflag:s10] =	ssyncadd.s32 $0xFFFFD6C0  }
0x14: {  	[tilespmem:s12], [sflag:$0x1] =	stream.indirect.gather [hbm4b:s3+s11], $0x10, s2, s11, $0xb8;
	[tilespmem:$0x4A40] =	vst v63  }
0x15: {  	_ = 	snop  }
0x16: {  	[tilespmem:s13], [sflag:$0x2] =	stream.indirect.gather [hbm4b:s3+s11], $0x10, s11, s11, $0xb8;
	[tilespmem:$0x4A40] =	vst v63  }
0x17: {  	_ =	swait.ge [sflag:s14], $0x1080  }
0x18: {  	[sflag:s14] =	ssyncset.done $0x0  }
0x19: {  	s17 =	sadd.s32 $0x0, s9;
	[sflag:s14] =	ssyncadd.s32 $0xFFFFEF80  }
0x1a: {  	[hbm4b:s17+s2] =	stream.linear.scatter [tilespmem:s12], [sflag:$0x3], $0x1080, $0x38;
	[tilespmem:$0x4A40] =	vst v63  }
0x1b: {  	_ =	swait.ge [sflag:s10], $0x1080  }
0x1c: {  	[sflag:s10] =	ssyncset.done $0x0  }
0x1d: {  	s30 =	simm.s32 $0x210;
	[sflag:s10] =	ssyncadd.s32 $0xFFFFEF80  }
0x1e: {  	[tilespmem:s12], [sflag:$0x1] =	stream.indirect.gather [hbm4b:s3+s11], $0x10, s30, s11, $0xb8;
	[tilespmem:$0x4A40] =	vst v63  }
0x1f: {  	_ =	swait.ge [sflag:s15], $0x1080  }
0x20: {  	[sflag:s15] =	ssyncset.done $0x0  }
0x21: {  	s31 =	sadd.s32 $0x0, s8;
	[sflag:s15] =	ssyncadd.s32 $0xFFFFEF80  }
0x22: {  	[hbm4b:s31+s2] =	stream.linear.scatter [tilespmem:s13], [sflag:$0x3], $0x1080, $0x38;
	[tilespmem:$0x4A40] =	vst v63  }
0x23: {  	_ =	swait.ge [sflag:s10], $0x1080  }
0x24: {  	s18 =	simm.s32 $0x420;
	[sflag:s10] =	ssyncset.done $0x0  }
0x25: {  	s19 =	simm.s32 $0x528;
	s17 =	simm.s32 $0x318;
	[sflag:s10] =	ssyncadd.s32 $0xFFFFEF80  }
.LBB2_2:
0x26: {  	[tilespmem:s13], [sflag:$0x2] =	stream.indirect.gather [hbm4b:s3+s11], $0x10, s17, s11, $0xb8;
	[tilespmem:$0x4A40] =	vst v63  }
0x27: {  	s20 =	smov.u32 s18;
	s17 =	smov.u32 s19  }
0x28: {  	p0 =	sne.s32 s18, $0x4A40;
	s18 =	sadd.s32 $0x420, s18;
	_ =	swait.ge [sflag:s14], $0x1080  }
0x29: {  	[sflag:s14] =	ssyncset.done $0x0  }
0x2a: {  	s21 =	sadd.s32 s20, s9;
	[sflag:s14] =	ssyncadd.s32 $0xFFFFEF80  }
0x2b: {  	[hbm4b:s21+s2] =	stream.linear.scatter [tilespmem:s12], [sflag:$0x3], $0x1080, $0x38;
	[tilespmem:$0x4A40] =	vst v63  }
0x2c: {  	_ =	swait.ge [sflag:s10], $0x1080  }
0x2d: {  	[sflag:s10] =	ssyncset.done $0x0  }
0x2e: {  	s21 =	sadd.s32 $0xFFFFFEF8, s19;
	[sflag:s10] =	ssyncadd.s32 $0xFFFFEF80  }
0x2f: {  	[tilespmem:s12], [sflag:$0x1] =	stream.indirect.gather [hbm4b:s3+s11], $0x10, s21, s11, $0xb8;
	[tilespmem:$0x4A40] =	vst v63  }
0x30: {  	_ =	swait.ge [sflag:s15], $0x1080  }
0x31: {  	[sflag:s15] =	ssyncset.done $0x0  }
.Ltmp0:
0x32: {  	s20 =	sadd.s32 s20, s8;
	[sflag:s15] =	ssyncadd.s32 $0xFFFFEF80;
	(pc) =	sbr.rel @p0 .LBB2_2-.Ltmp0, $4  }
0x33: {  	[hbm4b:s20+s2] =	stream.linear.scatter [tilespmem:s13], [sflag:$0x3], $0x1080, $0x38;
	[tilespmem:$0x4A40] =	vst v63  }
0x34: {  	_ =	swait.ge [sflag:s10], $0x1080  }
0x35: {  	[sflag:s10] =	ssyncset.done $0x0  }
0x36: {  	s19 =	sadd.s32 $0x210, s19;
	[sflag:s10] =	ssyncadd.s32 $0xFFFFEF80  }
0x37: {  	[tilespmem:s13], [sflag:$0x2] =	stream.indirect.gather [hbm4b:s3+s11], $0x10, s17, s11, $0xb8;
	[tilespmem:$0x4A40] =	vst v63  }
0x38: {  	_ =	swait.ge [sflag:s14], $0x1080  }
0x39: {  	[sflag:s14] =	ssyncset.done $0x0  }
0x3a: {  	[sflag:s14] =	ssyncadd.s32 $0xFFFFEF80  }
0x3b: {  	[hbm4b:s6+s2] =	stream.linear.scatter [tilespmem:s12], [sflag:$0x3], $0x1080, $0x38;
	[tilespmem:$0x4A40] =	vst v63  }
0x3c: {  	_ =	swait.ge [sflag:s10], $0x1080  }
0x3d: {  	[sflag:s10] =	ssyncset.done $0x0  }
0x3e: {  	[sflag:s10] =	ssyncadd.s32 $0xFFFFEF80  }
0x3f: {  	s16 =	sadd.s32 $0x1, s16;
	_ =	swait.ge [sflag:s15], $0x1080  }
0x40: {  	p0 =	sne.s32 s16, s5;
	[sflag:s15] =	ssyncset.done $0x0  }
.Ltmp1:
0x41: {  	[sflag:s15] =	ssyncadd.s32 $0xFFFFEF80;
	(pc) =	sbr.rel @p0 .LBB2_1-.Ltmp1, $4  }
0x42: {  	[hbm4b:s7+s2] =	stream.linear.scatter [tilespmem:s13], [sflag:$0x3], $0x1080, $0x38;
	[tilespmem:$0x4A40] =	vst v63  }
0x43: {  	_ =	swait.ge [sflag:s10], $0x1080  }
0x44: {  	[sflag:s10] =	ssyncset.done $0x0  }
0x45: {  	[sflag:s10] =	ssyncadd.s32 $0xFFFFEF80  }
0x46: {  	_ =	sfence.sel $0x180000  }
0x47: {  	[bflag:$0x0] =	sbarrier.arrive $0xFFFF  }
0x48: {  	p0 =	sne.s32 s1, $0x0;
	_ =	strace $0x90000047  }
0x49: {  	s0 =	sadd.s32 @!p0 $0x100000, s0;
	[bflag:$0x2] =	sbarrier.arrive $0xFFFF  }
0x4a: {  	[sflag:s0] =	ssyncadd.tile.s32 @!p0 $0x1;
	_ =	shalt  }
.Lfunc_end2:
_tile_overlayer_lowered:
.L_overlay_start_2:
0x4b: {  	(tag) =	ssettag $0x2  }
0x4c: {  	s0 =	rddreg [dreg:$0x0];
	s2 =	stileid.u32  }
0x4d: {  	s1 =	rddreg [dreg:$0x1];
	p0 =	sne.s32 s2, $0x0  }
0x4e: {  	s3 =	rddreg [dreg:$0x2];
	[bflag:$0x3] =	sbarrier.arrive $0xFFFF;
	s2 =	simm.s32 @!p0 $0x1C03  }
0x4f: {  	[timem:s3], [sflag:s2] =	dma.local @!p0 [hbm:s0], s1  }
0x50: {  	s0 =	simm.s32 @!p0 $0x3  }
0x51: {  	_ =	swait.ge @!p0 [sflag:s0], s1  }
0x52: {  	s1 =	ssub.s32 @!p0 $0x0, s1;
	[sflag:s0] =	ssyncset.done @!p0 $0x0  }
0x53: {  	[sflag:s0] =	ssyncadd.s32 @!p0 s1  }
0x54: {  	[bflag:$0x3] =	sbarrier.arrive $0xFFFF  }
0x55: {  	_ =	shalt  }

</sc_bundles>
